<compile_context>
chip_gen: v7x
topology: tpu7x:2x2x1
jax: 0.10.2.dev20260603
libtpu: 0.0.44.dev20260713+nightly
codegen_flags: <defaults>
</compile_context>

<pallas_src>
import functools

import jax
import jax.numpy as jnp
from jax import lax
from jax.experimental import pallas as pl
from jax.experimental.pallas import tpu as pltpu
from jax.experimental.pallas import tpu_sc as plsc

_NC = 2
_NS = 16
_NW = _NC * _NS



def _dense1_body(x_ref, w0_ref, t_ref, p1_ref, d1_ref):
    xb = x_ref[...]
    acc = jnp.dot(xb, w0_ref[...], preferred_element_type=jnp.float32)
    nt = xb[:, 0:1].astype(jnp.int32)
    acc = acc + jnp.where(nt == 0, t_ref[0:1, :], t_ref[1:2, :])
    p1_ref[...] = acc[:, :128]
    d1_ref[...] = acc[:, 128:]


def _dense2_body(n, npad, part1_ref, d1_ref, eapart_ref, w1b_ref, b1_ref,
                 wcat2_ref, w2bp_ref, b2p_ref, p2_ref, base2_ref):
    ea = eapart_ref[0:n] + eapart_ref[npad:npad + n]
    pre = (part1_ref[0:n] + part1_ref[npad:npad + n] + d1_ref[...]
           + jnp.dot(ea, w1b_ref[...], preferred_element_type=jnp.float32)
           + b1_ref[...])
    h1 = jnp.maximum(pre, 0.0)
    oc = (jnp.dot(h1, wcat2_ref[...], preferred_element_type=jnp.float32)
          + jnp.dot(ea, w2bp_ref[...], preferred_element_type=jnp.float32)
          + b2p_ref[...])
    p2_ref[...] = oc[:, :128]
    base2_ref[...] = oc[:, 128:]


def _combine_body(n, npad, part2_ref, base2_ref, out_ref):
    out_ref[...] = (part2_ref[0:n] + part2_ref[npad:npad + n]
                    + base2_ref[...])



def _split_sections(n_chunks):
    for sec in (25, 20, 10, 5):
        if n_chunks % sec == 0:
            return n_chunks // sec, sec
    return 1, n_chunks


def _make_sc_scatter(n_nodes_pad, n_edges, feat, group):
    epw = n_edges // _NW
    n_chunks = epw // group
    n_sec, sec = _split_sections(n_chunks)
    rpw = n_nodes_pad // _NS

    mesh = plsc.VectorSubcoreMesh(core_axis_name="c", subcore_axis_name="s")

    out_type = (jax.ShapeDtypeStruct((_NC * n_nodes_pad, feat), jnp.float32),)
    scratch = (
        pltpu.VMEM_SHARED((n_nodes_pad, feat), jnp.float32),
        pltpu.VMEM((sec, group), jnp.int32),
        pltpu.VMEM((sec, group), jnp.int32),
        pltpu.VMEM((group, feat), jnp.float32),
        pltpu.VMEM((group, feat), jnp.float32),
        pltpu.VMEM((group, feat), jnp.float32),
        pltpu.SemaphoreType.DMA,
        pltpu.SemaphoreType.DMA,
        pltpu.SemaphoreType.DMA,
    )

    def body(p_hbm, src_hbm, dst_hbm, zp_hbm, part_hbm, acc, src_v, dst_v,
             rows_a, rows_b, rows_c, sem_a, sem_b, sem_c):
        c = lax.axis_index("c")
        s = lax.axis_index("s")
        wid = c * _NS + s

        roff = s * rpw
        pltpu.sync_copy(zp_hbm.at[pl.ds(roff, rpw)], acc.at[pl.ds(roff, rpw)])

        plsc.subcore_barrier()

        @pl.loop(0, n_sec)
        def _section(sc_i):
            pltpu.sync_copy(src_hbm.at[wid, sc_i], src_v)
            pltpu.sync_copy(dst_hbm.at[wid, sc_i], dst_v)

            pltpu.async_copy(p_hbm.at[src_v.at[0]], rows_a, sem_a)
            pltpu.async_copy(p_hbm.at[src_v.at[1]], rows_b, sem_b)

            @pl.loop(0, sec - (sec % 3), step=3)
            def _chunk(j):
                pltpu.async_copy(p_hbm.at[src_v.at[j + 2]], rows_c, sem_c)
                pltpu.make_async_copy(p_hbm.at[src_v.at[j]],
                                      rows_a, sem_a).wait()
                pltpu.sync_copy(rows_a, acc.at[dst_v.at[j]], add=True)

                @pl.when(j + 3 < sec)
                def _():
                    pltpu.async_copy(p_hbm.at[src_v.at[j + 3]], rows_a, sem_a)

                pltpu.make_async_copy(p_hbm.at[src_v.at[j + 1]],
                                      rows_b, sem_b).wait()
                pltpu.sync_copy(rows_b, acc.at[dst_v.at[j + 1]], add=True)

                @pl.when(j + 4 < sec)
                def _():
                    pltpu.async_copy(p_hbm.at[src_v.at[j + 4]], rows_b, sem_b)

                pltpu.make_async_copy(p_hbm.at[src_v.at[j + 2]],
                                      rows_c, sem_c).wait()
                pltpu.sync_copy(rows_c, acc.at[dst_v.at[j + 2]], add=True)

            if sec % 3 == 1:
                pltpu.make_async_copy(p_hbm.at[src_v.at[sec - 1]],
                                      rows_a, sem_a).wait()
                pltpu.sync_copy(rows_a, acc.at[dst_v.at[sec - 1]], add=True)
            elif sec % 3 == 2:
                pltpu.make_async_copy(p_hbm.at[src_v.at[sec - 2]],
                                      rows_a, sem_a).wait()
                pltpu.sync_copy(rows_a, acc.at[dst_v.at[sec - 2]], add=True)
                pltpu.make_async_copy(p_hbm.at[src_v.at[sec - 1]],
                                      rows_b, sem_b).wait()
                pltpu.sync_copy(rows_b, acc.at[dst_v.at[sec - 1]], add=True)

        plsc.subcore_barrier()

        pltpu.sync_copy(acc.at[pl.ds(roff, rpw)],
                        part_hbm.at[pl.ds(c * n_nodes_pad + roff, rpw)])

    return pl.kernel(body, out_type=out_type, mesh=mesh,
                     scratch_types=scratch)


def _make_sc_ea(n_nodes_pad, n_edges, ea_dim, feat, group):
    epw = n_edges // _NW
    n_chunks = epw // group
    n_sec, sec = _split_sections(n_chunks)
    rpw = n_nodes_pad // _NS

    mesh = plsc.VectorSubcoreMesh(core_axis_name="c", subcore_axis_name="s")

    out_type = (jax.ShapeDtypeStruct((_NC * n_nodes_pad, feat), jnp.float32),)
    scratch = (
        pltpu.VMEM_SHARED((n_nodes_pad, feat), jnp.float32),
        pltpu.VMEM((sec, group), jnp.int32),
        pltpu.VMEM((group, ea_dim), jnp.float32),
        pltpu.VMEM((group, feat), jnp.float32),
        pltpu.VMEM((group, feat), jnp.float32),
        pltpu.SemaphoreType.DMA,
        pltpu.SemaphoreType.DMA,
    )

    def body(ea_hbm, dst_hbm, zp_hbm, eapart_hbm, acc, dst_v, ea_v,
             wide_a, wide_b, sem_a, sem_b):
        c = lax.axis_index("c")
        s = lax.axis_index("s")
        wid = c * _NS + s
        ebase = wid * epw

        @pl.loop(0, group)
        def _zero(k):
            for g in range(feat // 16):
                z = jnp.zeros((16,), jnp.float32)
                wide_a[k, pl.ds(g * 16, 16)] = z
                wide_b[k, pl.ds(g * 16, 16)] = z

        roff = s * rpw
        pltpu.sync_copy(zp_hbm.at[pl.ds(roff, rpw)], acc.at[pl.ds(roff, rpw)])

        plsc.subcore_barrier()

        def load_widen(off, j, wide):
            pltpu.sync_copy(ea_hbm.at[pl.ds(off + j * group, group)], ea_v)

            @pl.loop(0, group)
            def _widen(k):
                wide[k, pl.ds(0, ea_dim)] = ea_v[k]

        @pl.loop(0, n_sec)
        def _section(sc_i):
            pltpu.sync_copy(dst_hbm.at[wid, sc_i], dst_v)
            soff = ebase + sc_i * (sec * group)

            load_widen(soff, 0, wide_a)

            @pl.loop(0, sec - 1, step=2)
            def _chunk(j):
                pltpu.async_copy(wide_a, acc.at[dst_v.at[j]], sem_a, add=True)
                load_widen(soff, j + 1, wide_b)
                pltpu.make_async_copy(wide_a, acc.at[dst_v.at[j]],
                                      sem_a).wait()
                pltpu.async_copy(wide_b, acc.at[dst_v.at[j + 1]], sem_b,
                                 add=True)

                @pl.when(j + 2 < sec)
                def _():
                    load_widen(soff, j + 2, wide_a)

                pltpu.make_async_copy(wide_b, acc.at[dst_v.at[j + 1]],
                                      sem_b).wait()

            if sec % 2 == 1:
                pltpu.sync_copy(wide_a, acc.at[dst_v.at[sec - 1]], add=True)

        plsc.subcore_barrier()

        pltpu.sync_copy(acc.at[pl.ds(roff, rpw)],
                        eapart_hbm.at[pl.ds(c * n_nodes_pad + roff, rpw)])

    return pl.kernel(body, out_type=out_type, mesh=mesh,
                     scratch_types=scratch)



def kernel(x, edge_attr, edge_index, entity_embed, Wl1, Wr1, b1, Wl2, Wr2, b2):
    N, NODE_DIM = x.shape
    E, EA_DIM = edge_attr.shape
    HID = Wr1.shape[1]
    OUT = Wr2.shape[1]
    IN1 = Wr1.shape[0]
    NF = NODE_DIM - 1

    group = 80
    n_chunks = (E // _NW) // group

    Wcat1 = jnp.concatenate([Wl1[:IN1], Wr1], axis=1)
    W0 = jnp.concatenate([jnp.zeros((1, HID + HID), x.dtype),
                          Wcat1[:NF]], axis=0)
    T = entity_embed @ Wcat1[NF:NF + 2]
    W1b = jnp.concatenate([Wl1[IN1:],
                           jnp.zeros((HID - EA_DIM, HID), x.dtype)], axis=0)
    b1r = b1.reshape(1, HID)
    Wcat2 = jnp.concatenate([Wl2[:HID], Wr2], axis=1)
    W2bp = jnp.concatenate([
        jnp.concatenate([jnp.zeros((EA_DIM, HID), x.dtype), Wl2[HID:]], axis=1),
        jnp.zeros((HID - EA_DIM, HID + OUT), x.dtype)], axis=0)
    b2p = jnp.concatenate([jnp.zeros((HID,), x.dtype), b2]).reshape(1, -1)

    n_sec, sec = _split_sections(n_chunks)
    src3 = edge_index[0].astype(jnp.int32).reshape(_NW, n_sec, sec, group)
    dst3 = edge_index[1].astype(jnp.int32).reshape(_NW, n_sec, sec, group)
    NPAD = ((N + 8 * _NS - 1) // (8 * _NS)) * (8 * _NS)
    zp = jnp.zeros((NPAD, HID), jnp.float32)

    p1, d1 = pl.pallas_call(
        _dense1_body,
        out_shape=(jax.ShapeDtypeStruct((N, HID), jnp.float32),
                   jax.ShapeDtypeStruct((N, HID), jnp.float32)),
    )(x, W0, T)

    sc1 = _make_sc_scatter(NPAD, E, HID, group)
    (part1,) = sc1(p1, src3, dst3, zp)

    ea_tied = lax.optimization_barrier((edge_attr, part1))[0]
    sc_ea = _make_sc_ea(NPAD, E, EA_DIM, HID, group)
    (eapart,) = sc_ea(ea_tied, dst3, zp)

    p2, base2 = pl.pallas_call(
        functools.partial(_dense2_body, N, NPAD),
        out_shape=(jax.ShapeDtypeStruct((N, HID), jnp.float32),
                   jax.ShapeDtypeStruct((N, OUT), jnp.float32)),
    )(part1, d1, eapart, W1b, b1r, Wcat2, W2bp, b2p)

    sc2 = _make_sc_scatter(NPAD, E, HID, group)
    (part2,) = sc2(p2, src3, dst3, zp)

    out = pl.pallas_call(
        functools.partial(_combine_body, N, NPAD),
        out_shape=jax.ShapeDtypeStruct((N, OUT), jnp.float32),
    )(part2, base2)
    return out

# --- scband reference (transcript-rebuilt; emitter-appended) ---
"""Pipeline reference for scband-gnnbase-6485400617814 (READ-ONLY COPY).

The authoritative reference and input builder live on the scoring server;
editing this copy changes nothing except your own understanding.
"""

import jax, jax.numpy as jnp
import numpy as np

N = 10000
E = 320000
NODE_DIM = 128
EDGE_DIM = 16
HIDDEN = 128
OUT = 128
TYPE_EMBED = 2
N_TYPES = 2


def setup_inputs(seed: int = 0) -> dict:
    key = jax.random.key(seed)
    ks = jax.random.split(key, 12)
    x = jax.random.uniform(ks[0], (N, NODE_DIM), dtype=jnp.float32)
    edge_attr = jax.random.normal(ks[1], (E, EDGE_DIM), dtype=jnp.float32)
    edge_index = jax.random.randint(ks[2], (2, E), 0, N)
    entity_embed = jax.random.normal(ks[3], (N_TYPES, TYPE_EMBED), dtype=jnp.float32)
    # SAGE layer 1: node in = (NODE_DIM - 1) + TYPE_EMBED + EDGE_DIM = 145; msg in = 145 + EDGE_DIM = 161
    in1 = NODE_DIM - 1 + TYPE_EMBED + EDGE_DIM
    Wl1 = jax.random.normal(ks[4], (in1 + EDGE_DIM, HIDDEN), dtype=jnp.float32) / np.sqrt(in1 + EDGE_DIM)
    Wr1 = jax.random.normal(ks[5], (in1, HIDDEN), dtype=jnp.float32) / np.sqrt(in1)
    b1 = jnp.zeros((HIDDEN,), dtype=jnp.float32)
    Wl2 = jax.random.normal(ks[6], (HIDDEN + EDGE_DIM, OUT), dtype=jnp.float32) / np.sqrt(HIDDEN + EDGE_DIM)
    Wr2 = jax.random.normal(ks[7], (HIDDEN, OUT), dtype=jnp.float32) / np.sqrt(HIDDEN)
    b2 = jnp.zeros((OUT,), dtype=jnp.float32)
    return {"x": x, "edge_attr": edge_attr, "edge_index": edge_index,
            "entity_embed": entity_embed, "Wl1": Wl1, "Wr1": Wr1, "b1": b1,
            "Wl2": Wl2, "Wr2": Wr2, "b2": b2}


def reference(x, edge_attr, edge_index, entity_embed, Wl1, Wr1, b1, Wl2, Wr2, b2):
    # GNNBase.forward: split off node-type column (node_type_idx=0)
    node_feat = x[:, 1:]
    node_type = x[:, 0].astype(jnp.int32)
    node_type_embed = entity_embed[node_type]
    edge_pad = jnp.zeros((node_feat.shape[0], edge_attr.shape[1]), dtype=x.dtype)
    info = jnp.concatenate([node_feat, node_type_embed, edge_pad], axis=1)

    src = edge_index[0]
    dst = edge_index[1]

    def sage_conv(h, Wl, Wr, b):
        # message: concat(source node feature, edge attribute); aggr='add'
        msg = jnp.concatenate([h[src], edge_attr], axis=1)
        agg = jax.ops.segment_sum(msg, dst, num_segments=h.shape[0])
        return agg @ Wl + h @ Wr + b

    h = jax.nn.relu(sage_conv(info, Wl1, Wr1, b1))
    h = sage_conv(h, Wl2, Wr2, b2)
    return h

if __name__ == "__main__":
    import jax
    _d = setup_inputs()
    print(jax.jit(kernel)(*tuple(_d.values())))

</pallas_src>

<mosaic_0001>
#map = affine_map<(d0, d1) -> (0, 0)>
#map1 = affine_map<(d0, d1) -> (0, 0, 0, 0)>
module attributes {stable_mosaic.version = 14 : i64} {
  func.func @body(%arg0: i32, %arg1: i32, %arg2: memref<320000x16xf32, #tpu.memory_space<hbm>>, %arg3: memref<32x5x25x80xi32, #tpu.memory_space<hbm>>, %arg4: memref<10112x128xf32, #tpu.memory_space<hbm>>, %arg5: memref<20224x128xf32, #tpu.memory_space<hbm>>, %arg6: memref<10112x128xf32, #tpu.memory_space<vmem_shared>>, %arg7: memref<25x80xi32, #tpu.memory_space<vmem>>, %arg8: memref<80x16xf32, #tpu.memory_space<vmem>>, %arg9: memref<80x128xf32, #tpu.memory_space<vmem>>, %arg10: memref<80x128xf32, #tpu.memory_space<vmem>>, %arg11: memref<!tpu.dma_semaphore, #tpu.memory_space<semaphore_mem>>, %arg12: memref<!tpu.dma_semaphore, #tpu.memory_space<semaphore_mem>>) attributes {dimension_semantics = [#tpu.dimension_semantics<core_parallel>, #tpu.dimension_semantics<subcore_parallel>], iteration_bounds = array<i64: 2, 16>, scalar_prefetch = 0 : i64, scratch_operands = 7 : i64, tpu.core_type = #tpu.core_type<sc_vector_subcore>, window_params = [{transform_indices = #map}, {transform_indices = #map1}, {transform_indices = #map}, {transform_indices = #map}]} {
    %mul3A = arith.constant 16 : i32
    %mul3A_0 = arith.muli %arg0, %mul3A : i32
    %add3A = arith.addi %mul3A_0, %arg1 : i32
    %mul3A_1 = arith.constant 10000 : i32
    %mul3A_2 = arith.muli %add3A, %mul3A_1 : i32
    %scan3A = arith.constant 0 : i32
    %scan3A_3 = arith.constant 80 : i32
    %scan3A_4 = arith.addi %scan3A, %scan3A_3 : i32
    %scan3A_5 = arith.constant 1 : i32
    scf.for %scan3A_18 = %scan3A to %scan3A_4 step %scan3A_5  : i32 {
      %mul3A_19 = arith.constant 1 : i32
      %mul3A_20 = arith.muli %scan3A_18, %mul3A_19 : i32
      %add3A_21 = arith.constant 0 : i32
      %add3A_22 = arith.addi %add3A_21, %mul3A_20 : i32
      %broadcast_in_dim3A = arith.constant 0.000000e+00 : f32
      %broadcast_in_dim3A_23 = vector.broadcast %broadcast_in_dim3A : f32 to vector<16xf32>
      %swap3A = arith.index_cast %add3A_22 : i32 to index
      %swap3A_24 = arith.constant 0 : index
      %swap3A_25 = tpu.vector_load %arg9[%swap3A, %swap3A_24] {strides = array<i32>} : memref<80x128xf32, #tpu.memory_space<vmem>>, vector<1x16xf32>,
      %swap3A_26 = vector.shape_cast %swap3A_25 : vector<1x16xf32> to vector<16xf32>
      %swap3A_27 = vector.shape_cast %broadcast_in_dim3A_23 : vector<16xf32> to vector<1x16xf32>
      tpu.vector_store %arg9[%swap3A, %swap3A_24], %swap3A_27 {strides = array<i32>} : memref<80x128xf32, #tpu.memory_space<vmem>>, vector<1x16xf32>,
      %swap3A_28 = arith.index_cast %add3A_22 : i32 to index
      %swap3A_29 = arith.constant 0 : index
      %swap3A_30 = tpu.vector_load %arg10[%swap3A_28, %swap3A_29] {strides = array<i32>} : memref<80x128xf32, #tpu.memory_space<vmem>>, vector<1x16xf32>,
      %swap3A_31 = vector.shape_cast %swap3A_30 : vector<1x16xf32> to vector<16xf32>
      %swap3A_32 = vector.shape_cast %broadcast_in_dim3A_23 : vector<16xf32> to vector<1x16xf32>
      tpu.vector_store %arg10[%swap3A_28, %swap3A_29], %swap3A_32 {strides = array<i32>} : memref<80x128xf32, #tpu.memory_space<vmem>>, vector<1x16xf32>,
      %broadcast_in_dim3A_33 = arith.constant 0.000000e+00 : f32
      %broadcast_in_dim3A_34 = vector.broadcast %broadcast_in_dim3A_33 : f32 to vector<16xf32>
      %swap3A_35 = arith.index_cast %add3A_22 : i32 to index
      %swap3A_36 = arith.constant 16 : index
      %swap3A_37 = tpu.vector_load %arg9[%swap3A_35, %swap3A_36] {strides = array<i32>} : memref<80x128xf32, #tpu.memory_space<vmem>>, vector<1x16xf32>,
      %swap3A_38 = vector.shape_cast %swap3A_37 : vector<1x16xf32> to vector<16xf32>
      %swap3A_39 = vector.shape_cast %broadcast_in_dim3A_34 : vector<16xf32> to vector<1x16xf32>
      tpu.vector_store %arg9[%swap3A_35, %swap3A_36], %swap3A_39 {strides = array<i32>} : memref<80x128xf32, #tpu.memory_space<vmem>>, vector<1x16xf32>,
      %swap3A_40 = arith.index_cast %add3A_22 : i32 to index
      %swap3A_41 = arith.constant 16 : index
      %swap3A_42 = tpu.vector_load %arg10[%swap3A_40, %swap3A_41] {strides = array<i32>} : memref<80x128xf32, #tpu.memory_space<vmem>>, vector<1x16xf32>,
      %swap3A_43 = vector.shape_cast %swap3A_42 : vector<1x16xf32> to vector<16xf32>
      %swap3A_44 = vector.shape_cast %broadcast_in_dim3A_34 : vector<16xf32> to vector<1x16xf32>
      tpu.vector_store %arg10[%swap3A_40, %swap3A_41], %swap3A_44 {strides = array<i32>} : memref<80x128xf32, #tpu.memory_space<vmem>>, vector<1x16xf32>,
      %broadcast_in_dim3A_45 = arith.constant 0.000000e+00 : f32
      %broadcast_in_dim3A_46 = vector.broadcast %broadcast_in_dim3A_45 : f32 to vector<16xf32>
      %swap3A_47 = arith.index_cast %add3A_22 : i32 to index
      %swap3A_48 = arith.constant 32 : index
      %swap3A_49 = tpu.vector_load %arg9[%swap3A_47, %swap3A_48] {strides = array<i32>} : memref<80x128xf32, #tpu.memory_space<vmem>>, vector<1x16xf32>,
      %swap3A_50 = vector.shape_cast %swap3A_49 : vector<1x16xf32> to vector<16xf32>
      %swap3A_51 = vector.shape_cast %broadcast_in_dim3A_46 : vector<16xf32> to vector<1x16xf32>
      tpu.vector_store %arg9[%swap3A_47, %swap3A_48], %swap3A_51 {strides = array<i32>} : memref<80x128xf32, #tpu.memory_space<vmem>>, vector<1x16xf32>,
      %swap3A_52 = arith.index_cast %add3A_22 : i32 to index
      %swap3A_53 = arith.constant 32 : index
      %swap3A_54 = tpu.vector_load %arg10[%swap3A_52, %swap3A_53] {strides = array<i32>} : memref<80x128xf32, #tpu.memory_space<vmem>>, vector<1x16xf32>,
      %swap3A_55 = vector.shape_cast %swap3A_54 : vector<1x16xf32> to vector<16xf32>
      %swap3A_56 = vector.shape_cast %broadcast_in_dim3A_46 : vector<16xf32> to vector<1x16xf32>
      tpu.vector_store %arg10[%swap3A_52, %swap3A_53], %swap3A_56 {strides = array<i32>} : memref<80x128xf32, #tpu.memory_space<vmem>>, vector<1x16xf32>,
      %broadcast_in_dim3A_57 = arith.constant 0.000000e+00 : f32
      %broadcast_in_dim3A_58 = vector.broadcast %broadcast_in_dim3A_57 : f32 to vector<16xf32>
      %swap3A_59 = arith.index_cast %add3A_22 : i32 to index
      %swap3A_60 = arith.constant 48 : index
      %swap3A_61 = tpu.vector_load %arg9[%swap3A_59, %swap3A_60] {strides = array<i32>} : memref<80x128xf32, #tpu.memory_space<vmem>>, vector<1x16xf32>,
      %swap3A_62 = vector.shape_cast %swap3A_61 : vector<1x16xf32> to vector<16xf32>
      %swap3A_63 = vector.shape_cast %broadcast_in_dim3A_58 : vector<16xf32> to vector<1x16xf32>
      tpu.vector_store %arg9[%swap3A_59, %swap3A_60], %swap3A_63 {strides = array<i32>} : memref<80x128xf32, #tpu.memory_space<vmem>>, vector<1x16xf32>,
      %swap3A_64 = arith.index_cast %add3A_22 : i32 to index
      %swap3A_65 = arith.constant 48 : index
      %swap3A_66 = tpu.vector_load %arg10[%swap3A_64, %swap3A_65] {strides = array<i32>} : memref<80x128xf32, #tpu.memory_space<vmem>>, vector<1x16xf32>,
      %swap3A_67 = vector.shape_cast %swap3A_66 : vector<1x16xf32> to vector<16xf32>
      %swap3A_68 = vector.shape_cast %broadcast_in_dim3A_58 : vector<16xf32> to vector<1x16xf32>
      tpu.vector_store %arg10[%swap3A_64, %swap3A_65], %swap3A_68 {strides = array<i32>} : memref<80x128xf32, #tpu.memory_space<vmem>>, vector<1x16xf32>,
      %broadcast_in_dim3A_69 = arith.constant 0.000000e+00 : f32
      %broadcast_in_dim3A_70 = vector.broadcast %broadcast_in_dim3A_69 : f32 to vector<16xf32>
      %swap3A_71 = arith.index_cast %add3A_22 : i32 to index
      %swap3A_72 = arith.constant 64 : index
      %swap3A_73 = tpu.vector_load %arg9[%swap3A_71, %swap3A_72] {strides = array<i32>} : memref<80x128xf32, #tpu.memory_space<vmem>>, vector<1x16xf32>,
      %swap3A_74 = vector.shape_cast %swap3A_73 : vector<1x16xf32> to vector<16xf32>
      %swap3A_75 = vector.shape_cast %broadcast_in_dim3A_70 : vector<16xf32> to vector<1x16xf32>
      tpu.vector_store %arg9[%swap3A_71, %swap3A_72], %swap3A_75 {strides = array<i32>} : memref<80x128xf32, #tpu.memory_space<vmem>>, vector<1x16xf32>,
      %swap3A_76 = arith.index_cast %add3A_22 : i32 to index
      %swap3A_77 = arith.constant 64 : index
      %swap3A_78 = tpu.vector_load %arg10[%swap3A_76, %swap3A_77] {strides = array<i32>} : memref<80x128xf32, #tpu.memory_space<vmem>>, vector<1x16xf32>,
      %swap3A_79 = vector.shape_cast %swap3A_78 : vector<1x16xf32> to vector<16xf32>
      %swap3A_80 = vector.shape_cast %broadcast_in_dim3A_70 : vector<16xf32> to vector<1x16xf32>
      tpu.vector_store %arg10[%swap3A_76, %swap3A_77], %swap3A_80 {strides = array<i32>} : memref<80x128xf32, #tpu.memory_space<vmem>>, vector<1x16xf32>,
      %broadcast_in_dim3A_81 = arith.constant 0.000000e+00 : f32
      %broadcast_in_dim3A_82 = vector.broadcast %broadcast_in_dim3A_81 : f32 to vector<16xf32>
      %swap3A_83 = arith.index_cast %add3A_22 : i32 to index
      %swap3A_84 = arith.constant 80 : index
      %swap3A_85 = tpu.vector_load %arg9[%swap3A_83, %swap3A_84] {strides = array<i32>} : memref<80x128xf32, #tpu.memory_space<vmem>>, vector<1x16xf32>,
      %swap3A_86 = vector.shape_cast %swap3A_85 : vector<1x16xf32> to vector<16xf32>
      %swap3A_87 = vector.shape_cast %broadcast_in_dim3A_82 : vector<16xf32> to vector<1x16xf32>
      tpu.vector_store %arg9[%swap3A_83, %swap3A_84], %swap3A_87 {strides = array<i32>} : memref<80x128xf32, #tpu.memory_space<vmem>>, vector<1x16xf32>,
      %swap3A_88 = arith.index_cast %add3A_22 : i32 to index
      %swap3A_89 = arith.constant 80 : index
      %swap3A_90 = tpu.vector_load %arg10[%swap3A_88, %swap3A_89] {strides = array<i32>} : memref<80x128xf32, #tpu.memory_space<vmem>>, vector<1x16xf32>,
      %swap3A_91 = vector.shape_cast %swap3A_90 : vector<1x16xf32> to vector<16xf32>
      %swap3A_92 = vector.shape_cast %broadcast_in_dim3A_82 : vector<16xf32> to vector<1x16xf32>
      tpu.vector_store %arg10[%swap3A_88, %swap3A_89], %swap3A_92 {strides = array<i32>} : memref<80x128xf32, #tpu.memory_space<vmem>>, vector<1x16xf32>,
      %broadcast_in_dim3A_93 = arith.constant 0.000000e+00 : f32
      %broadcast_in_dim3A_94 = vector.broadcast %broadcast_in_dim3A_93 : f32 to vector<16xf32>
      %swap3A_95 = arith.index_cast %add3A_22 : i32 to index
      %swap3A_96 = arith.constant 96 : index
      %swap3A_97 = tpu.vector_load %arg9[%swap3A_95, %swap3A_96] {strides = array<i32>} : memref<80x128xf32, #tpu.memory_space<vmem>>, vector<1x16xf32>,
      %swap3A_98 = vector.shape_cast %swap3A_97 : vector<1x16xf32> to vector<16xf32>
      %swap3A_99 = vector.shape_cast %broadcast_in_dim3A_94 : vector<16xf32> to vector<1x16xf32>
      tpu.vector_store %arg9[%swap3A_95, %swap3A_96], %swap3A_99 {strides = array<i32>} : memref<80x128xf32, #tpu.memory_space<vmem>>, vector<1x16xf32>,
      %swap3A_100 = arith.index_cast %add3A_22 : i32 to index
      %swap3A_101 = arith.constant 96 : index
      %swap3A_102 = tpu.vector_load %arg10[%swap3A_100, %swap3A_101] {strides = array<i32>} : memref<80x128xf32, #tpu.memory_space<vmem>>, vector<1x16xf32>,
      %swap3A_103 = vector.shape_cast %swap3A_102 : vector<1x16xf32> to vector<16xf32>
      %swap3A_104 = vector.shape_cast %broadcast_in_dim3A_94 : vector<16xf32> to vector<1x16xf32>
      tpu.vector_store %arg10[%swap3A_100, %swap3A_101], %swap3A_104 {strides = array<i32>} : memref<80x128xf32, #tpu.memory_space<vmem>>, vector<1x16xf32>,
      %broadcast_in_dim3A_105 = arith.constant 0.000000e+00 : f32
      %broadcast_in_dim3A_106 = vector.broadcast %broadcast_in_dim3A_105 : f32 to vector<16xf32>
      %swap3A_107 = arith.index_cast %add3A_22 : i32 to index
      %swap3A_108 = arith.constant 112 : index
      %swap3A_109 = tpu.vector_load %arg9[%swap3A_107, %swap3A_108] {strides = array<i32>} : memref<80x128xf32, #tpu.memory_space<vmem>>, vector<1x16xf32>,
      %swap3A_110 = vector.shape_cast %swap3A_109 : vector<1x16xf32> to vector<16xf32>
      %swap3A_111 = vector.shape_cast %broadcast_in_dim3A_106 : vector<16xf32> to vector<1x16xf32>
      tpu.vector_store %arg9[%swap3A_107, %swap3A_108], %swap3A_111 {strides = array<i32>} : memref<80x128xf32, #tpu.memory_space<vmem>>, vector<1x16xf32>,
      %swap3A_112 = arith.index_cast %add3A_22 : i32 to index
      %swap3A_113 = arith.constant 112 : index
      %swap3A_114 = tpu.vector_load %arg10[%swap3A_112, %swap3A_113] {strides = array<i32>} : memref<80x128xf32, #tpu.memory_space<vmem>>, vector<1x16xf32>,
      %swap3A_115 = vector.shape_cast %swap3A_114 : vector<1x16xf32> to vector<16xf32>
      %swap3A_116 = vector.shape_cast %broadcast_in_dim3A_106 : vector<16xf32> to vector<1x16xf32>
      tpu.vector_store %arg10[%swap3A_112, %swap3A_113], %swap3A_116 {strides = array<i32>} : memref<80x128xf32, #tpu.memory_space<vmem>>, vector<1x16xf32>,
    }
    %scan3A_6 = arith.constant 80 : i32
    %mul3A_7 = arith.constant 632 : i32
    %mul3A_8 = arith.muli %arg1, %mul3A_7 : i32
    "tpu.region"() ({
      %run_scoped3A = tpu.sem_alloc : memref<!tpu.dma_semaphore, #tpu.memory_space<semaphore_mem>>
      %dma_start3A = arith.constant 0 : i32
      %dma_start3A_18 = tpu.memref_slice %arg6[%mul3A_8, %dma_start3A] : memref<10112x128xf32, #tpu.memory_space<vmem_shared>> -> memref<632x128xf32, #tpu.memory_space<vmem_shared>>
      %dma_start3A_19 = arith.constant 0 : i32
      %dma_start3A_20 = tpu.memref_slice %arg4[%mul3A_8, %dma_start3A_19] : memref<10112x128xf32, #tpu.memory_space<hbm>> -> memref<632x128xf32, #tpu.memory_space<hbm>>
      tpu.enqueue_dma source(%dma_start3A_20 : memref<632x128xf32, #tpu.memory_space<hbm>>) target(%dma_start3A_18 : memref<632x128xf32, #tpu.memory_space<vmem_shared>>) target_semaphore(%run_scoped3A : memref<!tpu.dma_semaphore, #tpu.memory_space<semaphore_mem>>)
      %dma_wait3A = arith.constant 0 : i32
      %dma_wait3A_21 = tpu.memref_slice %arg6[%mul3A_8, %dma_wait3A] : memref<10112x128xf32, #tpu.memory_space<vmem_shared>> -> memref<632x128xf32, #tpu.memory_space<vmem_shared>>
      %dma_wait3A_22 = arith.constant 0 : i32
      %dma_wait3A_23 = tpu.memref_slice %arg4[%mul3A_8, %dma_wait3A_22] : memref<10112x128xf32, #tpu.memory_space<hbm>> -> memref<632x128xf32, #tpu.memory_space<hbm>>
      tpu.wait_dma2 semaphore(%run_scoped3A : memref<!tpu.dma_semaphore, #tpu.memory_space<semaphore_mem>>) src(%dma_wait3A_23 : memref<632x128xf32, #tpu.memory_space<hbm>>) dst(%dma_wait3A_21 : memref<632x128xf32, #tpu.memory_space<vmem_shared>>)
      tpu.yield
    }) : () -> ()
    %barrier3A = arith.constant 0 : index
    tpu.barrier barrier_id(%barrier3A)
    %scan3A_9 = arith.constant 0 : i32
    %scan3A_10 = arith.constant 5 : i32
    %scan3A_11 = arith.addi %scan3A_9, %scan3A_10 : i32
    %scan3A_12 = arith.constant 1 : i32
    scf.for %scan3A_18 = %scan3A_9 to %scan3A_11 step %scan3A_12  : i32 {
      %mul3A_19 = arith.constant 1 : i32
      %mul3A_20 = arith.muli %scan3A_18, %mul3A_19 : i32
      %add3A_21 = arith.constant 0 : i32
      %add3A_22 = arith.addi %add3A_21, %mul3A_20 : i32
      "tpu.region"() ({
        %run_scoped3A_38 = tpu.sem_alloc : memref<!tpu.dma_semaphore, #tpu.memory_space<semaphore_mem>>
        %dma_start3A = arith.constant 0 : i32
        %dma_start3A_39 = arith.constant 0 : i32
        %dma_start3A_40 = tpu.memref_slice %arg3[%add3A, %add3A_22, %dma_start3A, %dma_start3A_39] : memref<32x5x25x80xi32, #tpu.memory_space<hbm>> -> memref<1x1x25x80xi32, #tpu.memory_space<hbm>>
        %dma_start3A_41 = tpu.memref_squeeze %dma_start3A_40 : memref<1x1x25x80xi32, #tpu.memory_space<hbm>> -> memref<25x80xi32, #tpu.memory_space<hbm>>
        %dma_start3A_42 = arith.constant 0 : i32
        %dma_start3A_43 = arith.constant 0 : i32
        %dma_start3A_44 = tpu.memref_slice %arg3[%add3A, %add3A_22, %dma_start3A_42, %dma_start3A_43] : memref<32x5x25x80xi32, #tpu.memory_space<hbm>> -> memref<1x1x25x80xi32, #tpu.memory_space<hbm>>
        %dma_start3A_45 = tpu.memref_squeeze %dma_start3A_44 : memref<1x1x25x80xi32, #tpu.memory_space<hbm>> -> memref<25x80xi32, #tpu.memory_space<hbm>>
        tpu.enqueue_dma source(%dma_start3A_45 : memref<25x80xi32, #tpu.memory_space<hbm>>) target(%arg7 : memref<25x80xi32, #tpu.memory_space<vmem>>) target_semaphore(%run_scoped3A_38 : memref<!tpu.dma_semaphore, #tpu.memory_space<semaphore_mem>>)
        %dma_wait3A = arith.constant 0 : i32
        %dma_wait3A_46 = arith.constant 0 : i32
        %dma_wait3A_47 = tpu.memref_slice %arg3[%add3A, %add3A_22, %dma_wait3A, %dma_wait3A_46] : memref<32x5x25x80xi32, #tpu.memory_space<hbm>> -> memref<1x1x25x80xi32, #tpu.memory_space<hbm>>
        %dma_wait3A_48 = tpu.memref_squeeze %dma_wait3A_47 : memref<1x1x25x80xi32, #tpu.memory_space<hbm>> -> memref<25x80xi32, #tpu.memory_space<hbm>>
        %dma_wait3A_49 = arith.constant 0 : i32
        %dma_wait3A_50 = arith.constant 0 : i32
        %dma_wait3A_51 = tpu.memref_slice %arg3[%add3A, %add3A_22, %dma_wait3A_49, %dma_wait3A_50] : memref<32x5x25x80xi32, #tpu.memory_space<hbm>> -> memref<1x1x25x80xi32, #tpu.memory_space<hbm>>
        %dma_wait3A_52 = tpu.memref_squeeze %dma_wait3A_51 : memref<1x1x25x80xi32, #tpu.memory_space<hbm>> -> memref<25x80xi32, #tpu.memory_space<hbm>>
        tpu.wait_dma2 semaphore(%run_scoped3A_38 : memref<!tpu.dma_semaphore, #tpu.memory_space<semaphore_mem>>) src(%dma_wait3A_52 : memref<25x80xi32, #tpu.memory_space<hbm>>) dst(%arg7 : memref<25x80xi32, #tpu.memory_space<vmem>>)
        tpu.yield
      }) : () -> ()
      %mul3A_23 = arith.constant 2000 : i32
      %mul3A_24 = arith.muli %add3A_22, %mul3A_23 : i32
      %add3A_25 = arith.addi %mul3A_2, %mul3A_24 : i32
      %add3A_26 = arith.constant 0 : i32
      %add3A_27 = arith.addi %add3A_25, %add3A_26 : i32
      "tpu.region"() ({
        %run_scoped3A_38 = tpu.sem_alloc : memref<!tpu.dma_semaphore, #tpu.memory_space<semaphore_mem>>
        %dma_start3A = arith.constant 0 : i32
        %dma_start3A_39 = tpu.memref_slice %arg2[%add3A_27, %dma_start3A] : memref<320000x16xf32, #tpu.memory_space<hbm>> -> memref<80x16xf32, #tpu.memory_space<hbm>>
        %dma_start3A_40 = arith.constant 0 : i32
        %dma_start3A_41 = tpu.memref_slice %arg2[%add3A_27, %dma_start3A_40] : memref<320000x16xf32, #tpu.memory_space<hbm>> -> memref<80x16xf32, #tpu.memory_space<hbm>>
        tpu.enqueue_dma source(%dma_start3A_41 : memref<80x16xf32, #tpu.memory_space<hbm>>) target(%arg8 : memref<80x16xf32, #tpu.memory_space<vmem>>) target_semaphore(%run_scoped3A_38 : memref<!tpu.dma_semaphore, #tpu.memory_space<semaphore_mem>>)
        %dma_wait3A = arith.constant 0 : i32
        %dma_wait3A_42 = tpu.memref_slice %arg2[%add3A_27, %dma_wait3A] : memref<320000x16xf32, #tpu.memory_space<hbm>> -> memref<80x16xf32, #tpu.memory_space<hbm>>
        %dma_wait3A_43 = arith.constant 0 : i32
        %dma_wait3A_44 = tpu.memref_slice %arg2[%add3A_27, %dma_wait3A_43] : memref<320000x16xf32, #tpu.memory_space<hbm>> -> memref<80x16xf32, #tpu.memory_space<hbm>>
        tpu.wait_dma2 semaphore(%run_scoped3A_38 : memref<!tpu.dma_semaphore, #tpu.memory_space<semaphore_mem>>) src(%dma_wait3A_44 : memref<80x16xf32, #tpu.memory_space<hbm>>) dst(%arg8 : memref<80x16xf32, #tpu.memory_space<vmem>>)
        tpu.yield
      }) : () -> ()
      %scan3A_28 = arith.constant 0 : i32
      %scan3A_29 = arith.constant 80 : i32
      %scan3A_30 = arith.addi %scan3A_28, %scan3A_29 : i32
      %scan3A_31 = arith.constant 1 : i32
      scf.for %scan3A_38 = %scan3A_28 to %scan3A_30 step %scan3A_31  : i32 {
        %mul3A_39 = arith.constant 1 : i32
        %mul3A_40 = arith.muli %scan3A_38, %mul3A_39 : i32
        %add3A_41 = arith.constant 0 : i32
        %add3A_42 = arith.addi %add3A_41, %mul3A_40 : i32
        %get3A = arith.index_cast %add3A_42 : i32 to index
        %get3A_43 = arith.constant 0 : index
        %get3A_44 = tpu.vector_load %arg8[%get3A, %get3A_43] {strides = array<i32>} : memref<80x16xf32, #tpu.memory_space<vmem>>, vector<1x16xf32>,
        %get3A_45 = vector.shape_cast %get3A_44 : vector<1x16xf32> to vector<16xf32>
        %swap3A = arith.index_cast %add3A_42 : i32 to index
        %swap3A_46 = arith.constant 0 : index
        %swap3A_47 = tpu.vector_load %arg9[%swap3A, %swap3A_46] {strides = array<i32>} : memref<80x128xf32, #tpu.memory_space<vmem>>, vector<1x16xf32>,
        %swap3A_48 = vector.shape_cast %swap3A_47 : vector<1x16xf32> to vector<16xf32>
        %swap3A_49 = vector.shape_cast %get3A_45 : vector<16xf32> to vector<1x16xf32>
        tpu.vector_store %arg9[%swap3A, %swap3A_46], %swap3A_49 {strides = array<i32>} : memref<80x128xf32, #tpu.memory_space<vmem>>, vector<1x16xf32>,
      }
      %scan3A_32 = arith.constant 80 : i32
      %scan3A_33 = arith.constant 0 : i32
      %scan3A_34 = arith.constant 12 : i32
      %scan3A_35 = arith.addi %scan3A_33, %scan3A_34 : i32
      %scan3A_36 = arith.constant 1 : i32
      scf.for %scan3A_38 = %scan3A_33 to %scan3A_35 step %scan3A_36  : i32 {
        %mul3A_39 = arith.constant 2 : i32
        %mul3A_40 = arith.muli %scan3A_38, %mul3A_39 : i32
        %add3A_41 = arith.constant 0 : i32
        %add3A_42 = arith.addi %add3A_41, %mul3A_40 : i32
        %dma_start3A = arith.constant 0 : i32
        %dma_start3A_43 = tpu.memref_slice %arg7[%add3A_42, %dma_start3A] : memref<25x80xi32, #tpu.memory_space<vmem>> -> memref<1x80xi32, #tpu.memory_space<vmem>>
        %dma_start3A_44 = tpu.memref_squeeze %dma_start3A_43 : memref<1x80xi32, #tpu.memory_space<vmem>> -> memref<80xi32, #tpu.memory_space<vmem>>
        %dma_start3A_45 = arith.constant 0 : i32
        %dma_start3A_46 = arith.constant 0 : i32
        %dma_start3A_47 = tpu.memref_slice %arg6[%dma_start3A_45, %dma_start3A_46] : memref<10112x128xf32, #tpu.memory_space<vmem_shared>> -> memref<10112x128xf32, #tpu.memory_space<vmem_shared>>
        tpu.enqueue_indirect_dma source(%arg9 : memref<80x128xf32, #tpu.memory_space<vmem>>) target(%dma_start3A_47 : memref<10112x128xf32, #tpu.memory_space<vmem_shared>>) offsets(%dma_start3A_44 : memref<80xi32, #tpu.memory_space<vmem>>) semaphore(%arg11 : memref<!tpu.dma_semaphore, #tpu.memory_space<semaphore_mem>>) {add = true}
        %add3A_48 = arith.constant 1 : i32
        %add3A_49 = arith.addi %add3A_42, %add3A_48 : i32
        %mul3A_50 = arith.constant 80 : i32
        %mul3A_51 = arith.muli %add3A_49, %mul3A_50 : i32
        %add3A_52 = arith.addi %add3A_25, %mul3A_51 : i32
        "tpu.region"() ({
          %run_scoped3A_83 = tpu.sem_alloc : memref<!tpu.dma_semaphore, #tpu.memory_space<semaphore_mem>>
          %dma_start3A_84 = arith.constant 0 : i32
          %dma_start3A_85 = tpu.memref_slice %arg2[%add3A_52, %dma_start3A_84] : memref<320000x16xf32, #tpu.memory_space<hbm>> -> memref<80x16xf32, #tpu.memory_space<hbm>>
          %dma_start3A_86 = arith.constant 0 : i32
          %dma_start3A_87 = tpu.memref_slice %arg2[%add3A_52, %dma_start3A_86] : memref<320000x16xf32, #tpu.memory_space<hbm>> -> memref<80x16xf32, #tpu.memory_space<hbm>>
          tpu.enqueue_dma source(%dma_start3A_87 : memref<80x16xf32, #tpu.memory_space<hbm>>) target(%arg8 : memref<80x16xf32, #tpu.memory_space<vmem>>) target_semaphore(%run_scoped3A_83 : memref<!tpu.dma_semaphore, #tpu.memory_space<semaphore_mem>>)
          %dma_wait3A_88 = arith.constant 0 : i32
          %dma_wait3A_89 = tpu.memref_slice %arg2[%add3A_52, %dma_wait3A_88] : memref<320000x16xf32, #tpu.memory_space<hbm>> -> memref<80x16xf32, #tpu.memory_space<hbm>>
          %dma_wait3A_90 = arith.constant 0 : i32
          %dma_wait3A_91 = tpu.memref_slice %arg2[%add3A_52, %dma_wait3A_90] : memref<320000x16xf32, #tpu.memory_space<hbm>> -> memref<80x16xf32, #tpu.memory_space<hbm>>
          tpu.wait_dma2 semaphore(%run_scoped3A_83 : memref<!tpu.dma_semaphore, #tpu.memory_space<semaphore_mem>>) src(%dma_wait3A_91 : memref<80x16xf32, #tpu.memory_space<hbm>>) dst(%arg8 : memref<80x16xf32, #tpu.memory_space<vmem>>)
          tpu.yield
        }) : () -> ()
        %scan3A_53 = arith.constant 0 : i32
        %scan3A_54 = arith.constant 80 : i32
        %scan3A_55 = arith.addi %scan3A_53, %scan3A_54 : i32
        %scan3A_56 = arith.constant 1 : i32
        scf.for %scan3A_83 = %scan3A_53 to %scan3A_55 step %scan3A_56  : i32 {
          %mul3A_84 = arith.constant 1 : i32
          %mul3A_85 = arith.muli %scan3A_83, %mul3A_84 : i32
          %add3A_86 = arith.constant 0 : i32
          %add3A_87 = arith.addi %add3A_86, %mul3A_85 : i32
          %get3A = arith.index_cast %add3A_87 : i32 to index
          %get3A_88 = arith.constant 0 : index
          %get3A_89 = tpu.vector_load %arg8[%get3A, %get3A_88] {strides = array<i32>} : memref<80x16xf32, #tpu.memory_space<vmem>>, vector<1x16xf32>,
          %get3A_90 = vector.shape_cast %get3A_89 : vector<1x16xf32> to vector<16xf32>
          %swap3A = arith.index_cast %add3A_87 : i32 to index
          %swap3A_91 = arith.constant 0 : index
          %swap3A_92 = tpu.vector_load %arg10[%swap3A, %swap3A_91] {strides = array<i32>} : memref<80x128xf32, #tpu.memory_space<vmem>>, vector<1x16xf32>,
          %swap3A_93 = vector.shape_cast %swap3A_92 : vector<1x16xf32> to vector<16xf32>
          %swap3A_94 = vector.shape_cast %get3A_90 : vector<16xf32> to vector<1x16xf32>
          tpu.vector_store %arg10[%swap3A, %swap3A_91], %swap3A_94 {strides = array<i32>} : memref<80x128xf32, #tpu.memory_space<vmem>>, vector<1x16xf32>,
        }
        %scan3A_57 = arith.constant 80 : i32
        %dma_wait3A = arith.constant 0 : i32
        %dma_wait3A_58 = tpu.memref_slice %arg7[%add3A_42, %dma_wait3A] : memref<25x80xi32, #tpu.memory_space<vmem>> -> memref<1x80xi32, #tpu.memory_space<vmem>>
        %dma_wait3A_59 = tpu.memref_squeeze %dma_wait3A_58 : memref<1x80xi32, #tpu.memory_space<vmem>> -> memref<80xi32, #tpu.memory_space<vmem>>
        %dma_wait3A_60 = arith.constant 0 : i32
        %dma_wait3A_61 = arith.constant 0 : i32
        %dma_wait3A_62 = tpu.memref_slice %arg6[%dma_wait3A_60, %dma_wait3A_61] : memref<10112x128xf32, #tpu.memory_space<vmem_shared>> -> memref<10112x128xf32, #tpu.memory_space<vmem_shared>>
        tpu.wait_indirect_dma semaphore(%arg11 : memref<!tpu.dma_semaphore, #tpu.memory_space<semaphore_mem>>) src(%arg9 : memref<80x128xf32, #tpu.memory_space<vmem>>) dst(%dma_wait3A_62 : memref<10112x128xf32, #tpu.memory_space<vmem_shared>>)
        %add3A_63 = arith.constant 1 : i32
        %add3A_64 = arith.addi %add3A_42, %add3A_63 : i32
        %dma_start3A_65 = arith.constant 0 : i32
        %dma_start3A_66 = tpu.memref_slice %arg7[%add3A_64, %dma_start3A_65] : memref<25x80xi32, #tpu.memory_space<vmem>> -> memref<1x80xi32, #tpu.memory_space<vmem>>
        %dma_start3A_67 = tpu.memref_squeeze %dma_start3A_66 : memref<1x80xi32, #tpu.memory_space<vmem>> -> memref<80xi32, #tpu.memory_space<vmem>>
        %dma_start3A_68 = arith.constant 0 : i32
        %dma_start3A_69 = arith.constant 0 : i32
        %dma_start3A_70 = tpu.memref_slice %arg6[%dma_start3A_68, %dma_start3A_69] : memref<10112x128xf32, #tpu.memory_space<vmem_shared>> -> memref<10112x128xf32, #tpu.memory_space<vmem_shared>>
        tpu.enqueue_indirect_dma source(%arg10 : memref<80x128xf32, #tpu.memory_space<vmem>>) target(%dma_start3A_70 : memref<10112x128xf32, #tpu.memory_space<vmem_shared>>) offsets(%dma_start3A_67 : memref<80xi32, #tpu.memory_space<vmem>>) semaphore(%arg12 : memref<!tpu.dma_semaphore, #tpu.memory_space<semaphore_mem>>) {add = true}
        %add3A_71 = arith.constant 2 : i32
        %add3A_72 = arith.addi %add3A_42, %add3A_71 : i32
        %lt3A = arith.constant 25 : i32
        %lt3A_73 = arith.cmpi slt, %add3A_72, %lt3A : i32
        %convert_element_type3A = arith.extui %lt3A_73 : i1 to i32
        %cond3A = arith.constant 0 : i32
        %cond3A_74 = arith.cmpi ne, %convert_element_type3A, %cond3A : i32
        scf.if %cond3A_74 {
          %add3A_83 = arith.constant 2 : i32
          %add3A_84 = arith.addi %add3A_42, %add3A_83 : i32
          %mul3A_85 = arith.constant 80 : i32
          %mul3A_86 = arith.muli %add3A_84, %mul3A_85 : i32
          %add3A_87 = arith.addi %add3A_25, %mul3A_86 : i32
          "tpu.region"() ({
            %run_scoped3A_93 = tpu.sem_alloc : memref<!tpu.dma_semaphore, #tpu.memory_space<semaphore_mem>>
            %dma_start3A_94 = arith.constant 0 : i32
            %dma_start3A_95 = tpu.memref_slice %arg2[%add3A_87, %dma_start3A_94] : memref<320000x16xf32, #tpu.memory_space<hbm>> -> memref<80x16xf32, #tpu.memory_space<hbm>>
            %dma_start3A_96 = arith.constant 0 : i32
            %dma_start3A_97 = tpu.memref_slice %arg2[%add3A_87, %dma_start3A_96] : memref<320000x16xf32, #tpu.memory_space<hbm>> -> memref<80x16xf32, #tpu.memory_space<hbm>>
            tpu.enqueue_dma source(%dma_start3A_97 : memref<80x16xf32, #tpu.memory_space<hbm>>) target(%arg8 : memref<80x16xf32, #tpu.memory_space<vmem>>) target_semaphore(%run_scoped3A_93 : memref<!tpu.dma_semaphore, #tpu.memory_space<semaphore_mem>>)
            %dma_wait3A_98 = arith.constant 0 : i32
            %dma_wait3A_99 = tpu.memref_slice %arg2[%add3A_87, %dma_wait3A_98] : memref<320000x16xf32, #tpu.memory_space<hbm>> -> memref<80x16xf32, #tpu.memory_space<hbm>>
            %dma_wait3A_100 = arith.constant 0 : i32
            %dma_wait3A_101 = tpu.memref_slice %arg2[%add3A_87, %dma_wait3A_100] : memref<320000x16xf32, #tpu.memory_space<hbm>> -> memref<80x16xf32, #tpu.memory_space<hbm>>
            tpu.wait_dma2 semaphore(%run_scoped3A_93 : memref<!tpu.dma_semaphore, #tpu.memory_space<semaphore_mem>>) src(%dma_wait3A_101 : memref<80x16xf32, #tpu.memory_space<hbm>>) dst(%arg8 : memref<80x16xf32, #tpu.memory_space<vmem>>)
            tpu.yield
          }) : () -> ()
          %scan3A_88 = arith.constant 0 : i32
          %scan3A_89 = arith.constant 80 : i32
          %scan3A_90 = arith.addi %scan3A_88, %scan3A_89 : i32
          %scan3A_91 = arith.constant 1 : i32
          scf.for %scan3A_93 = %scan3A_88 to %scan3A_90 step %scan3A_91  : i32 {
            %mul3A_94 = arith.constant 1 : i32
            %mul3A_95 = arith.muli %scan3A_93, %mul3A_94 : i32
            %add3A_96 = arith.constant 0 : i32
            %add3A_97 = arith.addi %add3A_96, %mul3A_95 : i32
            %get3A = arith.index_cast %add3A_97 : i32 to index
            %get3A_98 = arith.constant 0 : index
            %get3A_99 = tpu.vector_load %arg8[%get3A, %get3A_98] {strides = array<i32>} : memref<80x16xf32, #tpu.memory_space<vmem>>, vector<1x16xf32>,
            %get3A_100 = vector.shape_cast %get3A_99 : vector<1x16xf32> to vector<16xf32>
            %swap3A = arith.index_cast %add3A_97 : i32 to index
            %swap3A_101 = arith.constant 0 : index
            %swap3A_102 = tpu.vector_load %arg9[%swap3A, %swap3A_101] {strides = array<i32>} : memref<80x128xf32, #tpu.memory_space<vmem>>, vector<1x16xf32>,
            %swap3A_103 = vector.shape_cast %swap3A_102 : vector<1x16xf32> to vector<16xf32>
            %swap3A_104 = vector.shape_cast %get3A_100 : vector<16xf32> to vector<1x16xf32>
            tpu.vector_store %arg9[%swap3A, %swap3A_101], %swap3A_104 {strides = array<i32>} : memref<80x128xf32, #tpu.memory_space<vmem>>, vector<1x16xf32>,
          }
          %scan3A_92 = arith.constant 80 : i32
        } else {
        }
        %add3A_75 = arith.constant 1 : i32
        %add3A_76 = arith.addi %add3A_42, %add3A_75 : i32
        %dma_wait3A_77 = arith.constant 0 : i32
        %dma_wait3A_78 = tpu.memref_slice %arg7[%add3A_76, %dma_wait3A_77] : memref<25x80xi32, #tpu.memory_space<vmem>> -> memref<1x80xi32, #tpu.memory_space<vmem>>
        %dma_wait3A_79 = tpu.memref_squeeze %dma_wait3A_78 : memref<1x80xi32, #tpu.memory_space<vmem>> -> memref<80xi32, #tpu.memory_space<vmem>>
        %dma_wait3A_80 = arith.constant 0 : i32
        %dma_wait3A_81 = arith.constant 0 : i32
        %dma_wait3A_82 = tpu.memref_slice %arg6[%dma_wait3A_80, %dma_wait3A_81] : memref<10112x128xf32, #tpu.memory_space<vmem_shared>> -> memref<10112x128xf32, #tpu.memory_space<vmem_shared>>
        tpu.wait_indirect_dma semaphore(%arg12 : memref<!tpu.dma_semaphore, #tpu.memory_space<semaphore_mem>>) src(%arg10 : memref<80x128xf32, #tpu.memory_space<vmem>>) dst(%dma_wait3A_82 : memref<10112x128xf32, #tpu.memory_space<vmem_shared>>)
      }
      %scan3A_37 = arith.constant 12 : i32
      %run_scoped3A = arith.constant 24 : i32
      "tpu.region"() ({
        %run_scoped3A_38 = tpu.sem_alloc : memref<!tpu.dma_semaphore, #tpu.memory_space<semaphore_mem>>
        %dma_start3A = arith.constant 0 : i32
        %dma_start3A_39 = tpu.memref_slice %arg7[%run_scoped3A, %dma_start3A] : memref<25x80xi32, #tpu.memory_space<vmem>> -> memref<1x80xi32, #tpu.memory_space<vmem>>
        %dma_start3A_40 = tpu.memref_squeeze %dma_start3A_39 : memref<1x80xi32, #tpu.memory_space<vmem>> -> memref<80xi32, #tpu.memory_space<vmem>>
        %dma_start3A_41 = arith.constant 0 : i32
        %dma_start3A_42 = arith.constant 0 : i32
        %dma_start3A_43 = tpu.memref_slice %arg6[%dma_start3A_41, %dma_start3A_42] : memref<10112x128xf32, #tpu.memory_space<vmem_shared>> -> memref<10112x128xf32, #tpu.memory_space<vmem_shared>>
        tpu.enqueue_indirect_dma source(%arg9 : memref<80x128xf32, #tpu.memory_space<vmem>>) target(%dma_start3A_43 : memref<10112x128xf32, #tpu.memory_space<vmem_shared>>) offsets(%dma_start3A_40 : memref<80xi32, #tpu.memory_space<vmem>>) semaphore(%run_scoped3A_38 : memref<!tpu.dma_semaphore, #tpu.memory_space<semaphore_mem>>) {add = true}
        %dma_wait3A = arith.constant 0 : i32
        %dma_wait3A_44 = tpu.memref_slice %arg7[%run_scoped3A, %dma_wait3A] : memref<25x80xi32, #tpu.memory_space<vmem>> -> memref<1x80xi32, #tpu.memory_space<vmem>>
        %dma_wait3A_45 = tpu.memref_squeeze %dma_wait3A_44 : memref<1x80xi32, #tpu.memory_space<vmem>> -> memref<80xi32, #tpu.memory_space<vmem>>
        %dma_wait3A_46 = arith.constant 0 : i32
        %dma_wait3A_47 = arith.constant 0 : i32
        %dma_wait3A_48 = tpu.memref_slice %arg6[%dma_wait3A_46, %dma_wait3A_47] : memref<10112x128xf32, #tpu.memory_space<vmem_shared>> -> memref<10112x128xf32, #tpu.memory_space<vmem_shared>>
        tpu.wait_indirect_dma semaphore(%run_scoped3A_38 : memref<!tpu.dma_semaphore, #tpu.memory_space<semaphore_mem>>) src(%arg9 : memref<80x128xf32, #tpu.memory_space<vmem>>) dst(%dma_wait3A_48 : memref<10112x128xf32, #tpu.memory_space<vmem_shared>>)
        tpu.yield
      }) : () -> ()
    }
    %scan3A_13 = arith.constant 5 : i32
    %barrier3A_14 = arith.constant 0 : index
    tpu.barrier barrier_id(%barrier3A_14)
    %mul3A_15 = arith.constant 10112 : i32
    %mul3A_16 = arith.muli %arg0, %mul3A_15 : i32
    %add3A_17 = arith.addi %mul3A_16, %mul3A_8 : i32
    "tpu.region"() ({
      %run_scoped3A = tpu.sem_alloc : memref<!tpu.dma_semaphore, #tpu.memory_space<semaphore_mem>>
      %dma_start3A = arith.constant 0 : i32
      %dma_start3A_18 = tpu.memref_slice %arg5[%add3A_17, %dma_start3A] : memref<20224x128xf32, #tpu.memory_space<hbm>> -> memref<632x128xf32, #tpu.memory_space<hbm>>
      %dma_start3A_19 = arith.constant 0 : i32
      %dma_start3A_20 = tpu.memref_slice %arg6[%mul3A_8, %dma_start3A_19] : memref<10112x128xf32, #tpu.memory_space<vmem_shared>> -> memref<632x128xf32, #tpu.memory_space<vmem_shared>>
      tpu.enqueue_dma source(%dma_start3A_20 : memref<632x128xf32, #tpu.memory_space<vmem_shared>>) target(%dma_start3A_18 : memref<632x128xf32, #tpu.memory_space<hbm>>) target_semaphore(%run_scoped3A : memref<!tpu.dma_semaphore, #tpu.memory_space<semaphore_mem>>)
      %dma_wait3A = arith.constant 0 : i32
      %dma_wait3A_21 = tpu.memref_slice %arg5[%add3A_17, %dma_wait3A] : memref<20224x128xf32, #tpu.memory_space<hbm>> -> memref<632x128xf32, #tpu.memory_space<hbm>>
      %dma_wait3A_22 = arith.constant 0 : i32
      %dma_wait3A_23 = tpu.memref_slice %arg6[%mul3A_8, %dma_wait3A_22] : memref<10112x128xf32, #tpu.memory_space<vmem_shared>> -> memref<632x128xf32, #tpu.memory_space<vmem_shared>>
      tpu.wait_dma2 semaphore(%run_scoped3A : memref<!tpu.dma_semaphore, #tpu.memory_space<semaphore_mem>>) src(%dma_wait3A_23 : memref<632x128xf32, #tpu.memory_space<vmem_shared>>) dst(%dma_wait3A_21 : memref<632x128xf32, #tpu.memory_space<hbm>>)
      tpu.yield
    }) : () -> ()
    return
  }
}

#map = affine_map<(d0, d1) -> (0, 0)>
#map1 = affine_map<(d0, d1) -> (0, 0, 0, 0)>
module attributes {stable_mosaic.version = 14 : i64} {
  func.func @body(%arg0: i32, %arg1: i32, %arg2: memref<10000x128xf32, #tpu.memory_space<hbm>>, %arg3: memref<32x5x25x80xi32, #tpu.memory_space<hbm>>, %arg4: memref<32x5x25x80xi32, #tpu.memory_space<hbm>>, %arg5: memref<10112x128xf32, #tpu.memory_space<hbm>>, %arg6: memref<20224x128xf32, #tpu.memory_space<hbm>>, %arg7: memref<10112x128xf32, #tpu.memory_space<vmem_shared>>, %arg8: memref<25x80xi32, #tpu.memory_space<vmem>>, %arg9: memref<25x80xi32, #tpu.memory_space<vmem>>, %arg10: memref<80x128xf32, #tpu.memory_space<vmem>>, %arg11: memref<80x128xf32, #tpu.memory_space<vmem>>, %arg12: memref<80x128xf32, #tpu.memory_space<vmem>>, %arg13: memref<!tpu.dma_semaphore, #tpu.memory_space<semaphore_mem>>, %arg14: memref<!tpu.dma_semaphore, #tpu.memory_space<semaphore_mem>>, %arg15: memref<!tpu.dma_semaphore, #tpu.memory_space<semaphore_mem>>) attributes {dimension_semantics = [#tpu.dimension_semantics<core_parallel>, #tpu.dimension_semantics<subcore_parallel>], iteration_bounds = array<i64: 2, 16>, scalar_prefetch = 0 : i64, scratch_operands = 9 : i64, tpu.core_type = #tpu.core_type<sc_vector_subcore>, window_params = [{transform_indices = #map}, {transform_indices = #map1}, {transform_indices = #map1}, {transform_indices = #map}, {transform_indices = #map}]} {
    %mul3A = arith.constant 16 : i32
    %mul3A_0 = arith.muli %arg0, %mul3A : i32
    %add3A = arith.addi %mul3A_0, %arg1 : i32
    %mul3A_1 = arith.constant 632 : i32
    %mul3A_2 = arith.muli %arg1, %mul3A_1 : i32
    "tpu.region"() ({
      %run_scoped3A = tpu.sem_alloc : memref<!tpu.dma_semaphore, #tpu.memory_space<semaphore_mem>>
      %dma_start3A = arith.constant 0 : i32
      %dma_start3A_11 = tpu.memref_slice %arg7[%mul3A_2, %dma_start3A] : memref<10112x128xf32, #tpu.memory_space<vmem_shared>> -> memref<632x128xf32, #tpu.memory_space<vmem_shared>>
      %dma_start3A_12 = arith.constant 0 : i32
      %dma_start3A_13 = tpu.memref_slice %arg5[%mul3A_2, %dma_start3A_12] : memref<10112x128xf32, #tpu.memory_space<hbm>> -> memref<632x128xf32, #tpu.memory_space<hbm>>
      tpu.enqueue_dma source(%dma_start3A_13 : memref<632x128xf32, #tpu.memory_space<hbm>>) target(%dma_start3A_11 : memref<632x128xf32, #tpu.memory_space<vmem_shared>>) target_semaphore(%run_scoped3A : memref<!tpu.dma_semaphore, #tpu.memory_space<semaphore_mem>>)
      %dma_wait3A = arith.constant 0 : i32
      %dma_wait3A_14 = tpu.memref_slice %arg7[%mul3A_2, %dma_wait3A] : memref<10112x128xf32, #tpu.memory_space<vmem_shared>> -> memref<632x128xf32, #tpu.memory_space<vmem_shared>>
      %dma_wait3A_15 = arith.constant 0 : i32
      %dma_wait3A_16 = tpu.memref_slice %arg5[%mul3A_2, %dma_wait3A_15] : memref<10112x128xf32, #tpu.memory_space<hbm>> -> memref<632x128xf32, #tpu.memory_space<hbm>>
      tpu.wait_dma2 semaphore(%run_scoped3A : memref<!tpu.dma_semaphore, #tpu.memory_space<semaphore_mem>>) src(%dma_wait3A_16 : memref<632x128xf32, #tpu.memory_space<hbm>>) dst(%dma_wait3A_14 : memref<632x128xf32, #tpu.memory_space<vmem_shared>>)
      tpu.yield
    }) : () -> ()
    %barrier3A = arith.constant 0 : index
    tpu.barrier barrier_id(%barrier3A)
    %scan3A = arith.constant 0 : i32
    %scan3A_3 = arith.constant 5 : i32
    %scan3A_4 = arith.addi %scan3A, %scan3A_3 : i32
    %scan3A_5 = arith.constant 1 : i32
    scf.for %scan3A_11 = %scan3A to %scan3A_4 step %scan3A_5  : i32 {
      %mul3A_12 = arith.constant 1 : i32
      %mul3A_13 = arith.muli %scan3A_11, %mul3A_12 : i32
      %add3A_14 = arith.constant 0 : i32
      %add3A_15 = arith.addi %add3A_14, %mul3A_13 : i32
      "tpu.region"() ({
        %run_scoped3A_40 = tpu.sem_alloc : memref<!tpu.dma_semaphore, #tpu.memory_space<semaphore_mem>>
        %dma_start3A_41 = arith.constant 0 : i32
        %dma_start3A_42 = arith.constant 0 : i32
        %dma_start3A_43 = tpu.memref_slice %arg3[%add3A, %add3A_15, %dma_start3A_41, %dma_start3A_42] : memref<32x5x25x80xi32, #tpu.memory_space<hbm>> -> memref<1x1x25x80xi32, #tpu.memory_space<hbm>>
        %dma_start3A_44 = tpu.memref_squeeze %dma_start3A_43 : memref<1x1x25x80xi32, #tpu.memory_space<hbm>> -> memref<25x80xi32, #tpu.memory_space<hbm>>
        %dma_start3A_45 = arith.constant 0 : i32
        %dma_start3A_46 = arith.constant 0 : i32
        %dma_start3A_47 = tpu.memref_slice %arg3[%add3A, %add3A_15, %dma_start3A_45, %dma_start3A_46] : memref<32x5x25x80xi32, #tpu.memory_space<hbm>> -> memref<1x1x25x80xi32, #tpu.memory_space<hbm>>
        %dma_start3A_48 = tpu.memref_squeeze %dma_start3A_47 : memref<1x1x25x80xi32, #tpu.memory_space<hbm>> -> memref<25x80xi32, #tpu.memory_space<hbm>>
        tpu.enqueue_dma source(%dma_start3A_48 : memref<25x80xi32, #tpu.memory_space<hbm>>) target(%arg8 : memref<25x80xi32, #tpu.memory_space<vmem>>) target_semaphore(%run_scoped3A_40 : memref<!tpu.dma_semaphore, #tpu.memory_space<semaphore_mem>>)
        %dma_wait3A_49 = arith.constant 0 : i32
        %dma_wait3A_50 = arith.constant 0 : i32
        %dma_wait3A_51 = tpu.memref_slice %arg3[%add3A, %add3A_15, %dma_wait3A_49, %dma_wait3A_50] : memref<32x5x25x80xi32, #tpu.memory_space<hbm>> -> memref<1x1x25x80xi32, #tpu.memory_space<hbm>>
        %dma_wait3A_52 = tpu.memref_squeeze %dma_wait3A_51 : memref<1x1x25x80xi32, #tpu.memory_space<hbm>> -> memref<25x80xi32, #tpu.memory_space<hbm>>
        %dma_wait3A_53 = arith.constant 0 : i32
        %dma_wait3A_54 = arith.constant 0 : i32
        %dma_wait3A_55 = tpu.memref_slice %arg3[%add3A, %add3A_15, %dma_wait3A_53, %dma_wait3A_54] : memref<32x5x25x80xi32, #tpu.memory_space<hbm>> -> memref<1x1x25x80xi32, #tpu.memory_space<hbm>>
        %dma_wait3A_56 = tpu.memref_squeeze %dma_wait3A_55 : memref<1x1x25x80xi32, #tpu.memory_space<hbm>> -> memref<25x80xi32, #tpu.memory_space<hbm>>
        tpu.wait_dma2 semaphore(%run_scoped3A_40 : memref<!tpu.dma_semaphore, #tpu.memory_space<semaphore_mem>>) src(%dma_wait3A_56 : memref<25x80xi32, #tpu.memory_space<hbm>>) dst(%arg8 : memref<25x80xi32, #tpu.memory_space<vmem>>)
        tpu.yield
      }) : () -> ()
      "tpu.region"() ({
        %run_scoped3A_40 = tpu.sem_alloc : memref<!tpu.dma_semaphore, #tpu.memory_space<semaphore_mem>>
        %dma_start3A_41 = arith.constant 0 : i32
        %dma_start3A_42 = arith.constant 0 : i32
        %dma_start3A_43 = tpu.memref_slice %arg4[%add3A, %add3A_15, %dma_start3A_41, %dma_start3A_42] : memref<32x5x25x80xi32, #tpu.memory_space<hbm>> -> memref<1x1x25x80xi32, #tpu.memory_space<hbm>>
        %dma_start3A_44 = tpu.memref_squeeze %dma_start3A_43 : memref<1x1x25x80xi32, #tpu.memory_space<hbm>> -> memref<25x80xi32, #tpu.memory_space<hbm>>
        %dma_start3A_45 = arith.constant 0 : i32
        %dma_start3A_46 = arith.constant 0 : i32
        %dma_start3A_47 = tpu.memref_slice %arg4[%add3A, %add3A_15, %dma_start3A_45, %dma_start3A_46] : memref<32x5x25x80xi32, #tpu.memory_space<hbm>> -> memref<1x1x25x80xi32, #tpu.memory_space<hbm>>
        %dma_start3A_48 = tpu.memref_squeeze %dma_start3A_47 : memref<1x1x25x80xi32, #tpu.memory_space<hbm>> -> memref<25x80xi32, #tpu.memory_space<hbm>>
        tpu.enqueue_dma source(%dma_start3A_48 : memref<25x80xi32, #tpu.memory_space<hbm>>) target(%arg9 : memref<25x80xi32, #tpu.memory_space<vmem>>) target_semaphore(%run_scoped3A_40 : memref<!tpu.dma_semaphore, #tpu.memory_space<semaphore_mem>>)
        %dma_wait3A_49 = arith.constant 0 : i32
        %dma_wait3A_50 = arith.constant 0 : i32
        %dma_wait3A_51 = tpu.memref_slice %arg4[%add3A, %add3A_15, %dma_wait3A_49, %dma_wait3A_50] : memref<32x5x25x80xi32, #tpu.memory_space<hbm>> -> memref<1x1x25x80xi32, #tpu.memory_space<hbm>>
        %dma_wait3A_52 = tpu.memref_squeeze %dma_wait3A_51 : memref<1x1x25x80xi32, #tpu.memory_space<hbm>> -> memref<25x80xi32, #tpu.memory_space<hbm>>
        %dma_wait3A_53 = arith.constant 0 : i32
        %dma_wait3A_54 = arith.constant 0 : i32
        %dma_wait3A_55 = tpu.memref_slice %arg4[%add3A, %add3A_15, %dma_wait3A_53, %dma_wait3A_54] : memref<32x5x25x80xi32, #tpu.memory_space<hbm>> -> memref<1x1x25x80xi32, #tpu.memory_space<hbm>>
        %dma_wait3A_56 = tpu.memref_squeeze %dma_wait3A_55 : memref<1x1x25x80xi32, #tpu.memory_space<hbm>> -> memref<25x80xi32, #tpu.memory_space<hbm>>
        tpu.wait_dma2 semaphore(%run_scoped3A_40 : memref<!tpu.dma_semaphore, #tpu.memory_space<semaphore_mem>>) src(%dma_wait3A_56 : memref<25x80xi32, #tpu.memory_space<hbm>>) dst(%arg9 : memref<25x80xi32, #tpu.memory_space<vmem>>)
        tpu.yield
      }) : () -> ()
      %dma_start3A = arith.constant 0 : i32
      %dma_start3A_16 = arith.constant 0 : i32
      %dma_start3A_17 = tpu.memref_slice %arg8[%dma_start3A, %dma_start3A_16] : memref<25x80xi32, #tpu.memory_space<vmem>> -> memref<1x80xi32, #tpu.memory_space<vmem>>
      %dma_start3A_18 = tpu.memref_squeeze %dma_start3A_17 : memref<1x80xi32, #tpu.memory_space<vmem>> -> memref<80xi32, #tpu.memory_space<vmem>>
      %dma_start3A_19 = arith.constant 0 : i32
      %dma_start3A_20 = arith.constant 0 : i32
      %dma_start3A_21 = tpu.memref_slice %arg2[%dma_start3A_19, %dma_start3A_20] : memref<10000x128xf32, #tpu.memory_space<hbm>> -> memref<10000x128xf32, #tpu.memory_space<hbm>>
      tpu.enqueue_indirect_dma source(%dma_start3A_21 : memref<10000x128xf32, #tpu.memory_space<hbm>>) target(%arg10 : memref<80x128xf32, #tpu.memory_space<vmem>>) offsets(%dma_start3A_18 : memref<80xi32, #tpu.memory_space<vmem>>) semaphore(%arg13 : memref<!tpu.dma_semaphore, #tpu.memory_space<semaphore_mem>>)
      %dma_start3A_22 = arith.constant 1 : i32
      %dma_start3A_23 = arith.constant 0 : i32
      %dma_start3A_24 = tpu.memref_slice %arg8[%dma_start3A_22, %dma_start3A_23] : memref<25x80xi32, #tpu.memory_space<vmem>> -> memref<1x80xi32, #tpu.memory_space<vmem>>
      %dma_start3A_25 = tpu.memref_squeeze %dma_start3A_24 : memref<1x80xi32, #tpu.memory_space<vmem>> -> memref<80xi32, #tpu.memory_space<vmem>>
      %dma_start3A_26 = arith.constant 0 : i32
      %dma_start3A_27 = arith.constant 0 : i32
      %dma_start3A_28 = tpu.memref_slice %arg2[%dma_start3A_26, %dma_start3A_27] : memref<10000x128xf32, #tpu.memory_space<hbm>> -> memref<10000x128xf32, #tpu.memory_space<hbm>>
      tpu.enqueue_indirect_dma source(%dma_start3A_28 : memref<10000x128xf32, #tpu.memory_space<hbm>>) target(%arg11 : memref<80x128xf32, #tpu.memory_space<vmem>>) offsets(%dma_start3A_25 : memref<80xi32, #tpu.memory_space<vmem>>) semaphore(%arg14 : memref<!tpu.dma_semaphore, #tpu.memory_space<semaphore_mem>>)
      %scan3A_29 = arith.constant 0 : i32
      %scan3A_30 = arith.constant 8 : i32
      %scan3A_31 = arith.addi %scan3A_29, %scan3A_30 : i32
      %scan3A_32 = arith.constant 1 : i32
      scf.for %scan3A_40 = %scan3A_29 to %scan3A_31 step %scan3A_32  : i32 {
        %mul3A_41 = arith.constant 3 : i32
        %mul3A_42 = arith.muli %scan3A_40, %mul3A_41 : i32
        %add3A_43 = arith.constant 0 : i32
        %add3A_44 = arith.addi %add3A_43, %mul3A_42 : i32
        %add3A_45 = arith.constant 2 : i32
        %add3A_46 = arith.addi %add3A_44, %add3A_45 : i32
        %dma_start3A_47 = arith.constant 0 : i32
        %dma_start3A_48 = tpu.memref_slice %arg8[%add3A_46, %dma_start3A_47] : memref<25x80xi32, #tpu.memory_space<vmem>> -> memref<1x80xi32, #tpu.memory_space<vmem>>
        %dma_start3A_49 = tpu.memref_squeeze %dma_start3A_48 : memref<1x80xi32, #tpu.memory_space<vmem>> -> memref<80xi32, #tpu.memory_space<vmem>>
        %dma_start3A_50 = arith.constant 0 : i32
        %dma_start3A_51 = arith.constant 0 : i32
        %dma_start3A_52 = tpu.memref_slice %arg2[%dma_start3A_50, %dma_start3A_51] : memref<10000x128xf32, #tpu.memory_space<hbm>> -> memref<10000x128xf32, #tpu.memory_space<hbm>>
        tpu.enqueue_indirect_dma source(%dma_start3A_52 : memref<10000x128xf32, #tpu.memory_space<hbm>>) target(%arg12 : memref<80x128xf32, #tpu.memory_space<vmem>>) offsets(%dma_start3A_49 : memref<80xi32, #tpu.memory_space<vmem>>) semaphore(%arg15 : memref<!tpu.dma_semaphore, #tpu.memory_space<semaphore_mem>>)
        %dma_wait3A_53 = arith.constant 0 : i32
        %dma_wait3A_54 = tpu.memref_slice %arg8[%add3A_44, %dma_wait3A_53] : memref<25x80xi32, #tpu.memory_space<vmem>> -> memref<1x80xi32, #tpu.memory_space<vmem>>
        %dma_wait3A_55 = tpu.memref_squeeze %dma_wait3A_54 : memref<1x80xi32, #tpu.memory_space<vmem>> -> memref<80xi32, #tpu.memory_space<vmem>>
        %dma_wait3A_56 = arith.constant 0 : i32
        %dma_wait3A_57 = arith.constant 0 : i32
        %dma_wait3A_58 = tpu.memref_slice %arg2[%dma_wait3A_56, %dma_wait3A_57] : memref<10000x128xf32, #tpu.memory_space<hbm>> -> memref<10000x128xf32, #tpu.memory_space<hbm>>
        tpu.wait_indirect_dma semaphore(%arg13 : memref<!tpu.dma_semaphore, #tpu.memory_space<semaphore_mem>>) src(%dma_wait3A_58 : memref<10000x128xf32, #tpu.memory_space<hbm>>) dst(%arg10 : memref<80x128xf32, #tpu.memory_space<vmem>>)
        "tpu.region"() ({
          %run_scoped3A_90 = tpu.sem_alloc : memref<!tpu.dma_semaphore, #tpu.memory_space<semaphore_mem>>
          %dma_start3A_91 = arith.constant 0 : i32
          %dma_start3A_92 = tpu.memref_slice %arg9[%add3A_44, %dma_start3A_91] : memref<25x80xi32, #tpu.memory_space<vmem>> -> memref<1x80xi32, #tpu.memory_space<vmem>>
          %dma_start3A_93 = tpu.memref_squeeze %dma_start3A_92 : memref<1x80xi32, #tpu.memory_space<vmem>> -> memref<80xi32, #tpu.memory_space<vmem>>
          %dma_start3A_94 = arith.constant 0 : i32
          %dma_start3A_95 = arith.constant 0 : i32
          %dma_start3A_96 = tpu.memref_slice %arg7[%dma_start3A_94, %dma_start3A_95] : memref<10112x128xf32, #tpu.memory_space<vmem_shared>> -> memref<10112x128xf32, #tpu.memory_space<vmem_shared>>
          tpu.enqueue_indirect_dma source(%arg10 : memref<80x128xf32, #tpu.memory_space<vmem>>) target(%dma_start3A_96 : memref<10112x128xf32, #tpu.memory_space<vmem_shared>>) offsets(%dma_start3A_93 : memref<80xi32, #tpu.memory_space<vmem>>) semaphore(%run_scoped3A_90 : memref<!tpu.dma_semaphore, #tpu.memory_space<semaphore_mem>>) {add = true}
          %dma_wait3A_97 = arith.constant 0 : i32
          %dma_wait3A_98 = tpu.memref_slice %arg9[%add3A_44, %dma_wait3A_97] : memref<25x80xi32, #tpu.memory_space<vmem>> -> memref<1x80xi32, #tpu.memory_space<vmem>>
          %dma_wait3A_99 = tpu.memref_squeeze %dma_wait3A_98 : memref<1x80xi32, #tpu.memory_space<vmem>> -> memref<80xi32, #tpu.memory_space<vmem>>
          %dma_wait3A_100 = arith.constant 0 : i32
          %dma_wait3A_101 = arith.constant 0 : i32
          %dma_wait3A_102 = tpu.memref_slice %arg7[%dma_wait3A_100, %dma_wait3A_101] : memref<10112x128xf32, #tpu.memory_space<vmem_shared>> -> memref<10112x128xf32, #tpu.memory_space<vmem_shared>>
          tpu.wait_indirect_dma semaphore(%run_scoped3A_90 : memref<!tpu.dma_semaphore, #tpu.memory_space<semaphore_mem>>) src(%arg10 : memref<80x128xf32, #tpu.memory_space<vmem>>) dst(%dma_wait3A_102 : memref<10112x128xf32, #tpu.memory_space<vmem_shared>>)
          tpu.yield
        }) : () -> ()
        %add3A_59 = arith.constant 3 : i32
        %add3A_60 = arith.addi %add3A_44, %add3A_59 : i32
        %lt3A = arith.constant 25 : i32
        %lt3A_61 = arith.cmpi slt, %add3A_60, %lt3A : i32
        %convert_element_type3A = arith.extui %lt3A_61 : i1 to i32
        %cond3A = arith.constant 0 : i32
        %cond3A_62 = arith.cmpi ne, %convert_element_type3A, %cond3A : i32
        scf.if %cond3A_62 {
          %add3A_90 = arith.constant 3 : i32
          %add3A_91 = arith.addi %add3A_44, %add3A_90 : i32
          %dma_start3A_92 = arith.constant 0 : i32
          %dma_start3A_93 = tpu.memref_slice %arg8[%add3A_91, %dma_start3A_92] : memref<25x80xi32, #tpu.memory_space<vmem>> -> memref<1x80xi32, #tpu.memory_space<vmem>>
          %dma_start3A_94 = tpu.memref_squeeze %dma_start3A_93 : memref<1x80xi32, #tpu.memory_space<vmem>> -> memref<80xi32, #tpu.memory_space<vmem>>
          %dma_start3A_95 = arith.constant 0 : i32
          %dma_start3A_96 = arith.constant 0 : i32
          %dma_start3A_97 = tpu.memref_slice %arg2[%dma_start3A_95, %dma_start3A_96] : memref<10000x128xf32, #tpu.memory_space<hbm>> -> memref<10000x128xf32, #tpu.memory_space<hbm>>
          tpu.enqueue_indirect_dma source(%dma_start3A_97 : memref<10000x128xf32, #tpu.memory_space<hbm>>) target(%arg10 : memref<80x128xf32, #tpu.memory_space<vmem>>) offsets(%dma_start3A_94 : memref<80xi32, #tpu.memory_space<vmem>>) semaphore(%arg13 : memref<!tpu.dma_semaphore, #tpu.memory_space<semaphore_mem>>)
        } else {
        }
        %add3A_63 = arith.constant 1 : i32
        %add3A_64 = arith.addi %add3A_44, %add3A_63 : i32
        %dma_wait3A_65 = arith.constant 0 : i32
        %dma_wait3A_66 = tpu.memref_slice %arg8[%add3A_64, %dma_wait3A_65] : memref<25x80xi32, #tpu.memory_space<vmem>> -> memref<1x80xi32, #tpu.memory_space<vmem>>
        %dma_wait3A_67 = tpu.memref_squeeze %dma_wait3A_66 : memref<1x80xi32, #tpu.memory_space<vmem>> -> memref<80xi32, #tpu.memory_space<vmem>>
        %dma_wait3A_68 = arith.constant 0 : i32
        %dma_wait3A_69 = arith.constant 0 : i32
        %dma_wait3A_70 = tpu.memref_slice %arg2[%dma_wait3A_68, %dma_wait3A_69] : memref<10000x128xf32, #tpu.memory_space<hbm>> -> memref<10000x128xf32, #tpu.memory_space<hbm>>
        tpu.wait_indirect_dma semaphore(%arg14 : memref<!tpu.dma_semaphore, #tpu.memory_space<semaphore_mem>>) src(%dma_wait3A_70 : memref<10000x128xf32, #tpu.memory_space<hbm>>) dst(%arg11 : memref<80x128xf32, #tpu.memory_space<vmem>>)
        %add3A_71 = arith.constant 1 : i32
        %add3A_72 = arith.addi %add3A_44, %add3A_71 : i32
        "tpu.region"() ({
          %run_scoped3A_90 = tpu.sem_alloc : memref<!tpu.dma_semaphore, #tpu.memory_space<semaphore_mem>>
          %dma_start3A_91 = arith.constant 0 : i32
          %dma_start3A_92 = tpu.memref_slice %arg9[%add3A_72, %dma_start3A_91] : memref<25x80xi32, #tpu.memory_space<vmem>> -> memref<1x80xi32, #tpu.memory_space<vmem>>
          %dma_start3A_93 = tpu.memref_squeeze %dma_start3A_92 : memref<1x80xi32, #tpu.memory_space<vmem>> -> memref<80xi32, #tpu.memory_space<vmem>>
          %dma_start3A_94 = arith.constant 0 : i32
          %dma_start3A_95 = arith.constant 0 : i32
          %dma_start3A_96 = tpu.memref_slice %arg7[%dma_start3A_94, %dma_start3A_95] : memref<10112x128xf32, #tpu.memory_space<vmem_shared>> -> memref<10112x128xf32, #tpu.memory_space<vmem_shared>>
          tpu.enqueue_indirect_dma source(%arg11 : memref<80x128xf32, #tpu.memory_space<vmem>>) target(%dma_start3A_96 : memref<10112x128xf32, #tpu.memory_space<vmem_shared>>) offsets(%dma_start3A_93 : memref<80xi32, #tpu.memory_space<vmem>>) semaphore(%run_scoped3A_90 : memref<!tpu.dma_semaphore, #tpu.memory_space<semaphore_mem>>) {add = true}
          %dma_wait3A_97 = arith.constant 0 : i32
          %dma_wait3A_98 = tpu.memref_slice %arg9[%add3A_72, %dma_wait3A_97] : memref<25x80xi32, #tpu.memory_space<vmem>> -> memref<1x80xi32, #tpu.memory_space<vmem>>
          %dma_wait3A_99 = tpu.memref_squeeze %dma_wait3A_98 : memref<1x80xi32, #tpu.memory_space<vmem>> -> memref<80xi32, #tpu.memory_space<vmem>>
          %dma_wait3A_100 = arith.constant 0 : i32
          %dma_wait3A_101 = arith.constant 0 : i32
          %dma_wait3A_102 = tpu.memref_slice %arg7[%dma_wait3A_100, %dma_wait3A_101] : memref<10112x128xf32, #tpu.memory_space<vmem_shared>> -> memref<10112x128xf32, #tpu.memory_space<vmem_shared>>
          tpu.wait_indirect_dma semaphore(%run_scoped3A_90 : memref<!tpu.dma_semaphore, #tpu.memory_space<semaphore_mem>>) src(%arg11 : memref<80x128xf32, #tpu.memory_space<vmem>>) dst(%dma_wait3A_102 : memref<10112x128xf32, #tpu.memory_space<vmem_shared>>)
          tpu.yield
        }) : () -> ()
        %add3A_73 = arith.constant 4 : i32
        %add3A_74 = arith.addi %add3A_44, %add3A_73 : i32
        %lt3A_75 = arith.constant 25 : i32
        %lt3A_76 = arith.cmpi slt, %add3A_74, %lt3A_75 : i32
        %convert_element_type3A_77 = arith.extui %lt3A_76 : i1 to i32
        %cond3A_78 = arith.constant 0 : i32
        %cond3A_79 = arith.cmpi ne, %convert_element_type3A_77, %cond3A_78 : i32
        scf.if %cond3A_79 {
          %add3A_90 = arith.constant 4 : i32
          %add3A_91 = arith.addi %add3A_44, %add3A_90 : i32
          %dma_start3A_92 = arith.constant 0 : i32
          %dma_start3A_93 = tpu.memref_slice %arg8[%add3A_91, %dma_start3A_92] : memref<25x80xi32, #tpu.memory_space<vmem>> -> memref<1x80xi32, #tpu.memory_space<vmem>>
          %dma_start3A_94 = tpu.memref_squeeze %dma_start3A_93 : memref<1x80xi32, #tpu.memory_space<vmem>> -> memref<80xi32, #tpu.memory_space<vmem>>
          %dma_start3A_95 = arith.constant 0 : i32
          %dma_start3A_96 = arith.constant 0 : i32
          %dma_start3A_97 = tpu.memref_slice %arg2[%dma_start3A_95, %dma_start3A_96] : memref<10000x128xf32, #tpu.memory_space<hbm>> -> memref<10000x128xf32, #tpu.memory_space<hbm>>
          tpu.enqueue_indirect_dma source(%dma_start3A_97 : memref<10000x128xf32, #tpu.memory_space<hbm>>) target(%arg11 : memref<80x128xf32, #tpu.memory_space<vmem>>) offsets(%dma_start3A_94 : memref<80xi32, #tpu.memory_space<vmem>>) semaphore(%arg14 : memref<!tpu.dma_semaphore, #tpu.memory_space<semaphore_mem>>)
        } else {
        }
        %add3A_80 = arith.constant 2 : i32
        %add3A_81 = arith.addi %add3A_44, %add3A_80 : i32
        %dma_wait3A_82 = arith.constant 0 : i32
        %dma_wait3A_83 = tpu.memref_slice %arg8[%add3A_81, %dma_wait3A_82] : memref<25x80xi32, #tpu.memory_space<vmem>> -> memref<1x80xi32, #tpu.memory_space<vmem>>
        %dma_wait3A_84 = tpu.memref_squeeze %dma_wait3A_83 : memref<1x80xi32, #tpu.memory_space<vmem>> -> memref<80xi32, #tpu.memory_space<vmem>>
        %dma_wait3A_85 = arith.constant 0 : i32
        %dma_wait3A_86 = arith.constant 0 : i32
        %dma_wait3A_87 = tpu.memref_slice %arg2[%dma_wait3A_85, %dma_wait3A_86] : memref<10000x128xf32, #tpu.memory_space<hbm>> -> memref<10000x128xf32, #tpu.memory_space<hbm>>
        tpu.wait_indirect_dma semaphore(%arg15 : memref<!tpu.dma_semaphore, #tpu.memory_space<semaphore_mem>>) src(%dma_wait3A_87 : memref<10000x128xf32, #tpu.memory_space<hbm>>) dst(%arg12 : memref<80x128xf32, #tpu.memory_space<vmem>>)
        %add3A_88 = arith.constant 2 : i32
        %add3A_89 = arith.addi %add3A_44, %add3A_88 : i32
        "tpu.region"() ({
          %run_scoped3A_90 = tpu.sem_alloc : memref<!tpu.dma_semaphore, #tpu.memory_space<semaphore_mem>>
          %dma_start3A_91 = arith.constant 0 : i32
          %dma_start3A_92 = tpu.memref_slice %arg9[%add3A_89, %dma_start3A_91] : memref<25x80xi32, #tpu.memory_space<vmem>> -> memref<1x80xi32, #tpu.memory_space<vmem>>
          %dma_start3A_93 = tpu.memref_squeeze %dma_start3A_92 : memref<1x80xi32, #tpu.memory_space<vmem>> -> memref<80xi32, #tpu.memory_space<vmem>>
          %dma_start3A_94 = arith.constant 0 : i32
          %dma_start3A_95 = arith.constant 0 : i32
          %dma_start3A_96 = tpu.memref_slice %arg7[%dma_start3A_94, %dma_start3A_95] : memref<10112x128xf32, #tpu.memory_space<vmem_shared>> -> memref<10112x128xf32, #tpu.memory_space<vmem_shared>>
          tpu.enqueue_indirect_dma source(%arg12 : memref<80x128xf32, #tpu.memory_space<vmem>>) target(%dma_start3A_96 : memref<10112x128xf32, #tpu.memory_space<vmem_shared>>) offsets(%dma_start3A_93 : memref<80xi32, #tpu.memory_space<vmem>>) semaphore(%run_scoped3A_90 : memref<!tpu.dma_semaphore, #tpu.memory_space<semaphore_mem>>) {add = true}
          %dma_wait3A_97 = arith.constant 0 : i32
          %dma_wait3A_98 = tpu.memref_slice %arg9[%add3A_89, %dma_wait3A_97] : memref<25x80xi32, #tpu.memory_space<vmem>> -> memref<1x80xi32, #tpu.memory_space<vmem>>
          %dma_wait3A_99 = tpu.memref_squeeze %dma_wait3A_98 : memref<1x80xi32, #tpu.memory_space<vmem>> -> memref<80xi32, #tpu.memory_space<vmem>>
          %dma_wait3A_100 = arith.constant 0 : i32
          %dma_wait3A_101 = arith.constant 0 : i32
          %dma_wait3A_102 = tpu.memref_slice %arg7[%dma_wait3A_100, %dma_wait3A_101] : memref<10112x128xf32, #tpu.memory_space<vmem_shared>> -> memref<10112x128xf32, #tpu.memory_space<vmem_shared>>
          tpu.wait_indirect_dma semaphore(%run_scoped3A_90 : memref<!tpu.dma_semaphore, #tpu.memory_space<semaphore_mem>>) src(%arg12 : memref<80x128xf32, #tpu.memory_space<vmem>>) dst(%dma_wait3A_102 : memref<10112x128xf32, #tpu.memory_space<vmem_shared>>)
          tpu.yield
        }) : () -> ()
      }
      %scan3A_33 = arith.constant 8 : i32
      %dma_wait3A = arith.constant 24 : i32
      %dma_wait3A_34 = arith.constant 0 : i32
      %dma_wait3A_35 = tpu.memref_slice %arg8[%dma_wait3A, %dma_wait3A_34] : memref<25x80xi32, #tpu.memory_space<vmem>> -> memref<1x80xi32, #tpu.memory_space<vmem>>
      %dma_wait3A_36 = tpu.memref_squeeze %dma_wait3A_35 : memref<1x80xi32, #tpu.memory_space<vmem>> -> memref<80xi32, #tpu.memory_space<vmem>>
      %dma_wait3A_37 = arith.constant 0 : i32
      %dma_wait3A_38 = arith.constant 0 : i32
      %dma_wait3A_39 = tpu.memref_slice %arg2[%dma_wait3A_37, %dma_wait3A_38] : memref<10000x128xf32, #tpu.memory_space<hbm>> -> memref<10000x128xf32, #tpu.memory_space<hbm>>
      tpu.wait_indirect_dma semaphore(%arg13 : memref<!tpu.dma_semaphore, #tpu.memory_space<semaphore_mem>>) src(%dma_wait3A_39 : memref<10000x128xf32, #tpu.memory_space<hbm>>) dst(%arg10 : memref<80x128xf32, #tpu.memory_space<vmem>>)
      %run_scoped3A = arith.constant 24 : i32
      "tpu.region"() ({
        %run_scoped3A_40 = tpu.sem_alloc : memref<!tpu.dma_semaphore, #tpu.memory_space<semaphore_mem>>
        %dma_start3A_41 = arith.constant 0 : i32
        %dma_start3A_42 = tpu.memref_slice %arg9[%run_scoped3A, %dma_start3A_41] : memref<25x80xi32, #tpu.memory_space<vmem>> -> memref<1x80xi32, #tpu.memory_space<vmem>>
        %dma_start3A_43 = tpu.memref_squeeze %dma_start3A_42 : memref<1x80xi32, #tpu.memory_space<vmem>> -> memref<80xi32, #tpu.memory_space<vmem>>
        %dma_start3A_44 = arith.constant 0 : i32
        %dma_start3A_45 = arith.constant 0 : i32
        %dma_start3A_46 = tpu.memref_slice %arg7[%dma_start3A_44, %dma_start3A_45] : memref<10112x128xf32, #tpu.memory_space<vmem_shared>> -> memref<10112x128xf32, #tpu.memory_space<vmem_shared>>
        tpu.enqueue_indirect_dma source(%arg10 : memref<80x128xf32, #tpu.memory_space<vmem>>) target(%dma_start3A_46 : memref<10112x128xf32, #tpu.memory_space<vmem_shared>>) offsets(%dma_start3A_43 : memref<80xi32, #tpu.memory_space<vmem>>) semaphore(%run_scoped3A_40 : memref<!tpu.dma_semaphore, #tpu.memory_space<semaphore_mem>>) {add = true}
        %dma_wait3A_47 = arith.constant 0 : i32
        %dma_wait3A_48 = tpu.memref_slice %arg9[%run_scoped3A, %dma_wait3A_47] : memref<25x80xi32, #tpu.memory_space<vmem>> -> memref<1x80xi32, #tpu.memory_space<vmem>>
        %dma_wait3A_49 = tpu.memref_squeeze %dma_wait3A_48 : memref<1x80xi32, #tpu.memory_space<vmem>> -> memref<80xi32, #tpu.memory_space<vmem>>
        %dma_wait3A_50 = arith.constant 0 : i32
        %dma_wait3A_51 = arith.constant 0 : i32
        %dma_wait3A_52 = tpu.memref_slice %arg7[%dma_wait3A_50, %dma_wait3A_51] : memref<10112x128xf32, #tpu.memory_space<vmem_shared>> -> memref<10112x128xf32, #tpu.memory_space<vmem_shared>>
        tpu.wait_indirect_dma semaphore(%run_scoped3A_40 : memref<!tpu.dma_semaphore, #tpu.memory_space<semaphore_mem>>) src(%arg10 : memref<80x128xf32, #tpu.memory_space<vmem>>) dst(%dma_wait3A_52 : memref<10112x128xf32, #tpu.memory_space<vmem_shared>>)
        tpu.yield
      }) : () -> ()
    }
    %scan3A_6 = arith.constant 5 : i32
    %barrier3A_7 = arith.constant 0 : index
    tpu.barrier barrier_id(%barrier3A_7)
    %mul3A_8 = arith.constant 10112 : i32
    %mul3A_9 = arith.muli %arg0, %mul3A_8 : i32
    %add3A_10 = arith.addi %mul3A_9, %mul3A_2 : i32
    "tpu.region"() ({
      %run_scoped3A = tpu.sem_alloc : memref<!tpu.dma_semaphore, #tpu.memory_space<semaphore_mem>>
      %dma_start3A = arith.constant 0 : i32
      %dma_start3A_11 = tpu.memref_slice %arg6[%add3A_10, %dma_start3A] : memref<20224x128xf32, #tpu.memory_space<hbm>> -> memref<632x128xf32, #tpu.memory_space<hbm>>
      %dma_start3A_12 = arith.constant 0 : i32
      %dma_start3A_13 = tpu.memref_slice %arg7[%mul3A_2, %dma_start3A_12] : memref<10112x128xf32, #tpu.memory_space<vmem_shared>> -> memref<632x128xf32, #tpu.memory_space<vmem_shared>>
      tpu.enqueue_dma source(%dma_start3A_13 : memref<632x128xf32, #tpu.memory_space<vmem_shared>>) target(%dma_start3A_11 : memref<632x128xf32, #tpu.memory_space<hbm>>) target_semaphore(%run_scoped3A : memref<!tpu.dma_semaphore, #tpu.memory_space<semaphore_mem>>)
      %dma_wait3A = arith.constant 0 : i32
      %dma_wait3A_14 = tpu.memref_slice %arg6[%add3A_10, %dma_wait3A] : memref<20224x128xf32, #tpu.memory_space<hbm>> -> memref<632x128xf32, #tpu.memory_space<hbm>>
      %dma_wait3A_15 = arith.constant 0 : i32
      %dma_wait3A_16 = tpu.memref_slice %arg7[%mul3A_2, %dma_wait3A_15] : memref<10112x128xf32, #tpu.memory_space<vmem_shared>> -> memref<632x128xf32, #tpu.memory_space<vmem_shared>>
      tpu.wait_dma2 semaphore(%run_scoped3A : memref<!tpu.dma_semaphore, #tpu.memory_space<semaphore_mem>>) src(%dma_wait3A_16 : memref<632x128xf32, #tpu.memory_space<vmem_shared>>) dst(%dma_wait3A_14 : memref<632x128xf32, #tpu.memory_space<hbm>>)
      tpu.yield
    }) : () -> ()
    return
  }
}

#map = affine_map<(d0, d1) -> (0, 0)>
#map1 = affine_map<(d0, d1) -> (0, 0, 0, 0)>
module attributes {stable_mosaic.version = 14 : i64} {
  func.func @body(%arg0: i32, %arg1: i32, %arg2: memref<10000x128xf32, #tpu.memory_space<hbm>>, %arg3: memref<32x5x25x80xi32, #tpu.memory_space<hbm>>, %arg4: memref<32x5x25x80xi32, #tpu.memory_space<hbm>>, %arg5: memref<10112x128xf32, #tpu.memory_space<hbm>>, %arg6: memref<20224x128xf32, #tpu.memory_space<hbm>>, %arg7: memref<10112x128xf32, #tpu.memory_space<vmem_shared>>, %arg8: memref<25x80xi32, #tpu.memory_space<vmem>>, %arg9: memref<25x80xi32, #tpu.memory_space<vmem>>, %arg10: memref<80x128xf32, #tpu.memory_space<vmem>>, %arg11: memref<80x128xf32, #tpu.memory_space<vmem>>, %arg12: memref<80x128xf32, #tpu.memory_space<vmem>>, %arg13: memref<!tpu.dma_semaphore, #tpu.memory_space<semaphore_mem>>, %arg14: memref<!tpu.dma_semaphore, #tpu.memory_space<semaphore_mem>>, %arg15: memref<!tpu.dma_semaphore, #tpu.memory_space<semaphore_mem>>) attributes {dimension_semantics = [#tpu.dimension_semantics<core_parallel>, #tpu.dimension_semantics<subcore_parallel>], iteration_bounds = array<i64: 2, 16>, scalar_prefetch = 0 : i64, scratch_operands = 9 : i64, tpu.core_type = #tpu.core_type<sc_vector_subcore>, window_params = [{transform_indices = #map}, {transform_indices = #map1}, {transform_indices = #map1}, {transform_indices = #map}, {transform_indices = #map}]} {
    %mul3A = arith.constant 16 : i32
    %mul3A_0 = arith.muli %arg0, %mul3A : i32
    %add3A = arith.addi %mul3A_0, %arg1 : i32
    %mul3A_1 = arith.constant 632 : i32
    %mul3A_2 = arith.muli %arg1, %mul3A_1 : i32
    "tpu.region"() ({
      %run_scoped3A = tpu.sem_alloc : memref<!tpu.dma_semaphore, #tpu.memory_space<semaphore_mem>>
      %dma_start3A = arith.constant 0 : i32
      %dma_start3A_11 = tpu.memref_slice %arg7[%mul3A_2, %dma_start3A] : memref<10112x128xf32, #tpu.memory_space<vmem_shared>> -> memref<632x128xf32, #tpu.memory_space<vmem_shared>>
      %dma_start3A_12 = arith.constant 0 : i32
      %dma_start3A_13 = tpu.memref_slice %arg5[%mul3A_2, %dma_start3A_12] : memref<10112x128xf32, #tpu.memory_space<hbm>> -> memref<632x128xf32, #tpu.memory_space<hbm>>
      tpu.enqueue_dma source(%dma_start3A_13 : memref<632x128xf32, #tpu.memory_space<hbm>>) target(%dma_start3A_11 : memref<632x128xf32, #tpu.memory_space<vmem_shared>>) target_semaphore(%run_scoped3A : memref<!tpu.dma_semaphore, #tpu.memory_space<semaphore_mem>>)
      %dma_wait3A = arith.constant 0 : i32
      %dma_wait3A_14 = tpu.memref_slice %arg7[%mul3A_2, %dma_wait3A] : memref<10112x128xf32, #tpu.memory_space<vmem_shared>> -> memref<632x128xf32, #tpu.memory_space<vmem_shared>>
      %dma_wait3A_15 = arith.constant 0 : i32
      %dma_wait3A_16 = tpu.memref_slice %arg5[%mul3A_2, %dma_wait3A_15] : memref<10112x128xf32, #tpu.memory_space<hbm>> -> memref<632x128xf32, #tpu.memory_space<hbm>>
      tpu.wait_dma2 semaphore(%run_scoped3A : memref<!tpu.dma_semaphore, #tpu.memory_space<semaphore_mem>>) src(%dma_wait3A_16 : memref<632x128xf32, #tpu.memory_space<hbm>>) dst(%dma_wait3A_14 : memref<632x128xf32, #tpu.memory_space<vmem_shared>>)
      tpu.yield
    }) : () -> ()
    %barrier3A = arith.constant 0 : index
    tpu.barrier barrier_id(%barrier3A)
    %scan3A = arith.constant 0 : i32
    %scan3A_3 = arith.constant 5 : i32
    %scan3A_4 = arith.addi %scan3A, %scan3A_3 : i32
    %scan3A_5 = arith.constant 1 : i32
    scf.for %scan3A_11 = %scan3A to %scan3A_4 step %scan3A_5  : i32 {
      %mul3A_12 = arith.constant 1 : i32
      %mul3A_13 = arith.muli %scan3A_11, %mul3A_12 : i32
      %add3A_14 = arith.constant 0 : i32
      %add3A_15 = arith.addi %add3A_14, %mul3A_13 : i32
      "tpu.region"() ({
        %run_scoped3A_40 = tpu.sem_alloc : memref<!tpu.dma_semaphore, #tpu.memory_space<semaphore_mem>>
        %dma_start3A_41 = arith.constant 0 : i32
        %dma_start3A_42 = arith.constant 0 : i32
        %dma_start3A_43 = tpu.memref_slice %arg3[%add3A, %add3A_15, %dma_start3A_41, %dma_start3A_42] : memref<32x5x25x80xi32, #tpu.memory_space<hbm>> -> memref<1x1x25x80xi32, #tpu.memory_space<hbm>>
        %dma_start3A_44 = tpu.memref_squeeze %dma_start3A_43 : memref<1x1x25x80xi32, #tpu.memory_space<hbm>> -> memref<25x80xi32, #tpu.memory_space<hbm>>
        %dma_start3A_45 = arith.constant 0 : i32
        %dma_start3A_46 = arith.constant 0 : i32
        %dma_start3A_47 = tpu.memref_slice %arg3[%add3A, %add3A_15, %dma_start3A_45, %dma_start3A_46] : memref<32x5x25x80xi32, #tpu.memory_space<hbm>> -> memref<1x1x25x80xi32, #tpu.memory_space<hbm>>
        %dma_start3A_48 = tpu.memref_squeeze %dma_start3A_47 : memref<1x1x25x80xi32, #tpu.memory_space<hbm>> -> memref<25x80xi32, #tpu.memory_space<hbm>>
        tpu.enqueue_dma source(%dma_start3A_48 : memref<25x80xi32, #tpu.memory_space<hbm>>) target(%arg8 : memref<25x80xi32, #tpu.memory_space<vmem>>) target_semaphore(%run_scoped3A_40 : memref<!tpu.dma_semaphore, #tpu.memory_space<semaphore_mem>>)
        %dma_wait3A_49 = arith.constant 0 : i32
        %dma_wait3A_50 = arith.constant 0 : i32
        %dma_wait3A_51 = tpu.memref_slice %arg3[%add3A, %add3A_15, %dma_wait3A_49, %dma_wait3A_50] : memref<32x5x25x80xi32, #tpu.memory_space<hbm>> -> memref<1x1x25x80xi32, #tpu.memory_space<hbm>>
        %dma_wait3A_52 = tpu.memref_squeeze %dma_wait3A_51 : memref<1x1x25x80xi32, #tpu.memory_space<hbm>> -> memref<25x80xi32, #tpu.memory_space<hbm>>
        %dma_wait3A_53 = arith.constant 0 : i32
        %dma_wait3A_54 = arith.constant 0 : i32
        %dma_wait3A_55 = tpu.memref_slice %arg3[%add3A, %add3A_15, %dma_wait3A_53, %dma_wait3A_54] : memref<32x5x25x80xi32, #tpu.memory_space<hbm>> -> memref<1x1x25x80xi32, #tpu.memory_space<hbm>>
        %dma_wait3A_56 = tpu.memref_squeeze %dma_wait3A_55 : memref<1x1x25x80xi32, #tpu.memory_space<hbm>> -> memref<25x80xi32, #tpu.memory_space<hbm>>
        tpu.wait_dma2 semaphore(%run_scoped3A_40 : memref<!tpu.dma_semaphore, #tpu.memory_space<semaphore_mem>>) src(%dma_wait3A_56 : memref<25x80xi32, #tpu.memory_space<hbm>>) dst(%arg8 : memref<25x80xi32, #tpu.memory_space<vmem>>)
        tpu.yield
      }) : () -> ()
      "tpu.region"() ({
        %run_scoped3A_40 = tpu.sem_alloc : memref<!tpu.dma_semaphore, #tpu.memory_space<semaphore_mem>>
        %dma_start3A_41 = arith.constant 0 : i32
        %dma_start3A_42 = arith.constant 0 : i32
        %dma_start3A_43 = tpu.memref_slice %arg4[%add3A, %add3A_15, %dma_start3A_41, %dma_start3A_42] : memref<32x5x25x80xi32, #tpu.memory_space<hbm>> -> memref<1x1x25x80xi32, #tpu.memory_space<hbm>>
        %dma_start3A_44 = tpu.memref_squeeze %dma_start3A_43 : memref<1x1x25x80xi32, #tpu.memory_space<hbm>> -> memref<25x80xi32, #tpu.memory_space<hbm>>
        %dma_start3A_45 = arith.constant 0 : i32
        %dma_start3A_46 = arith.constant 0 : i32
        %dma_start3A_47 = tpu.memref_slice %arg4[%add3A, %add3A_15, %dma_start3A_45, %dma_start3A_46] : memref<32x5x25x80xi32, #tpu.memory_space<hbm>> -> memref<1x1x25x80xi32, #tpu.memory_space<hbm>>
        %dma_start3A_48 = tpu.memref_squeeze %dma_start3A_47 : memref<1x1x25x80xi32, #tpu.memory_space<hbm>> -> memref<25x80xi32, #tpu.memory_space<hbm>>
        tpu.enqueue_dma source(%dma_start3A_48 : memref<25x80xi32, #tpu.memory_space<hbm>>) target(%arg9 : memref<25x80xi32, #tpu.memory_space<vmem>>) target_semaphore(%run_scoped3A_40 : memref<!tpu.dma_semaphore, #tpu.memory_space<semaphore_mem>>)
        %dma_wait3A_49 = arith.constant 0 : i32
        %dma_wait3A_50 = arith.constant 0 : i32
        %dma_wait3A_51 = tpu.memref_slice %arg4[%add3A, %add3A_15, %dma_wait3A_49, %dma_wait3A_50] : memref<32x5x25x80xi32, #tpu.memory_space<hbm>> -> memref<1x1x25x80xi32, #tpu.memory_space<hbm>>
        %dma_wait3A_52 = tpu.memref_squeeze %dma_wait3A_51 : memref<1x1x25x80xi32, #tpu.memory_space<hbm>> -> memref<25x80xi32, #tpu.memory_space<hbm>>
        %dma_wait3A_53 = arith.constant 0 : i32
        %dma_wait3A_54 = arith.constant 0 : i32
        %dma_wait3A_55 = tpu.memref_slice %arg4[%add3A, %add3A_15, %dma_wait3A_53, %dma_wait3A_54] : memref<32x5x25x80xi32, #tpu.memory_space<hbm>> -> memref<1x1x25x80xi32, #tpu.memory_space<hbm>>
        %dma_wait3A_56 = tpu.memref_squeeze %dma_wait3A_55 : memref<1x1x25x80xi32, #tpu.memory_space<hbm>> -> memref<25x80xi32, #tpu.memory_space<hbm>>
        tpu.wait_dma2 semaphore(%run_scoped3A_40 : memref<!tpu.dma_semaphore, #tpu.memory_space<semaphore_mem>>) src(%dma_wait3A_56 : memref<25x80xi32, #tpu.memory_space<hbm>>) dst(%arg9 : memref<25x80xi32, #tpu.memory_space<vmem>>)
        tpu.yield
      }) : () -> ()
      %dma_start3A = arith.constant 0 : i32
      %dma_start3A_16 = arith.constant 0 : i32
      %dma_start3A_17 = tpu.memref_slice %arg8[%dma_start3A, %dma_start3A_16] : memref<25x80xi32, #tpu.memory_space<vmem>> -> memref<1x80xi32, #tpu.memory_space<vmem>>
      %dma_start3A_18 = tpu.memref_squeeze %dma_start3A_17 : memref<1x80xi32, #tpu.memory_space<vmem>> -> memref<80xi32, #tpu.memory_space<vmem>>
      %dma_start3A_19 = arith.constant 0 : i32
      %dma_start3A_20 = arith.constant 0 : i32
      %dma_start3A_21 = tpu.memref_slice %arg2[%dma_start3A_19, %dma_start3A_20] : memref<10000x128xf32, #tpu.memory_space<hbm>> -> memref<10000x128xf32, #tpu.memory_space<hbm>>
      tpu.enqueue_indirect_dma source(%dma_start3A_21 : memref<10000x128xf32, #tpu.memory_space<hbm>>) target(%arg10 : memref<80x128xf32, #tpu.memory_space<vmem>>) offsets(%dma_start3A_18 : memref<80xi32, #tpu.memory_space<vmem>>) semaphore(%arg13 : memref<!tpu.dma_semaphore, #tpu.memory_space<semaphore_mem>>)
      %dma_start3A_22 = arith.constant 1 : i32
      %dma_start3A_23 = arith.constant 0 : i32
      %dma_start3A_24 = tpu.memref_slice %arg8[%dma_start3A_22, %dma_start3A_23] : memref<25x80xi32, #tpu.memory_space<vmem>> -> memref<1x80xi32, #tpu.memory_space<vmem>>
      %dma_start3A_25 = tpu.memref_squeeze %dma_start3A_24 : memref<1x80xi32, #tpu.memory_space<vmem>> -> memref<80xi32, #tpu.memory_space<vmem>>
      %dma_start3A_26 = arith.constant 0 : i32
      %dma_start3A_27 = arith.constant 0 : i32
      %dma_start3A_28 = tpu.memref_slice %arg2[%dma_start3A_26, %dma_start3A_27] : memref<10000x128xf32, #tpu.memory_space<hbm>> -> memref<10000x128xf32, #tpu.memory_space<hbm>>
      tpu.enqueue_indirect_dma source(%dma_start3A_28 : memref<10000x128xf32, #tpu.memory_space<hbm>>) target(%arg11 : memref<80x128xf32, #tpu.memory_space<vmem>>) offsets(%dma_start3A_25 : memref<80xi32, #tpu.memory_space<vmem>>) semaphore(%arg14 : memref<!tpu.dma_semaphore, #tpu.memory_space<semaphore_mem>>)
      %scan3A_29 = arith.constant 0 : i32
      %scan3A_30 = arith.constant 8 : i32
      %scan3A_31 = arith.addi %scan3A_29, %scan3A_30 : i32
      %scan3A_32 = arith.constant 1 : i32
      scf.for %scan3A_40 = %scan3A_29 to %scan3A_31 step %scan3A_32  : i32 {
        %mul3A_41 = arith.constant 3 : i32
        %mul3A_42 = arith.muli %scan3A_40, %mul3A_41 : i32
        %add3A_43 = arith.constant 0 : i32
        %add3A_44 = arith.addi %add3A_43, %mul3A_42 : i32
        %add3A_45 = arith.constant 2 : i32
        %add3A_46 = arith.addi %add3A_44, %add3A_45 : i32
        %dma_start3A_47 = arith.constant 0 : i32
        %dma_start3A_48 = tpu.memref_slice %arg8[%add3A_46, %dma_start3A_47] : memref<25x80xi32, #tpu.memory_space<vmem>> -> memref<1x80xi32, #tpu.memory_space<vmem>>
        %dma_start3A_49 = tpu.memref_squeeze %dma_start3A_48 : memref<1x80xi32, #tpu.memory_space<vmem>> -> memref<80xi32, #tpu.memory_space<vmem>>
        %dma_start3A_50 = arith.constant 0 : i32
        %dma_start3A_51 = arith.constant 0 : i32
        %dma_start3A_52 = tpu.memref_slice %arg2[%dma_start3A_50, %dma_start3A_51] : memref<10000x128xf32, #tpu.memory_space<hbm>> -> memref<10000x128xf32, #tpu.memory_space<hbm>>
        tpu.enqueue_indirect_dma source(%dma_start3A_52 : memref<10000x128xf32, #tpu.memory_space<hbm>>) target(%arg12 : memref<80x128xf32, #tpu.memory_space<vmem>>) offsets(%dma_start3A_49 : memref<80xi32, #tpu.memory_space<vmem>>) semaphore(%arg15 : memref<!tpu.dma_semaphore, #tpu.memory_space<semaphore_mem>>)
        %dma_wait3A_53 = arith.constant 0 : i32
        %dma_wait3A_54 = tpu.memref_slice %arg8[%add3A_44, %dma_wait3A_53] : memref<25x80xi32, #tpu.memory_space<vmem>> -> memref<1x80xi32, #tpu.memory_space<vmem>>
        %dma_wait3A_55 = tpu.memref_squeeze %dma_wait3A_54 : memref<1x80xi32, #tpu.memory_space<vmem>> -> memref<80xi32, #tpu.memory_space<vmem>>
        %dma_wait3A_56 = arith.constant 0 : i32
        %dma_wait3A_57 = arith.constant 0 : i32
        %dma_wait3A_58 = tpu.memref_slice %arg2[%dma_wait3A_56, %dma_wait3A_57] : memref<10000x128xf32, #tpu.memory_space<hbm>> -> memref<10000x128xf32, #tpu.memory_space<hbm>>
        tpu.wait_indirect_dma semaphore(%arg13 : memref<!tpu.dma_semaphore, #tpu.memory_space<semaphore_mem>>) src(%dma_wait3A_58 : memref<10000x128xf32, #tpu.memory_space<hbm>>) dst(%arg10 : memref<80x128xf32, #tpu.memory_space<vmem>>)
        "tpu.region"() ({
          %run_scoped3A_90 = tpu.sem_alloc : memref<!tpu.dma_semaphore, #tpu.memory_space<semaphore_mem>>
          %dma_start3A_91 = arith.constant 0 : i32
          %dma_start3A_92 = tpu.memref_slice %arg9[%add3A_44, %dma_start3A_91] : memref<25x80xi32, #tpu.memory_space<vmem>> -> memref<1x80xi32, #tpu.memory_space<vmem>>
          %dma_start3A_93 = tpu.memref_squeeze %dma_start3A_92 : memref<1x80xi32, #tpu.memory_space<vmem>> -> memref<80xi32, #tpu.memory_space<vmem>>
          %dma_start3A_94 = arith.constant 0 : i32
          %dma_start3A_95 = arith.constant 0 : i32
          %dma_start3A_96 = tpu.memref_slice %arg7[%dma_start3A_94, %dma_start3A_95] : memref<10112x128xf32, #tpu.memory_space<vmem_shared>> -> memref<10112x128xf32, #tpu.memory_space<vmem_shared>>
          tpu.enqueue_indirect_dma source(%arg10 : memref<80x128xf32, #tpu.memory_space<vmem>>) target(%dma_start3A_96 : memref<10112x128xf32, #tpu.memory_space<vmem_shared>>) offsets(%dma_start3A_93 : memref<80xi32, #tpu.memory_space<vmem>>) semaphore(%run_scoped3A_90 : memref<!tpu.dma_semaphore, #tpu.memory_space<semaphore_mem>>) {add = true}
          %dma_wait3A_97 = arith.constant 0 : i32
          %dma_wait3A_98 = tpu.memref_slice %arg9[%add3A_44, %dma_wait3A_97] : memref<25x80xi32, #tpu.memory_space<vmem>> -> memref<1x80xi32, #tpu.memory_space<vmem>>
          %dma_wait3A_99 = tpu.memref_squeeze %dma_wait3A_98 : memref<1x80xi32, #tpu.memory_space<vmem>> -> memref<80xi32, #tpu.memory_space<vmem>>
          %dma_wait3A_100 = arith.constant 0 : i32
          %dma_wait3A_101 = arith.constant 0 : i32
          %dma_wait3A_102 = tpu.memref_slice %arg7[%dma_wait3A_100, %dma_wait3A_101] : memref<10112x128xf32, #tpu.memory_space<vmem_shared>> -> memref<10112x128xf32, #tpu.memory_space<vmem_shared>>
          tpu.wait_indirect_dma semaphore(%run_scoped3A_90 : memref<!tpu.dma_semaphore, #tpu.memory_space<semaphore_mem>>) src(%arg10 : memref<80x128xf32, #tpu.memory_space<vmem>>) dst(%dma_wait3A_102 : memref<10112x128xf32, #tpu.memory_space<vmem_shared>>)
          tpu.yield
        }) : () -> ()
        %add3A_59 = arith.constant 3 : i32
        %add3A_60 = arith.addi %add3A_44, %add3A_59 : i32
        %lt3A = arith.constant 25 : i32
        %lt3A_61 = arith.cmpi slt, %add3A_60, %lt3A : i32
        %convert_element_type3A = arith.extui %lt3A_61 : i1 to i32
        %cond3A = arith.constant 0 : i32
        %cond3A_62 = arith.cmpi ne, %convert_element_type3A, %cond3A : i32
        scf.if %cond3A_62 {
          %add3A_90 = arith.constant 3 : i32
          %add3A_91 = arith.addi %add3A_44, %add3A_90 : i32
          %dma_start3A_92 = arith.constant 0 : i32
          %dma_start3A_93 = tpu.memref_slice %arg8[%add3A_91, %dma_start3A_92] : memref<25x80xi32, #tpu.memory_space<vmem>> -> memref<1x80xi32, #tpu.memory_space<vmem>>
          %dma_start3A_94 = tpu.memref_squeeze %dma_start3A_93 : memref<1x80xi32, #tpu.memory_space<vmem>> -> memref<80xi32, #tpu.memory_space<vmem>>
          %dma_start3A_95 = arith.constant 0 : i32
          %dma_start3A_96 = arith.constant 0 : i32
          %dma_start3A_97 = tpu.memref_slice %arg2[%dma_start3A_95, %dma_start3A_96] : memref<10000x128xf32, #tpu.memory_space<hbm>> -> memref<10000x128xf32, #tpu.memory_space<hbm>>
          tpu.enqueue_indirect_dma source(%dma_start3A_97 : memref<10000x128xf32, #tpu.memory_space<hbm>>) target(%arg10 : memref<80x128xf32, #tpu.memory_space<vmem>>) offsets(%dma_start3A_94 : memref<80xi32, #tpu.memory_space<vmem>>) semaphore(%arg13 : memref<!tpu.dma_semaphore, #tpu.memory_space<semaphore_mem>>)
        } else {
        }
        %add3A_63 = arith.constant 1 : i32
        %add3A_64 = arith.addi %add3A_44, %add3A_63 : i32
        %dma_wait3A_65 = arith.constant 0 : i32
        %dma_wait3A_66 = tpu.memref_slice %arg8[%add3A_64, %dma_wait3A_65] : memref<25x80xi32, #tpu.memory_space<vmem>> -> memref<1x80xi32, #tpu.memory_space<vmem>>
        %dma_wait3A_67 = tpu.memref_squeeze %dma_wait3A_66 : memref<1x80xi32, #tpu.memory_space<vmem>> -> memref<80xi32, #tpu.memory_space<vmem>>
        %dma_wait3A_68 = arith.constant 0 : i32
        %dma_wait3A_69 = arith.constant 0 : i32
        %dma_wait3A_70 = tpu.memref_slice %arg2[%dma_wait3A_68, %dma_wait3A_69] : memref<10000x128xf32, #tpu.memory_space<hbm>> -> memref<10000x128xf32, #tpu.memory_space<hbm>>
        tpu.wait_indirect_dma semaphore(%arg14 : memref<!tpu.dma_semaphore, #tpu.memory_space<semaphore_mem>>) src(%dma_wait3A_70 : memref<10000x128xf32, #tpu.memory_space<hbm>>) dst(%arg11 : memref<80x128xf32, #tpu.memory_space<vmem>>)
        %add3A_71 = arith.constant 1 : i32
        %add3A_72 = arith.addi %add3A_44, %add3A_71 : i32
        "tpu.region"() ({
          %run_scoped3A_90 = tpu.sem_alloc : memref<!tpu.dma_semaphore, #tpu.memory_space<semaphore_mem>>
          %dma_start3A_91 = arith.constant 0 : i32
          %dma_start3A_92 = tpu.memref_slice %arg9[%add3A_72, %dma_start3A_91] : memref<25x80xi32, #tpu.memory_space<vmem>> -> memref<1x80xi32, #tpu.memory_space<vmem>>
          %dma_start3A_93 = tpu.memref_squeeze %dma_start3A_92 : memref<1x80xi32, #tpu.memory_space<vmem>> -> memref<80xi32, #tpu.memory_space<vmem>>
          %dma_start3A_94 = arith.constant 0 : i32
          %dma_start3A_95 = arith.constant 0 : i32
          %dma_start3A_96 = tpu.memref_slice %arg7[%dma_start3A_94, %dma_start3A_95] : memref<10112x128xf32, #tpu.memory_space<vmem_shared>> -> memref<10112x128xf32, #tpu.memory_space<vmem_shared>>
          tpu.enqueue_indirect_dma source(%arg11 : memref<80x128xf32, #tpu.memory_space<vmem>>) target(%dma_start3A_96 : memref<10112x128xf32, #tpu.memory_space<vmem_shared>>) offsets(%dma_start3A_93 : memref<80xi32, #tpu.memory_space<vmem>>) semaphore(%run_scoped3A_90 : memref<!tpu.dma_semaphore, #tpu.memory_space<semaphore_mem>>) {add = true}
          %dma_wait3A_97 = arith.constant 0 : i32
          %dma_wait3A_98 = tpu.memref_slice %arg9[%add3A_72, %dma_wait3A_97] : memref<25x80xi32, #tpu.memory_space<vmem>> -> memref<1x80xi32, #tpu.memory_space<vmem>>
          %dma_wait3A_99 = tpu.memref_squeeze %dma_wait3A_98 : memref<1x80xi32, #tpu.memory_space<vmem>> -> memref<80xi32, #tpu.memory_space<vmem>>
          %dma_wait3A_100 = arith.constant 0 : i32
          %dma_wait3A_101 = arith.constant 0 : i32
          %dma_wait3A_102 = tpu.memref_slice %arg7[%dma_wait3A_100, %dma_wait3A_101] : memref<10112x128xf32, #tpu.memory_space<vmem_shared>> -> memref<10112x128xf32, #tpu.memory_space<vmem_shared>>
          tpu.wait_indirect_dma semaphore(%run_scoped3A_90 : memref<!tpu.dma_semaphore, #tpu.memory_space<semaphore_mem>>) src(%arg11 : memref<80x128xf32, #tpu.memory_space<vmem>>) dst(%dma_wait3A_102 : memref<10112x128xf32, #tpu.memory_space<vmem_shared>>)
          tpu.yield
        }) : () -> ()
        %add3A_73 = arith.constant 4 : i32
        %add3A_74 = arith.addi %add3A_44, %add3A_73 : i32
        %lt3A_75 = arith.constant 25 : i32
        %lt3A_76 = arith.cmpi slt, %add3A_74, %lt3A_75 : i32
        %convert_element_type3A_77 = arith.extui %lt3A_76 : i1 to i32
        %cond3A_78 = arith.constant 0 : i32
        %cond3A_79 = arith.cmpi ne, %convert_element_type3A_77, %cond3A_78 : i32
        scf.if %cond3A_79 {
          %add3A_90 = arith.constant 4 : i32
          %add3A_91 = arith.addi %add3A_44, %add3A_90 : i32
          %dma_start3A_92 = arith.constant 0 : i32
          %dma_start3A_93 = tpu.memref_slice %arg8[%add3A_91, %dma_start3A_92] : memref<25x80xi32, #tpu.memory_space<vmem>> -> memref<1x80xi32, #tpu.memory_space<vmem>>
          %dma_start3A_94 = tpu.memref_squeeze %dma_start3A_93 : memref<1x80xi32, #tpu.memory_space<vmem>> -> memref<80xi32, #tpu.memory_space<vmem>>
          %dma_start3A_95 = arith.constant 0 : i32
          %dma_start3A_96 = arith.constant 0 : i32
          %dma_start3A_97 = tpu.memref_slice %arg2[%dma_start3A_95, %dma_start3A_96] : memref<10000x128xf32, #tpu.memory_space<hbm>> -> memref<10000x128xf32, #tpu.memory_space<hbm>>
          tpu.enqueue_indirect_dma source(%dma_start3A_97 : memref<10000x128xf32, #tpu.memory_space<hbm>>) target(%arg11 : memref<80x128xf32, #tpu.memory_space<vmem>>) offsets(%dma_start3A_94 : memref<80xi32, #tpu.memory_space<vmem>>) semaphore(%arg14 : memref<!tpu.dma_semaphore, #tpu.memory_space<semaphore_mem>>)
        } else {
        }
        %add3A_80 = arith.constant 2 : i32
        %add3A_81 = arith.addi %add3A_44, %add3A_80 : i32
        %dma_wait3A_82 = arith.constant 0 : i32
        %dma_wait3A_83 = tpu.memref_slice %arg8[%add3A_81, %dma_wait3A_82] : memref<25x80xi32, #tpu.memory_space<vmem>> -> memref<1x80xi32, #tpu.memory_space<vmem>>
        %dma_wait3A_84 = tpu.memref_squeeze %dma_wait3A_83 : memref<1x80xi32, #tpu.memory_space<vmem>> -> memref<80xi32, #tpu.memory_space<vmem>>
        %dma_wait3A_85 = arith.constant 0 : i32
        %dma_wait3A_86 = arith.constant 0 : i32
        %dma_wait3A_87 = tpu.memref_slice %arg2[%dma_wait3A_85, %dma_wait3A_86] : memref<10000x128xf32, #tpu.memory_space<hbm>> -> memref<10000x128xf32, #tpu.memory_space<hbm>>
        tpu.wait_indirect_dma semaphore(%arg15 : memref<!tpu.dma_semaphore, #tpu.memory_space<semaphore_mem>>) src(%dma_wait3A_87 : memref<10000x128xf32, #tpu.memory_space<hbm>>) dst(%arg12 : memref<80x128xf32, #tpu.memory_space<vmem>>)
        %add3A_88 = arith.constant 2 : i32
        %add3A_89 = arith.addi %add3A_44, %add3A_88 : i32
        "tpu.region"() ({
          %run_scoped3A_90 = tpu.sem_alloc : memref<!tpu.dma_semaphore, #tpu.memory_space<semaphore_mem>>
          %dma_start3A_91 = arith.constant 0 : i32
          %dma_start3A_92 = tpu.memref_slice %arg9[%add3A_89, %dma_start3A_91] : memref<25x80xi32, #tpu.memory_space<vmem>> -> memref<1x80xi32, #tpu.memory_space<vmem>>
          %dma_start3A_93 = tpu.memref_squeeze %dma_start3A_92 : memref<1x80xi32, #tpu.memory_space<vmem>> -> memref<80xi32, #tpu.memory_space<vmem>>
          %dma_start3A_94 = arith.constant 0 : i32
          %dma_start3A_95 = arith.constant 0 : i32
          %dma_start3A_96 = tpu.memref_slice %arg7[%dma_start3A_94, %dma_start3A_95] : memref<10112x128xf32, #tpu.memory_space<vmem_shared>> -> memref<10112x128xf32, #tpu.memory_space<vmem_shared>>
          tpu.enqueue_indirect_dma source(%arg12 : memref<80x128xf32, #tpu.memory_space<vmem>>) target(%dma_start3A_96 : memref<10112x128xf32, #tpu.memory_space<vmem_shared>>) offsets(%dma_start3A_93 : memref<80xi32, #tpu.memory_space<vmem>>) semaphore(%run_scoped3A_90 : memref<!tpu.dma_semaphore, #tpu.memory_space<semaphore_mem>>) {add = true}
          %dma_wait3A_97 = arith.constant 0 : i32
          %dma_wait3A_98 = tpu.memref_slice %arg9[%add3A_89, %dma_wait3A_97] : memref<25x80xi32, #tpu.memory_space<vmem>> -> memref<1x80xi32, #tpu.memory_space<vmem>>
          %dma_wait3A_99 = tpu.memref_squeeze %dma_wait3A_98 : memref<1x80xi32, #tpu.memory_space<vmem>> -> memref<80xi32, #tpu.memory_space<vmem>>
          %dma_wait3A_100 = arith.constant 0 : i32
          %dma_wait3A_101 = arith.constant 0 : i32
          %dma_wait3A_102 = tpu.memref_slice %arg7[%dma_wait3A_100, %dma_wait3A_101] : memref<10112x128xf32, #tpu.memory_space<vmem_shared>> -> memref<10112x128xf32, #tpu.memory_space<vmem_shared>>
          tpu.wait_indirect_dma semaphore(%run_scoped3A_90 : memref<!tpu.dma_semaphore, #tpu.memory_space<semaphore_mem>>) src(%arg12 : memref<80x128xf32, #tpu.memory_space<vmem>>) dst(%dma_wait3A_102 : memref<10112x128xf32, #tpu.memory_space<vmem_shared>>)
          tpu.yield
        }) : () -> ()
      }
      %scan3A_33 = arith.constant 8 : i32
      %dma_wait3A = arith.constant 24 : i32
      %dma_wait3A_34 = arith.constant 0 : i32
      %dma_wait3A_35 = tpu.memref_slice %arg8[%dma_wait3A, %dma_wait3A_34] : memref<25x80xi32, #tpu.memory_space<vmem>> -> memref<1x80xi32, #tpu.memory_space<vmem>>
      %dma_wait3A_36 = tpu.memref_squeeze %dma_wait3A_35 : memref<1x80xi32, #tpu.memory_space<vmem>> -> memref<80xi32, #tpu.memory_space<vmem>>
      %dma_wait3A_37 = arith.constant 0 : i32
      %dma_wait3A_38 = arith.constant 0 : i32
      %dma_wait3A_39 = tpu.memref_slice %arg2[%dma_wait3A_37, %dma_wait3A_38] : memref<10000x128xf32, #tpu.memory_space<hbm>> -> memref<10000x128xf32, #tpu.memory_space<hbm>>
      tpu.wait_indirect_dma semaphore(%arg13 : memref<!tpu.dma_semaphore, #tpu.memory_space<semaphore_mem>>) src(%dma_wait3A_39 : memref<10000x128xf32, #tpu.memory_space<hbm>>) dst(%arg10 : memref<80x128xf32, #tpu.memory_space<vmem>>)
      %run_scoped3A = arith.constant 24 : i32
      "tpu.region"() ({
        %run_scoped3A_40 = tpu.sem_alloc : memref<!tpu.dma_semaphore, #tpu.memory_space<semaphore_mem>>
        %dma_start3A_41 = arith.constant 0 : i32
        %dma_start3A_42 = tpu.memref_slice %arg9[%run_scoped3A, %dma_start3A_41] : memref<25x80xi32, #tpu.memory_space<vmem>> -> memref<1x80xi32, #tpu.memory_space<vmem>>
        %dma_start3A_43 = tpu.memref_squeeze %dma_start3A_42 : memref<1x80xi32, #tpu.memory_space<vmem>> -> memref<80xi32, #tpu.memory_space<vmem>>
        %dma_start3A_44 = arith.constant 0 : i32
        %dma_start3A_45 = arith.constant 0 : i32
        %dma_start3A_46 = tpu.memref_slice %arg7[%dma_start3A_44, %dma_start3A_45] : memref<10112x128xf32, #tpu.memory_space<vmem_shared>> -> memref<10112x128xf32, #tpu.memory_space<vmem_shared>>
        tpu.enqueue_indirect_dma source(%arg10 : memref<80x128xf32, #tpu.memory_space<vmem>>) target(%dma_start3A_46 : memref<10112x128xf32, #tpu.memory_space<vmem_shared>>) offsets(%dma_start3A_43 : memref<80xi32, #tpu.memory_space<vmem>>) semaphore(%run_scoped3A_40 : memref<!tpu.dma_semaphore, #tpu.memory_space<semaphore_mem>>) {add = true}
        %dma_wait3A_47 = arith.constant 0 : i32
        %dma_wait3A_48 = tpu.memref_slice %arg9[%run_scoped3A, %dma_wait3A_47] : memref<25x80xi32, #tpu.memory_space<vmem>> -> memref<1x80xi32, #tpu.memory_space<vmem>>
        %dma_wait3A_49 = tpu.memref_squeeze %dma_wait3A_48 : memref<1x80xi32, #tpu.memory_space<vmem>> -> memref<80xi32, #tpu.memory_space<vmem>>
        %dma_wait3A_50 = arith.constant 0 : i32
        %dma_wait3A_51 = arith.constant 0 : i32
        %dma_wait3A_52 = tpu.memref_slice %arg7[%dma_wait3A_50, %dma_wait3A_51] : memref<10112x128xf32, #tpu.memory_space<vmem_shared>> -> memref<10112x128xf32, #tpu.memory_space<vmem_shared>>
        tpu.wait_indirect_dma semaphore(%run_scoped3A_40 : memref<!tpu.dma_semaphore, #tpu.memory_space<semaphore_mem>>) src(%arg10 : memref<80x128xf32, #tpu.memory_space<vmem>>) dst(%dma_wait3A_52 : memref<10112x128xf32, #tpu.memory_space<vmem_shared>>)
        tpu.yield
      }) : () -> ()
    }
    %scan3A_6 = arith.constant 5 : i32
    %barrier3A_7 = arith.constant 0 : index
    tpu.barrier barrier_id(%barrier3A_7)
    %mul3A_8 = arith.constant 10112 : i32
    %mul3A_9 = arith.muli %arg0, %mul3A_8 : i32
    %add3A_10 = arith.addi %mul3A_9, %mul3A_2 : i32
    "tpu.region"() ({
      %run_scoped3A = tpu.sem_alloc : memref<!tpu.dma_semaphore, #tpu.memory_space<semaphore_mem>>
      %dma_start3A = arith.constant 0 : i32
      %dma_start3A_11 = tpu.memref_slice %arg6[%add3A_10, %dma_start3A] : memref<20224x128xf32, #tpu.memory_space<hbm>> -> memref<632x128xf32, #tpu.memory_space<hbm>>
      %dma_start3A_12 = arith.constant 0 : i32
      %dma_start3A_13 = tpu.memref_slice %arg7[%mul3A_2, %dma_start3A_12] : memref<10112x128xf32, #tpu.memory_space<vmem_shared>> -> memref<632x128xf32, #tpu.memory_space<vmem_shared>>
      tpu.enqueue_dma source(%dma_start3A_13 : memref<632x128xf32, #tpu.memory_space<vmem_shared>>) target(%dma_start3A_11 : memref<632x128xf32, #tpu.memory_space<hbm>>) target_semaphore(%run_scoped3A : memref<!tpu.dma_semaphore, #tpu.memory_space<semaphore_mem>>)
      %dma_wait3A = arith.constant 0 : i32
      %dma_wait3A_14 = tpu.memref_slice %arg6[%add3A_10, %dma_wait3A] : memref<20224x128xf32, #tpu.memory_space<hbm>> -> memref<632x128xf32, #tpu.memory_space<hbm>>
      %dma_wait3A_15 = arith.constant 0 : i32
      %dma_wait3A_16 = tpu.memref_slice %arg7[%mul3A_2, %dma_wait3A_15] : memref<10112x128xf32, #tpu.memory_space<vmem_shared>> -> memref<632x128xf32, #tpu.memory_space<vmem_shared>>
      tpu.wait_dma2 semaphore(%run_scoped3A : memref<!tpu.dma_semaphore, #tpu.memory_space<semaphore_mem>>) src(%dma_wait3A_16 : memref<632x128xf32, #tpu.memory_space<vmem_shared>>) dst(%dma_wait3A_14 : memref<632x128xf32, #tpu.memory_space<hbm>>)
      tpu.yield
    }) : () -> ()
    return
  }
}

module attributes {stable_mosaic.version = 14 : i64} {
  func.func @_dense1_body(%arg0: memref<10000x128xf32, #tpu.memory_space<vmem>>, %arg1: memref<128x256xf32, #tpu.memory_space<vmem>>, %arg2: memref<2x256xf32, #tpu.memory_space<vmem>>, %arg3: memref<10000x128xf32, #tpu.memory_space<vmem>>, %arg4: memref<10000x128xf32, #tpu.memory_space<vmem>>) attributes {dimension_semantics = [], scalar_prefetch = 0 : i64, scratch_operands = 0 : i64, tpu.core_type = #tpu.core_type<tc>} {
    %get3A = arith.constant 0 : index
    %get3A_0 = arith.constant 0 : index
    %get3A_1 = vector.load %arg0[%get3A, %get3A_0] : memref<10000x128xf32, #tpu.memory_space<vmem>>, vector<10000x128xf32>
    %get3A_2 = arith.constant 0 : index
    %get3A_3 = arith.constant 0 : index
    %get3A_4 = vector.load %arg1[%get3A_2, %get3A_3] : memref<128x256xf32, #tpu.memory_space<vmem>>, vector<128x256xf32>
    %dot_general3A = arith.constant dense<0.000000e+00> : vector<10000x256xf32>
    %dot_general3A_5 = tpu.matmul %get3A_1, %get3A_4, %dot_general3A {dimension_numbers = #tpu.dot_dimension_numbers<[1], [0], [0], [1], [0, 0, 1, 1], [], []>, transpose_lhs_hint = false} : vector<10000x128xf32>, vector<128x256xf32>, vector<10000x256xf32> -> vector<10000x256xf32>
    %slice3A = vector.extract_strided_slice %get3A_1 {offsets = [0, 0], sizes = [10000, 1], strides = [1, 1]} : vector<10000x128xf32> to vector<10000x1xf32>
    %convert_element_type3A = arith.fptosi %slice3A : vector<10000x1xf32> to vector<10000x1xi32>
    %eq3A = arith.constant 0 : i32
    %eq3A_6 = vector.broadcast %eq3A : i32 to vector<10000x1xi32>
    %eq3A_7 = arith.cmpi eq, %convert_element_type3A, %eq3A_6 : vector<10000x1xi32>
    %get3A_8 = arith.constant 0 : index
    %get3A_9 = arith.constant 0 : index
    %get3A_10 = vector.load %arg2[%get3A_8, %get3A_9] : memref<2x256xf32, #tpu.memory_space<vmem>>, vector<1x256xf32>
    %get3A_11 = arith.constant 1 : index
    %get3A_12 = arith.constant 0 : index
    %get3A_13 = vector.load %arg2[%get3A_11, %get3A_12] : memref<2x256xf32, #tpu.memory_space<vmem>>, vector<1x256xf32>
    %broadcast_in_dim3A = vector.shape_cast %eq3A_7 : vector<10000x1xi1> to vector<10000x1xi1>
    %broadcast_in_dim3A_14 = vector.broadcast %broadcast_in_dim3A : vector<10000x1xi1> to vector<10000x256xi1>
    %broadcast_in_dim3A_15 = vector.shape_cast %get3A_10 : vector<1x256xf32> to vector<1x256xf32>
    %broadcast_in_dim3A_16 = vector.broadcast %broadcast_in_dim3A_15 : vector<1x256xf32> to vector<10000x256xf32>
    %broadcast_in_dim3A_17 = vector.shape_cast %get3A_13 : vector<1x256xf32> to vector<1x256xf32>
    %broadcast_in_dim3A_18 = vector.broadcast %broadcast_in_dim3A_17 : vector<1x256xf32> to vector<10000x256xf32>
    %select_n3A = arith.select %broadcast_in_dim3A_14, %broadcast_in_dim3A_16, %broadcast_in_dim3A_18 : vector<10000x256xi1>, vector<10000x256xf32>
    %add3A = arith.addf %dot_general3A_5, %select_n3A : vector<10000x256xf32>
    %slice3A_19 = vector.extract_strided_slice %add3A {offsets = [0, 0], sizes = [10000, 128], strides = [1, 1]} : vector<10000x256xf32> to vector<10000x128xf32>
    %swap3A = arith.constant 0 : index
    %swap3A_20 = arith.constant 0 : index
    %swap3A_21 = vector.load %arg3[%swap3A, %swap3A_20] : memref<10000x128xf32, #tpu.memory_space<vmem>>, vector<10000x128xf32>
    tpu.vector_store %arg3[%swap3A, %swap3A_20], %slice3A_19 {strides = array<i32>} : memref<10000x128xf32, #tpu.memory_space<vmem>>, vector<10000x128xf32>,
    %slice3A_22 = vector.extract_strided_slice %add3A {offsets = [0, 128], sizes = [10000, 128], strides = [1, 1]} : vector<10000x256xf32> to vector<10000x128xf32>
    %swap3A_23 = arith.constant 0 : index
    %swap3A_24 = arith.constant 0 : index
    %swap3A_25 = vector.load %arg4[%swap3A_23, %swap3A_24] : memref<10000x128xf32, #tpu.memory_space<vmem>>, vector<10000x128xf32>
    tpu.vector_store %arg4[%swap3A_23, %swap3A_24], %slice3A_22 {strides = array<i32>} : memref<10000x128xf32, #tpu.memory_space<vmem>>, vector<10000x128xf32>,
    return
  }
}

module attributes {stable_mosaic.version = 14 : i64} {
  func.func @_dense2_body(%arg0: memref<20224x128xf32, #tpu.memory_space<vmem>>, %arg1: memref<10000x128xf32, #tpu.memory_space<vmem>>, %arg2: memref<20224x128xf32, #tpu.memory_space<vmem>>, %arg3: memref<128x128xf32, #tpu.memory_space<vmem>>, %arg4: memref<1x128xf32, #tpu.memory_space<vmem>>, %arg5: memref<128x256xf32, #tpu.memory_space<vmem>>, %arg6: memref<128x256xf32, #tpu.memory_space<vmem>>, %arg7: memref<1x256xf32, #tpu.memory_space<vmem>>, %arg8: memref<10000x128xf32, #tpu.memory_space<vmem>>, %arg9: memref<10000x128xf32, #tpu.memory_space<vmem>>) attributes {dimension_semantics = [], scalar_prefetch = 0 : i64, scratch_operands = 0 : i64, tpu.core_type = #tpu.core_type<tc>} {
    %get3A = arith.constant 0 : index
    %get3A_0 = arith.constant 0 : index
    %get3A_1 = vector.load %arg2[%get3A, %get3A_0] : memref<20224x128xf32, #tpu.memory_space<vmem>>, vector<10000x128xf32>
    %get3A_2 = arith.constant 10112 : index
    %get3A_3 = arith.constant 0 : index
    %get3A_4 = vector.load %arg2[%get3A_2, %get3A_3] : memref<20224x128xf32, #tpu.memory_space<vmem>>, vector<10000x128xf32>
    %add3A = arith.addf %get3A_1, %get3A_4 : vector<10000x128xf32>
    %get3A_5 = arith.constant 0 : index
    %get3A_6 = arith.constant 0 : index
    %get3A_7 = vector.load %arg0[%get3A_5, %get3A_6] : memref<20224x128xf32, #tpu.memory_space<vmem>>, vector<10000x128xf32>
    %get3A_8 = arith.constant 10112 : index
    %get3A_9 = arith.constant 0 : index
    %get3A_10 = vector.load %arg0[%get3A_8, %get3A_9] : memref<20224x128xf32, #tpu.memory_space<vmem>>, vector<10000x128xf32>
    %add3A_11 = arith.addf %get3A_7, %get3A_10 : vector<10000x128xf32>
    %get3A_12 = arith.constant 0 : index
    %get3A_13 = arith.constant 0 : index
    %get3A_14 = vector.load %arg1[%get3A_12, %get3A_13] : memref<10000x128xf32, #tpu.memory_space<vmem>>, vector<10000x128xf32>
    %add3A_15 = arith.addf %add3A_11, %get3A_14 : vector<10000x128xf32>
    %get3A_16 = arith.constant 0 : index
    %get3A_17 = arith.constant 0 : index
    %get3A_18 = vector.load %arg3[%get3A_16, %get3A_17] : memref<128x128xf32, #tpu.memory_space<vmem>>, vector<128x128xf32>
    %dot_general3A = arith.constant dense<0.000000e+00> : vector<10000x128xf32>
    %dot_general3A_19 = tpu.matmul %add3A, %get3A_18, %dot_general3A {dimension_numbers = #tpu.dot_dimension_numbers<[1], [0], [0], [1], [0, 0, 1, 1], [], []>, transpose_lhs_hint = false} : vector<10000x128xf32>, vector<128x128xf32>, vector<10000x128xf32> -> vector<10000x128xf32>
    %add3A_20 = arith.addf %add3A_15, %dot_general3A_19 : vector<10000x128xf32>
    %get3A_21 = arith.constant 0 : index
    %get3A_22 = arith.constant 0 : index
    %get3A_23 = vector.load %arg4[%get3A_21, %get3A_22] : memref<1x128xf32, #tpu.memory_space<vmem>>, vector<1x128xf32>
    %add3A_24 = vector.broadcast %get3A_23 : vector<1x128xf32> to vector<10000x128xf32>
    %add3A_25 = arith.addf %add3A_20, %add3A_24 : vector<10000x128xf32>
    %max3A = arith.constant 0.000000e+00 : f32
    %max3A_26 = vector.broadcast %max3A : f32 to vector<10000x128xf32>
    %max3A_27 = arith.maximumf %add3A_25, %max3A_26 : vector<10000x128xf32>
    %get3A_28 = arith.constant 0 : index
    %get3A_29 = arith.constant 0 : index
    %get3A_30 = vector.load %arg5[%get3A_28, %get3A_29] : memref<128x256xf32, #tpu.memory_space<vmem>>, vector<128x256xf32>
    %dot_general3A_31 = arith.constant dense<0.000000e+00> : vector<10000x256xf32>
    %dot_general3A_32 = tpu.matmul %max3A_27, %get3A_30, %dot_general3A_31 {dimension_numbers = #tpu.dot_dimension_numbers<[1], [0], [0], [1], [0, 0, 1, 1], [], []>, transpose_lhs_hint = false} : vector<10000x128xf32>, vector<128x256xf32>, vector<10000x256xf32> -> vector<10000x256xf32>
    %get3A_33 = arith.constant 0 : index
    %get3A_34 = arith.constant 0 : index
    %get3A_35 = vector.load %arg6[%get3A_33, %get3A_34] : memref<128x256xf32, #tpu.memory_space<vmem>>, vector<128x256xf32>
    %dot_general3A_36 = arith.constant dense<0.000000e+00> : vector<10000x256xf32>
    %dot_general3A_37 = tpu.matmul %add3A, %get3A_35, %dot_general3A_36 {dimension_numbers = #tpu.dot_dimension_numbers<[1], [0], [0], [1], [0, 0, 1, 1], [], []>, transpose_lhs_hint = false} : vector<10000x128xf32>, vector<128x256xf32>, vector<10000x256xf32> -> vector<10000x256xf32>
    %add3A_38 = arith.addf %dot_general3A_32, %dot_general3A_37 : vector<10000x256xf32>
    %get3A_39 = arith.constant 0 : index
    %get3A_40 = arith.constant 0 : index
    %get3A_41 = vector.load %arg7[%get3A_39, %get3A_40] : memref<1x256xf32, #tpu.memory_space<vmem>>, vector<1x256xf32>
    %add3A_42 = vector.broadcast %get3A_41 : vector<1x256xf32> to vector<10000x256xf32>
    %add3A_43 = arith.addf %add3A_38, %add3A_42 : vector<10000x256xf32>
    %slice3A = vector.extract_strided_slice %add3A_43 {offsets = [0, 0], sizes = [10000, 128], strides = [1, 1]} : vector<10000x256xf32> to vector<10000x128xf32>
    %swap3A = arith.constant 0 : index
    %swap3A_44 = arith.constant 0 : index
    %swap3A_45 = vector.load %arg8[%swap3A, %swap3A_44] : memref<10000x128xf32, #tpu.memory_space<vmem>>, vector<10000x128xf32>
    tpu.vector_store %arg8[%swap3A, %swap3A_44], %slice3A {strides = array<i32>} : memref<10000x128xf32, #tpu.memory_space<vmem>>, vector<10000x128xf32>,
    %slice3A_46 = vector.extract_strided_slice %add3A_43 {offsets = [0, 128], sizes = [10000, 128], strides = [1, 1]} : vector<10000x256xf32> to vector<10000x128xf32>
    %swap3A_47 = arith.constant 0 : index
    %swap3A_48 = arith.constant 0 : index
    %swap3A_49 = vector.load %arg9[%swap3A_47, %swap3A_48] : memref<10000x128xf32, #tpu.memory_space<vmem>>, vector<10000x128xf32>
    tpu.vector_store %arg9[%swap3A_47, %swap3A_48], %slice3A_46 {strides = array<i32>} : memref<10000x128xf32, #tpu.memory_space<vmem>>, vector<10000x128xf32>,
    return
  }
}

module attributes {stable_mosaic.version = 14 : i64} {
  func.func @_combine_body(%arg0: memref<20224x128xf32, #tpu.memory_space<vmem>>, %arg1: memref<10000x128xf32, #tpu.memory_space<vmem>>, %arg2: memref<10000x128xf32, #tpu.memory_space<vmem>>) attributes {dimension_semantics = [], scalar_prefetch = 0 : i64, scratch_operands = 0 : i64, tpu.core_type = #tpu.core_type<tc>} {
    %get3A = arith.constant 0 : index
    %get3A_0 = arith.constant 0 : index
    %get3A_1 = vector.load %arg0[%get3A, %get3A_0] : memref<20224x128xf32, #tpu.memory_space<vmem>>, vector<10000x128xf32>
    %get3A_2 = arith.constant 10112 : index
    %get3A_3 = arith.constant 0 : index
    %get3A_4 = vector.load %arg0[%get3A_2, %get3A_3] : memref<20224x128xf32, #tpu.memory_space<vmem>>, vector<10000x128xf32>
    %add3A = arith.addf %get3A_1, %get3A_4 : vector<10000x128xf32>
    %get3A_5 = arith.constant 0 : index
    %get3A_6 = arith.constant 0 : index
    %get3A_7 = vector.load %arg1[%get3A_5, %get3A_6] : memref<10000x128xf32, #tpu.memory_space<vmem>>, vector<10000x128xf32>
    %add3A_8 = arith.addf %add3A, %get3A_7 : vector<10000x128xf32>
    %swap3A = arith.constant 0 : index
    %swap3A_9 = arith.constant 0 : index
    %swap3A_10 = vector.load %arg2[%swap3A, %swap3A_9] : memref<10000x128xf32, #tpu.memory_space<vmem>>, vector<10000x128xf32>
    tpu.vector_store %arg2[%swap3A, %swap3A_9], %add3A_8 {strides = array<i32>} : memref<10000x128xf32, #tpu.memory_space<vmem>>, vector<10000x128xf32>,
    return
  }
}

</mosaic_0001>

<sc_bundles>
// kernel: kernel.11.cloned.1.call-start
scs
__scs_entry_jumppad:
0x0: {  	(pc) =	sbr.rel $0x88, $3  }
0x1: {  	(tag) =	ssettag $0x0;
	lr =	simm.s32 $0x1  }
0x2: {  	[smem:$0x3F97] =	sst lr;
	_ =	strace $0xD0000000  }
0x3: {  	_ = 	snop  }
0x4: {  	_ = 	snop  }
0x5: {  	_ = 	snop  }
0x6: {  	_ = 	snop  }
0x7: {  	_ = 	snop  }
__scs_overlays_trampoline_lowered:
0x8: {  	[smem:$0x3FA6] =	sst s0  }
0x9: {  	[smem:$0x3FA7] =	sst s1  }
0xa: {  	[smem:$0x3FA8] =	sst s2  }
0xb: {  	[smem:$0x3FA9] =	sst s3  }
0xc: {  	[smem:$0x3FAA] =	sst s4  }
0xd: {  	[smem:$0x3FAB] =	sst s5  }
0xe: {  	[smem:$0x3FAC] =	sst s6  }
0xf: {  	[smem:$0x3FAD] =	sst s7  }
0x10: {  	[smem:$0x3FAE] =	sst s8  }
0x11: {  	[smem:$0x3FAF] =	sst s9;
	s0 =	simm.s32 @!p0 $0x0  }
0x12: {  	s1 =	sld [smem:$0x3F95];
	s0 =	simm.s32 @p0 $0x1  }
0x13: {  	[smem:$0x3FB0] =	sst s0;
	s0 =	simm.s32 @!p1 $0x0  }
0x14: {  	s2 =	sld [smem:$0x3F94];
	s0 =	simm.s32 @p1 $0x1  }
0x15: {  	[smem:$0x3FB1] =	sst s0;
	s0 =	simm.s32 @!p2 $0x0  }
0x16: {  	s3 =	sld [smem:$0x3FDB];
	s0 =	simm.s32 @p2 $0x1  }
0x17: {  	s4 =	simm.s32 $0x1BF5;
	[smem:$0x3FB3] =	sst s0  }
0x18: {  	s0 =	sld [smem:$0x3F96];
	_ =	swait.ge [sflag:s4], $0x0  }
0x19: {  	s7 =	sld [smem:$0x3F97]  }
0x1a: {  	s8 =	sadd.s32 $0xFFFFE003, lr  }
0x1b: {  	s9 =	sadd.s32 $0xFFFFFEF7, lr;
	s5 =	simm.s32 $0xFFFFFFFF;
	p2 =	slt.u32 s8, $0xFFFFF086  }
0x1c: {  	p1 =	slt.u32 s9, $0xF7A;
	s5 =	simm.s32 @!p2 $0x0  }
0x1d: {  	s5 =	simm.s32 @p1 $0x1;
	p0 =	seq.s32 s7, s2  }
0x1e: {  	s7 =	smul.u32 @!p0 $0xF7A, s2;
	p2 =	seq.s32 @!p0 s5, $0x0  }
0x1f: {  	s9 =	smul.u32 $0xF7A, s1;
	s8 =	simm.s32 @!p0 $0x1BF5;
	p2 =	por !p2, p0  }
0x20: {  	[sflag:s8] =	ssyncset.s32 @!p0 $0xFFFFF086;
	s6 =	sadd.s32 @!p0 s3, s7;
	s7 =	simm.s32 @!p0 $0x108  }
0x21: {  	s3 =	sadd.s32 s3, s9;
	s6 =	sadd.s32 @!p0 $0x88, s6;
	s7 =	simm.s32 @p2 $0x1082  }
0x22: {  	[simem:s7], [sflag:s8] =	dma.local @!p0 [hbm:s6], $0xF7A  }
0x23: {  	s9 =	sor.u32 $0xD0000000, s2;
	s6 =	simm.s32 $0x108;
	_ =	swait.ge @!p0 [sflag:s8], $0x0  }
0x24: {  	s3 =	sadd.s32 $0x88, s3;
	s6 =	simm.s32 @!p1 $0x1082;
	[sflag:s4] =	ssyncset.s32 $0xFFFFF086  }
0x25: {  	[simem:s6], [sflag:s4] =	dma.local [hbm:s3], $0xF7A  }
0x26: {  	[smem:$0x3F97] =	sst s1;
	(tag) =	ssettag s2;
	_ =	strace s9  }
0x27: {  	s1 =	sld [smem:$0x3FA7]  }
0x28: {  	s2 =	sld [smem:$0x3FA8]  }
0x29: {  	s4 =	sld [smem:$0x3FAA]  }
0x2a: {  	p0 =	seq.s32 s5, $0x0;
	s5 =	sld [smem:$0x3FAB]  }
0x2b: {  	s6 =	sld [smem:$0x3FAC]  }
0x2c: {  	s7 =	sld [smem:$0x3FAD]  }
0x2d: {  	s3 =	simm.s32 $0x108;
	s8 =	sld [smem:$0x3FAE]  }
0x2e: {  	s3 =	simm.s32 @!p0 $0x1082;
	s9 =	sld [smem:$0x3FAF]  }
0x2f: {  	lr =	sadd.s32 s0, s3;
	s0 =	sld [smem:$0x3FA6]  }
0x30: {  	s3 =	sld [smem:$0x3FA9]  }
0x31: {  	[smem:$0x3FB2] =	sst s10  }
0x32: {  	s10 =	sld [smem:$0x3FB0];
	_ =	sdelay $0x3  }
0x33: {  	p0 =	seq.s32 s10, $0x1;
	s10 =	sld [smem:$0x3FB2];
	_ =	sdelay $0x3  }
0x34: {  	[smem:$0x3FB2] =	sst s10  }
0x35: {  	s10 =	sld [smem:$0x3FB1];
	_ =	sdelay $0x3  }
0x36: {  	p1 =	seq.s32 s10, $0x1;
	s10 =	sld [smem:$0x3FB2];
	_ =	sdelay $0x3  }
0x37: {  	[smem:$0x3FB2] =	sst s10  }
0x38: {  	s10 =	sld [smem:$0x3FB3]  }
0x39: {  	_ = 	snop;
	(pc) =	sbr.ind lr, $3  }
0x3a: {  	_ = 	snop  }
0x3b: {  	_ = 	snop  }
0x3c: {  	p2 =	seq.s32 s10, $0x1;
	s10 =	sld [smem:$0x3FB2]  }
0x3d: {  	_ =	shalt  }
0x3e: {  	_ =	shalt  }
0x3f: {  	_ =	shalt  }
0x40: {  	_ =	shalt  }
0x41: {  	_ =	shalt  }
0x42: {  	_ =	shalt  }
0x43: {  	_ =	shalt  }
0x44: {  	_ =	shalt  }
0x45: {  	_ =	shalt  }
0x46: {  	_ =	shalt  }
0x47: {  	_ =	shalt  }
0x48: {  	_ =	shalt  }
0x49: {  	_ =	shalt  }
0x4a: {  	_ =	shalt  }
0x4b: {  	_ =	shalt  }
0x4c: {  	_ =	shalt  }
0x4d: {  	_ =	shalt  }
0x4e: {  	_ =	shalt  }
0x4f: {  	_ =	shalt  }
0x50: {  	_ =	shalt  }
0x51: {  	_ =	shalt  }
0x52: {  	_ =	shalt  }
0x53: {  	_ =	shalt  }
0x54: {  	_ =	shalt  }
0x55: {  	_ =	shalt  }
0x56: {  	_ =	shalt  }
0x57: {  	_ =	shalt  }
0x58: {  	_ =	shalt  }
0x59: {  	_ =	shalt  }
0x5a: {  	_ =	shalt  }
0x5b: {  	_ =	shalt  }
0x5c: {  	_ =	shalt  }
0x5d: {  	_ =	shalt  }
0x5e: {  	_ =	shalt  }
0x5f: {  	_ =	shalt  }
0x60: {  	_ =	shalt  }
0x61: {  	_ =	shalt  }
0x62: {  	_ =	shalt  }
0x63: {  	_ =	shalt  }
0x64: {  	_ =	shalt  }
0x65: {  	_ =	shalt  }
0x66: {  	_ =	shalt  }
0x67: {  	_ =	shalt  }
0x68: {  	_ =	shalt  }
0x69: {  	_ =	shalt  }
0x6a: {  	_ =	shalt  }
0x6b: {  	_ =	shalt  }
0x6c: {  	_ =	shalt  }
0x6d: {  	_ =	shalt  }
0x6e: {  	_ =	shalt  }
0x6f: {  	_ =	shalt  }
0x70: {  	_ =	shalt  }
0x71: {  	_ =	shalt  }
0x72: {  	_ =	shalt  }
0x73: {  	_ =	shalt  }
0x74: {  	_ =	shalt  }
0x75: {  	_ =	shalt  }
0x76: {  	_ =	shalt  }
0x77: {  	_ =	shalt  }
0x78: {  	_ =	shalt  }
0x79: {  	_ =	shalt  }
0x7a: {  	_ =	shalt  }
0x7b: {  	_ =	shalt  }
0x7c: {  	_ =	shalt  }
0x7d: {  	_ =	shalt  }
0x7e: {  	_ =	shalt  }
0x7f: {  	_ =	shalt  }
0x80: {  	_ =	shalt  }
0x81: {  	_ =	shalt  }
0x82: {  	_ =	shalt  }
0x83: {  	_ =	shalt  }
0x84: {  	_ =	shalt  }
0x85: {  	_ =	shalt  }
0x86: {  	_ =	shalt  }
0x87: {  	_ =	shalt  }
.Lfunc_end0:
.L_simem_size_0:
called_computation.1_lowered:
.L_overlay_start_0:
0x88: {  	s2 =	sld [smem:$0x3FD9]  }
0x89: {  	s3 =	sld [smem:$0x3FFE];
	_ =	sdelay $0x1  }
0x8a: {  	s1 =	srdreg.scid  }
0x8b: {  	s0 =	sand.u32 $0x1, s1  }
0x8c: {  	s16 =	sshll.u32 s0, $0xA;
	s2 =	sadd.s32 s3, s2  }
0x8d: {  	s2 =	sadd.s32 s2, s16  }
0x8e: {  	[smem:$0x3FBE] =	sst s2  }
0x8f: {  	_ = 	snop  }
0x90: {  	(tm) =	ssettm $0x1  }
0x91: {  	s17 =	sld [smem:$0x3FFB];
	_ =	sdelay $0x3  }
0x92: {  	_ =	strace s17  }
0x93: {  	s2 =	sld [smem:$0x3FFC];
	_ =	sdelay $0x3  }
0x94: {  	_ =	strace s2  }
0x95: {  	s2 =	sld [smem:$0x3FFD];
	_ =	sdelay $0x3  }
0x96: {  	_ =	strace s2  }
0x97: {  	_ =	strace $0x8FFFFFFF  }
0x98: {  	s18 =	sld [smem:$0x3FDB];
	_ =	sdelay $0x1  }
0x99: {  	s19 =	simm.s32 $_scs_section_size  }
0x9a: {  	s4 =	simm.s32 $_size__tile_overlayer_lowered;
	s5 =	simm.s32 $_tile_overlayer_lowered  }
0x9b: {  	s22 =	simm.s32 $0x1BFF;
	s21 =	sshll.u32 s5, $0x1;
	s2 =	sadd.s32 s19, s18  }
0x9c: {  	s6 =	simm.s32 $0x0;
	s20 =	sshll.u32 s4, $0x1;
	s4 =	sadd.s32 s21, s2  }
0x9d: {  	[timem:s6], [sflag:s22] =	dma.local [hbm:s4], s20  }
0x9e: {  	_ =	swait.ge [sflag:s22], s20  }
0x9f: {  	s3 =	ssub.s32 $0x0, s20;
	[sflag:s22] =	ssyncset.done $0x0  }
0xa0: {  	[sflag:s22] =	ssyncadd.s32 s3;
	_ =	sdelay $0x1  }
0xa1: {  	s23 =	simm.s32 $0x1B8B  }
0xa2: {  	_ =	swait.ge [sflag:s23], $0x1  }
0xa3: {  	[sflag:s23] =	ssyncset.done $0x0  }
0xa4: {  	s25 =	simm.s32 $0x1B8E;
	s24 =	sld [smem:$0x3FFE];
	[sflag:s23] =	ssyncadd.s32 $0xFFFFFFFF  }
0xa5: {  	s26 =	simm.s32 $execute0_lowered;
	[smem:$0x3FD2] =	sst s25  }
0xa6: {  	s4 =	sshll.u32 s26, $0x1;
	_ =	strace $0x80000049;
	[dreg:$0x1] =	wrdreg $0xFFFFFFFF  }
0xa7: {  	s28 =	simm.s32 $_size_execute0_lowered;
	s2 =	sadd.s32 s2, s4;
	[dreg:$0x0] =	wrdreg $0x0  }
0xa8: {  	s4 =	sshll.u32 s28, $0x1;
	[dreg:$0x2] =	wrdreg s2  }
0xa9: {  	[dreg:$0x3] =	wrdreg s4  }
0xaa: {  	[dreg:$0x4] =	wrdreg $0xC0  }
0xab: {  	_ =	task [dreg:s6], $0x5FFFF  }
0xac: {  	[dreg:$0x1] =	wrdreg $0xFFFFFFFF  }
0xad: {  	[dreg:$0x0] =	wrdreg $0x60  }
0xae: {  	[dreg:$0x2] =	wrdreg s24  }
0xaf: {  	[dreg:$0x3] =	wrdreg $0x0  }
0xb0: {  	[dreg:$0x4] =	wrdreg $0x9  }
0xb1: {  	_ =	task.clear_ibuf [dreg:s6], $0x5FFFF;
	_ =	strace $0x90000049  }
0xb2: {  	s29 =	simm.s32 $0x9;
	_ =	strace $0x8000004B  }
0xb3: {  	_ =	swait.ge [sflag:s29], $0x1  }
0xb4: {  	[sflag:s29] =	ssyncadd.s32 $0xFFFFFFFF  }
0xb5: {  	_ =	strace $0x9000004B  }
0xb6: {  	_ =	sfence  }
0xb7: {  	s30 =	sld [smem:$0x0];
	_ =	sdelay $0x2  }
0xb8: {  	s31 =	sshll.u32 s1, $0xD;
	s1 =	sshrl.u32 s1, $0x2  }
0xb9: {  	s3 =	sand.u32 $0x4000, s31;
	s1 =	sadd.s32 s1, s30  }
0xba: {  	s0 =	sor.u32 s3, s0;
	s1 =	sshll.u32 s1, $0x11  }
0xbb: {  	s0 =	sor.u32 s1, s0  }
0xbc: {  	s0 =	sadd.s32 $0x8F2B, s0  }
0xbd: {  	[sflag:s0] =	ssyncadd.remote.s32 $0x1  }
0xbe: {  	_ =	sfence.sel $0xFFFF  }
0xbf: {  	[dreg:$0x0] =	wrdreg $0xFFFFFFFF;
	(pc) =	sbr.abs _section_cstart, $3  }
0xc0: {  	[dreg:$0x1] =	wrdreg $0xFFFFFFFF  }
0xc1: {  	_ =	task.clear_ibuf [dreg:s6], $0x2FFFF;
	_ =	strace $0x9FFFFFFF  }
0xc2: {  	(tm) =	ssettm $0x7FFFFFFF  }
0xc3: {  	_ =	shalt  }
tec
execute0_lowered:
.L_overlay_start_1:
0x0: {  	(tag) =	ssettag $0x1  }
0x1: {  	s6 =	rddreg [dreg:$0x0]  }
0x2: {  	s2 =	rddreg [dreg:$0x1]  }
0x3: {  	s0 =	rddreg [dreg:$0x2];
	s3 =	simm.s32 $0x0;
	s1 =	stileid.u32  }
0x4: {  	s4 =	srdreg.scid;
	s15 =	simm.s32 $0x14C00;
	s16 =	simm.s32 $0x50  }
0x5: {  	s17 =	simm.s32 $0x17400;
	s18 =	simm.s32 $0x1;
	s19 =	simm.s32 $0x19C00  }
0x6: {  	s20 =	simm.s32 $0x2;
	s21 =	simm.s32 $0x14800;
	[smem:$0x7FF] =	sst s3  }
0x7: {  	s7 =	smul.u32 $0x2780, s1;
	s8 =	sand.u32 $0x1, s4;
	s4 =	sadd.s32 $0xC9A00, s6  }
0x8: {  	s5 =	sadd.s32 $0x18000, s6;
	s11 =	smul.u32 $0x4F000, s1;
	s31 =	sshll.u32 s1, $0x6  }
0x9: {  	_ =	strace $0x8000004A;
	s9 =	smul.u32 $0x27800, s8;
	s25 =	ssub.s32 $0x2, s8  }
0xa: {  	s28 =	sshll.u32 s8, $0x4;
	s8 =	sor.u32 $0x1C03, s31;
	s10 =	sadd.s32 s7, s6  }
0xb: {  	s26 =	sshrl.u32 s25, $0x1;
	s29 =	sor.u32 s1, s28;
	s30 =	sshrl.u32 s11, $0x2  }
0xc: {  	s7 =	sadd.s32 s7, s9;
	s13 =	ssub.s32 s25, s26;
	s9 =	smul.u32 $0x5000, s29  }
0xd: {  	s14 =	sadd.s32 s30, s2;
	s12 =	sadd.s32 s7, s6;
	s6 =	smul.u32 $0x2710, s29  }
0xe: {  	s7 =	sadd.s32 $0x53200, s10;
	s11 =	smax.u32 s13, $0x1;
	s13 =	simm.s32 $0x3  }
0xf: {  	v0 =	vimm.f32 $0.0e+00;
	s10 =	sadd.s32 $0x5ABA00, s12;
	s12 =	sshrl.u32 s14, $0x3;
	s14 =	simm.s32 $0x13C00  }
.LBB2_1:
0x10: {  	s22 =	simm.s32 $0x0;
	s23 =	simm.s32 $0x200  }
.LBB2_2:
0x11: {  	p0 =	sne.s32 s23, $0x9E00;
	[tilespmem:s22+$0x19C70] =	vst v0  }
0x12: {  	[tilespmem:s22+$0x17400] =	vst v0  }
0x13: {  	[tilespmem:s22+$0x19C00] =	vst v0  }
0x14: {  	[tilespmem:s22+$0x17410] =	vst v0  }
0x15: {  	[tilespmem:s22+$0x19C10] =	vst v0  }
0x16: {  	[tilespmem:s22+$0x17420] =	vst v0  }
0x17: {  	[tilespmem:s22+$0x19C20] =	vst v0  }
0x18: {  	[tilespmem:s22+$0x17430] =	vst v0  }
0x19: {  	[tilespmem:s22+$0x19C30] =	vst v0  }
0x1a: {  	[tilespmem:s22+$0x17440] =	vst v0  }
0x1b: {  	[tilespmem:s22+$0x19C40] =	vst v0  }
.Ltmp0:
0x1c: {  	[tilespmem:s22+$0x17450] =	vst v0;
	(pc) =	sbr.rel @p0 .LBB2_2-.Ltmp0, $4  }
0x1d: {  	[tilespmem:s22+$0x19C50] =	vst v0  }
0x1e: {  	[tilespmem:s22+$0x17460] =	vst v0  }
0x1f: {  	[tilespmem:s22+$0x19C60] =	vst v0  }
0x20: {  	[tilespmem:s22+$0x17470] =	vst v0;
	s22 =	sshra.s32 s23, $0x2;
	s23 =	sadd.s32 $0x200, s23  }
0x21: {  	[tilespmem:s22+$0x19C70] =	vst v0  }
0x22: {  	[tilespmem:s22+$0x17400] =	vst v0  }
0x23: {  	[tilespmem:s22+$0x19C00] =	vst v0  }
0x24: {  	[tilespmem:s22+$0x17410] =	vst v0  }
0x25: {  	[tilespmem:s22+$0x19C10] =	vst v0  }
0x26: {  	[tilespmem:s22+$0x17420] =	vst v0  }
0x27: {  	[tilespmem:s22+$0x19C20] =	vst v0  }
0x28: {  	[tilespmem:s22+$0x17430] =	vst v0  }
0x29: {  	[tilespmem:s22+$0x19C30] =	vst v0  }
0x2a: {  	[tilespmem:s22+$0x17440] =	vst v0  }
0x2b: {  	[tilespmem:s22+$0x19C40] =	vst v0  }
0x2c: {  	[tilespmem:s22+$0x17450] =	vst v0  }
0x2d: {  	[tilespmem:s22+$0x19C50] =	vst v0  }
0x2e: {  	[tilespmem:s22+$0x17460] =	vst v0  }
0x2f: {  	[tilespmem:s22+$0x19C60] =	vst v0  }
0x30: {  	[tilespmem:s22+$0x17470] =	vst v0  }
0x31: {  	[spmem:s12], [sflag:s8] =	dma.local [hbm:s7], $0x2780  }
0x32: {  	_ =	swait.ge [sflag:s13], $0x2780  }
0x33: {  	[sflag:s13] =	ssyncset.done $0x0  }
0x34: {  	[sflag:s13] =	ssyncadd.s32 $0xFFFFD880  }
0x35: {  	s22 =	simm.s32 $0x0;
	s23 =	simm.s32 $0x0;
	[bflag:$0x0] =	sbarrier.arrive $0xFFFF  }
.LBB2_4:
0x36: {  	s24 =	sshll.u32 s23, $0xC  }
0x37: {  	s24 =	sadd.s32 s9, s24  }
0x38: {  	s24 =	sshrl.u32 s24, $0x3  }
0x39: {  	s25 =	smul.u32 $0x7D0, s23;
	s24 =	sadd.s32 s5, s24  }
0x3a: {  	[tilespmem:s14], [sflag:$0x3] =	stream.linear.gather [hbm4b:s24+s22], $0xC80, $0x38;
	[tilespmem:$0x1C400] =	vst v63  }
0x3b: {  	s24 =	sadd.s32 s6, s25;
	_ =	swait.ge [sflag:s13], $0xC80  }
0x3c: {  	s25 =	sshll.u32 s24, $0x4;
	[sflag:s13] =	ssyncset.done $0x0  }
0x3d: {  	s25 =	sadd.s32 s4, s25;
	[sflag:s13] =	ssyncadd.s32 $0xFFFFF380  }
0x3e: {  	[tilespmem:s15], [sflag:$0x3] =	stream.linear.gather [hbm4b:s25+s22], $0x2800, $0x38;
	[tilespmem:$0x1C400] =	vst v63  }
0x3f: {  	_ =	swait.ge [sflag:s13], $0x2800  }
0x40: {  	[sflag:s13] =	ssyncset.done $0x0  }
0x41: {  	s25 =	simm.s32 $0x0;
	[sflag:s13] =	ssyncadd.s32 $0xFFFFD800  }
0x42: {  	s26 =	simm.s32 $0x200;
	v1 =	vld [tilespmem:s25+$0x14C00]  }
.LBB2_5:
0x43: {  	p0 =	seq.s32 s26, $0x9E00  }
.Ltmp1:
0x44: {  	_ = 	snop;
	(pc) =	sbr.rel @!p0 .LBB2_5-.Ltmp1, $3  }
0x45: {  	_ =	sdelay $0x1  }
0x46: {  	[tilespmem:s25+$0x17400] =	vst v1;
	s25 =	sshra.s32 s26, $0x2;
	s26 =	sadd.s32 $0x200, s26  }
0x47: {  	v1 =	vld [tilespmem:s25+$0x14C00]  }
0x48: {  	_ =	sdelay $0x3  }
0x49: {  	s26 =	simm.s32 $0x0;
	s28 =	simm.s32 $0x0;
	[tilespmem:s25+$0x17400] =	vst v1;
	s25 =	sadd.s32 $0xA0, s24  }
.LBB2_7:
0x4a: {  	s29 =	sshll.u32 s28, $0x8  }
0x4b: {  	s30 =	sand.u32 $0x3FFFFF00, s29;
	s29 =	sshllo.u32 s28, $0x1  }
0x4c: {  	s30 =	sadd.s32 $0x13C00, s30;
	s31 =	smul.u32 $0x50, s29  }
0x4d: {  	[spmem:s2] =	stream.indirect.scatter.add.f32 [tilespmem:s17], [sflag:$0x1], $0x80, s30, s16, $0xb8;
	[tilespmem:$0x1C400] =	vst v63  }
0x4e: {  	s30 =	sadd.s32 s24, s31  }
0x4f: {  	s30 =	sshll.u32 s30, $0x4  }
0x50: {  	s30 =	sadd.s32 s4, s30  }
0x51: {  	[tilespmem:s15], [sflag:$0x3] =	stream.linear.gather [hbm4b:s30+s26], $0x2800, $0x38;
	[tilespmem:$0x1C400] =	vst v63  }
0x52: {  	_ =	swait.ge [sflag:s13], $0x2800  }
0x53: {  	[sflag:s13] =	ssyncset.done $0x0  }
0x54: {  	s30 =	simm.s32 $0x0;
	[sflag:s13] =	ssyncadd.s32 $0xFFFFD800  }
0x55: {  	s31 =	simm.s32 $0x200;
	v1 =	vld [tilespmem:s30+$0x14C00]  }
.LBB2_8:
0x56: {  	p0 =	sne.s32 s31, $0x9E00  }
.Ltmp2:
0x57: {  	_ = 	snop;
	(pc) =	sbr.rel @p0 .LBB2_8-.Ltmp2, $3  }
0x58: {  	_ =	sdelay $0x1  }
0x59: {  	[tilespmem:s30+$0x19C00] =	vst v1;
	s30 =	sshra.s32 s31, $0x2;
	s31 =	sadd.s32 $0x200, s31  }
0x5a: {  	v1 =	vld [tilespmem:s30+$0x14C00]  }
0x5b: {  	_ =	sdelay $0x3  }
0x5c: {  	[tilespmem:s30+$0x19C00] =	vst v1  }
0x5d: {  	s29 =	sshll.u32 s29, $0x7;
	_ =	swait.ge [sflag:s18], $0x2800  }
0x5e: {  	s29 =	sand.u32 $0x3FFFFF80, s29;
	[sflag:s18] =	ssyncset.done $0x0  }
0x5f: {  	s29 =	sadd.s32 $0x13C00, s29;
	s30 =	smul.u32 $0xA0, s28;
	[sflag:s18] =	ssyncadd.s32 $0xFFFFD800  }
0x60: {  	[spmem:s2] =	stream.indirect.scatter.add.f32 [tilespmem:s19], [sflag:$0x2], $0x80, s29, s16, $0xb8;
	[tilespmem:$0x1C400] =	vst v63  }
0x61: {  	s29 =	sadd.s32 s30, s25  }
0x62: {  	s29 =	sshll.u32 s29, $0x4  }
0x63: {  	s30 =	simm.s32 $0x0;
	s29 =	sadd.s32 s4, s29  }
0x64: {  	[tilespmem:s15], [sflag:$0x3] =	stream.linear.gather [hbm4b:s29+s30], $0x2800, $0x38;
	[tilespmem:$0x1C400] =	vst v63  }
0x65: {  	_ =	swait.ge [sflag:s13], $0x2800  }
0x66: {  	[sflag:s13] =	ssyncset.done $0x0  }
0x67: {  	s29 =	simm.s32 $0x0;
	[sflag:s13] =	ssyncadd.s32 $0xFFFFD800  }
0x68: {  	s30 =	simm.s32 $0x200;
	v1 =	vld [tilespmem:s29+$0x14C00]  }
.LBB2_10:
0x69: {  	p0 =	sne.s32 s30, $0x9E00  }
.Ltmp3:
0x6a: {  	_ = 	snop;
	(pc) =	sbr.rel @p0 .LBB2_10-.Ltmp3, $3  }
0x6b: {  	_ =	sdelay $0x1  }
0x6c: {  	[tilespmem:s29+$0x17400] =	vst v1;
	s29 =	sshra.s32 s30, $0x2;
	s30 =	sadd.s32 $0x200, s30  }
0x6d: {  	v1 =	vld [tilespmem:s29+$0x14C00]  }
0x6e: {  	_ = 	snop  }
0x6f: {  	s28 =	sadd.s32 $0x1, s28  }
0x70: {  	p0 =	sne.s32 s28, $0xC  }
.Ltmp4:
0x71: {  	_ = 	snop;
	(pc) =	sbr.rel @p0 .LBB2_7-.Ltmp4, $4  }
0x72: {  	[tilespmem:s29+$0x17400] =	vst v1  }
0x73: {  	_ =	swait.ge [sflag:s20], $0x2800  }
0x74: {  	[sflag:s20] =	ssyncset.done $0x0  }
0x75: {  	[sflag:s20] =	ssyncadd.s32 $0xFFFFD800  }
0x76: {  	s23 =	sadd.s32 $0x1, s23  }
0x77: {  	p0 =	sne.s32 s23, $0x5  }
.Ltmp5:
0x78: {  	_ = 	snop;
	(pc) =	sbr.rel @p0 .LBB2_4-.Ltmp5, $4  }
0x79: {  	[spmem:s2] =	stream.indirect.scatter.add.f32 [tilespmem:s17], [sflag:$0x3], $0x80, s21, s16, $0xb8;
	[tilespmem:$0x1C400] =	vst v63  }
0x7a: {  	_ =	swait.ge [sflag:s13], $0x2800  }
0x7b: {  	[sflag:s13] =	ssyncset.done $0x0  }
0x7c: {  	[sflag:s13] =	ssyncadd.s32 $0xFFFFD800  }
0x7d: {  	s3 =	sadd.s32 $0x1, s3  }
0x7e: {  	p0 =	sne.s32 s3, s11  }
.Ltmp6:
0x7f: {  	[bflag:$0x0] =	sbarrier.arrive $0xFFFF;
	(pc) =	sbr.rel @p0 .LBB2_1-.Ltmp6, $4  }
0x80: {  	[hbm:s10], [sflag:s8] =	dma.local [spmem:s12], $0x2780  }
0x81: {  	_ =	swait.ge [sflag:s13], $0x2780  }
0x82: {  	[sflag:s13] =	ssyncset.done $0x0  }
0x83: {  	[sflag:s13] =	ssyncadd.s32 $0xFFFFD880  }
0x84: {  	_ =	sfence.sel $0x180000  }
0x85: {  	[bflag:$0x0] =	sbarrier.arrive $0xFFFF  }
0x86: {  	p0 =	sne.s32 s1, $0x0;
	_ =	strace $0x9000004A  }
0x87: {  	s0 =	sadd.s32 @!p0 $0x100000, s0;
	[bflag:$0x2] =	sbarrier.arrive $0xFFFF  }
0x88: {  	[sflag:s0] =	ssyncadd.tile.s32 @!p0 $0x1;
	_ =	shalt  }
.Lfunc_end2:
_tile_overlayer_lowered:
.L_overlay_start_2:
0x89: {  	(tag) =	ssettag $0x2  }
0x8a: {  	s0 =	rddreg [dreg:$0x0];
	s2 =	stileid.u32  }
0x8b: {  	s1 =	rddreg [dreg:$0x1];
	p0 =	sne.s32 s2, $0x0  }
0x8c: {  	s3 =	rddreg [dreg:$0x2];
	[bflag:$0x3] =	sbarrier.arrive $0xFFFF;
	s2 =	simm.s32 @!p0 $0x1C03  }
0x8d: {  	[timem:s3], [sflag:s2] =	dma.local @!p0 [hbm:s0], s1  }
0x8e: {  	s0 =	simm.s32 @!p0 $0x3  }
0x8f: {  	_ =	swait.ge @!p0 [sflag:s0], s1  }
0x90: {  	s1 =	ssub.s32 @!p0 $0x0, s1;
	[sflag:s0] =	ssyncset.done @!p0 $0x0  }
0x91: {  	[sflag:s0] =	ssyncadd.s32 @!p0 s1  }
0x92: {  	[bflag:$0x3] =	sbarrier.arrive $0xFFFF  }
0x93: {  	_ =	shalt  }

// kernel: kernel.14.cloned.1.call-start
scs
__scs_entry_jumppad:
0x0: {  	(pc) =	sbr.rel $0x88, $3  }
0x1: {  	(tag) =	ssettag $0x0;
	lr =	simm.s32 $0x1  }
0x2: {  	[smem:$0x3F97] =	sst lr;
	_ =	strace $0xD0000000  }
0x3: {  	_ = 	snop  }
0x4: {  	_ = 	snop  }
0x5: {  	_ = 	snop  }
0x6: {  	_ = 	snop  }
0x7: {  	_ = 	snop  }
__scs_overlays_trampoline_lowered:
0x8: {  	[smem:$0x3FA6] =	sst s0  }
0x9: {  	[smem:$0x3FA7] =	sst s1  }
0xa: {  	[smem:$0x3FA8] =	sst s2  }
0xb: {  	[smem:$0x3FA9] =	sst s3  }
0xc: {  	[smem:$0x3FAA] =	sst s4  }
0xd: {  	[smem:$0x3FAB] =	sst s5  }
0xe: {  	[smem:$0x3FAC] =	sst s6  }
0xf: {  	[smem:$0x3FAD] =	sst s7  }
0x10: {  	[smem:$0x3FAE] =	sst s8  }
0x11: {  	[smem:$0x3FAF] =	sst s9;
	s0 =	simm.s32 @!p0 $0x0  }
0x12: {  	s1 =	sld [smem:$0x3F95];
	s0 =	simm.s32 @p0 $0x1  }
0x13: {  	[smem:$0x3FB0] =	sst s0;
	s0 =	simm.s32 @!p1 $0x0  }
0x14: {  	s2 =	sld [smem:$0x3F94];
	s0 =	simm.s32 @p1 $0x1  }
0x15: {  	[smem:$0x3FB1] =	sst s0;
	s0 =	simm.s32 @!p2 $0x0  }
0x16: {  	s3 =	sld [smem:$0x3FDB];
	s0 =	simm.s32 @p2 $0x1  }
0x17: {  	s4 =	simm.s32 $0x1BF5;
	[smem:$0x3FB3] =	sst s0  }
0x18: {  	s0 =	sld [smem:$0x3F96];
	_ =	swait.ge [sflag:s4], $0x0  }
0x19: {  	s7 =	sld [smem:$0x3F97]  }
0x1a: {  	s8 =	sadd.s32 $0xFFFFE003, lr  }
0x1b: {  	s9 =	sadd.s32 $0xFFFFFEF7, lr;
	s5 =	simm.s32 $0xFFFFFFFF;
	p2 =	slt.u32 s8, $0xFFFFF086  }
0x1c: {  	p1 =	slt.u32 s9, $0xF7A;
	s5 =	simm.s32 @!p2 $0x0  }
0x1d: {  	s5 =	simm.s32 @p1 $0x1;
	p0 =	seq.s32 s7, s2  }
0x1e: {  	s7 =	smul.u32 @!p0 $0xF7A, s2;
	p2 =	seq.s32 @!p0 s5, $0x0  }
0x1f: {  	s9 =	smul.u32 $0xF7A, s1;
	s8 =	simm.s32 @!p0 $0x1BF5;
	p2 =	por !p2, p0  }
0x20: {  	[sflag:s8] =	ssyncset.s32 @!p0 $0xFFFFF086;
	s6 =	sadd.s32 @!p0 s3, s7;
	s7 =	simm.s32 @!p0 $0x108  }
0x21: {  	s3 =	sadd.s32 s3, s9;
	s6 =	sadd.s32 @!p0 $0x88, s6;
	s7 =	simm.s32 @p2 $0x1082  }
0x22: {  	[simem:s7], [sflag:s8] =	dma.local @!p0 [hbm:s6], $0xF7A  }
0x23: {  	s9 =	sor.u32 $0xD0000000, s2;
	s6 =	simm.s32 $0x108;
	_ =	swait.ge @!p0 [sflag:s8], $0x0  }
0x24: {  	s3 =	sadd.s32 $0x88, s3;
	s6 =	simm.s32 @!p1 $0x1082;
	[sflag:s4] =	ssyncset.s32 $0xFFFFF086  }
0x25: {  	[simem:s6], [sflag:s4] =	dma.local [hbm:s3], $0xF7A  }
0x26: {  	[smem:$0x3F97] =	sst s1;
	(tag) =	ssettag s2;
	_ =	strace s9  }
0x27: {  	s1 =	sld [smem:$0x3FA7]  }
0x28: {  	s2 =	sld [smem:$0x3FA8]  }
0x29: {  	s4 =	sld [smem:$0x3FAA]  }
0x2a: {  	p0 =	seq.s32 s5, $0x0;
	s5 =	sld [smem:$0x3FAB]  }
0x2b: {  	s6 =	sld [smem:$0x3FAC]  }
0x2c: {  	s7 =	sld [smem:$0x3FAD]  }
0x2d: {  	s3 =	simm.s32 $0x108;
	s8 =	sld [smem:$0x3FAE]  }
0x2e: {  	s3 =	simm.s32 @!p0 $0x1082;
	s9 =	sld [smem:$0x3FAF]  }
0x2f: {  	lr =	sadd.s32 s0, s3;
	s0 =	sld [smem:$0x3FA6]  }
0x30: {  	s3 =	sld [smem:$0x3FA9]  }
0x31: {  	[smem:$0x3FB2] =	sst s10  }
0x32: {  	s10 =	sld [smem:$0x3FB0];
	_ =	sdelay $0x3  }
0x33: {  	p0 =	seq.s32 s10, $0x1;
	s10 =	sld [smem:$0x3FB2];
	_ =	sdelay $0x3  }
0x34: {  	[smem:$0x3FB2] =	sst s10  }
0x35: {  	s10 =	sld [smem:$0x3FB1];
	_ =	sdelay $0x3  }
0x36: {  	p1 =	seq.s32 s10, $0x1;
	s10 =	sld [smem:$0x3FB2];
	_ =	sdelay $0x3  }
0x37: {  	[smem:$0x3FB2] =	sst s10  }
0x38: {  	s10 =	sld [smem:$0x3FB3]  }
0x39: {  	_ = 	snop;
	(pc) =	sbr.ind lr, $3  }
0x3a: {  	_ = 	snop  }
0x3b: {  	_ = 	snop  }
0x3c: {  	p2 =	seq.s32 s10, $0x1;
	s10 =	sld [smem:$0x3FB2]  }
0x3d: {  	_ =	shalt  }
0x3e: {  	_ =	shalt  }
0x3f: {  	_ =	shalt  }
0x40: {  	_ =	shalt  }
0x41: {  	_ =	shalt  }
0x42: {  	_ =	shalt  }
0x43: {  	_ =	shalt  }
0x44: {  	_ =	shalt  }
0x45: {  	_ =	shalt  }
0x46: {  	_ =	shalt  }
0x47: {  	_ =	shalt  }
0x48: {  	_ =	shalt  }
0x49: {  	_ =	shalt  }
0x4a: {  	_ =	shalt  }
0x4b: {  	_ =	shalt  }
0x4c: {  	_ =	shalt  }
0x4d: {  	_ =	shalt  }
0x4e: {  	_ =	shalt  }
0x4f: {  	_ =	shalt  }
0x50: {  	_ =	shalt  }
0x51: {  	_ =	shalt  }
0x52: {  	_ =	shalt  }
0x53: {  	_ =	shalt  }
0x54: {  	_ =	shalt  }
0x55: {  	_ =	shalt  }
0x56: {  	_ =	shalt  }
0x57: {  	_ =	shalt  }
0x58: {  	_ =	shalt  }
0x59: {  	_ =	shalt  }
0x5a: {  	_ =	shalt  }
0x5b: {  	_ =	shalt  }
0x5c: {  	_ =	shalt  }
0x5d: {  	_ =	shalt  }
0x5e: {  	_ =	shalt  }
0x5f: {  	_ =	shalt  }
0x60: {  	_ =	shalt  }
0x61: {  	_ =	shalt  }
0x62: {  	_ =	shalt  }
0x63: {  	_ =	shalt  }
0x64: {  	_ =	shalt  }
0x65: {  	_ =	shalt  }
0x66: {  	_ =	shalt  }
0x67: {  	_ =	shalt  }
0x68: {  	_ =	shalt  }
0x69: {  	_ =	shalt  }
0x6a: {  	_ =	shalt  }
0x6b: {  	_ =	shalt  }
0x6c: {  	_ =	shalt  }
0x6d: {  	_ =	shalt  }
0x6e: {  	_ =	shalt  }
0x6f: {  	_ =	shalt  }
0x70: {  	_ =	shalt  }
0x71: {  	_ =	shalt  }
0x72: {  	_ =	shalt  }
0x73: {  	_ =	shalt  }
0x74: {  	_ =	shalt  }
0x75: {  	_ =	shalt  }
0x76: {  	_ =	shalt  }
0x77: {  	_ =	shalt  }
0x78: {  	_ =	shalt  }
0x79: {  	_ =	shalt  }
0x7a: {  	_ =	shalt  }
0x7b: {  	_ =	shalt  }
0x7c: {  	_ =	shalt  }
0x7d: {  	_ =	shalt  }
0x7e: {  	_ =	shalt  }
0x7f: {  	_ =	shalt  }
0x80: {  	_ =	shalt  }
0x81: {  	_ =	shalt  }
0x82: {  	_ =	shalt  }
0x83: {  	_ =	shalt  }
0x84: {  	_ =	shalt  }
0x85: {  	_ =	shalt  }
0x86: {  	_ =	shalt  }
0x87: {  	_ =	shalt  }
.Lfunc_end0:
.L_simem_size_0:
called_computation.2_lowered:
.L_overlay_start_0:
0x88: {  	s2 =	sld [smem:$0x3FD9]  }
0x89: {  	s3 =	sld [smem:$0x3FFE];
	_ =	sdelay $0x1  }
0x8a: {  	s1 =	srdreg.scid  }
0x8b: {  	s0 =	sand.u32 $0x1, s1  }
0x8c: {  	s17 =	sshll.u32 s0, $0xA;
	s2 =	sadd.s32 s3, s2  }
0x8d: {  	s2 =	sadd.s32 s2, s17  }
0x8e: {  	[smem:$0x3FBE] =	sst s2  }
0x8f: {  	_ = 	snop  }
0x90: {  	s2 =	sld [smem:$0x3FD0];
	(tm) =	ssettm $0x1  }
0x91: {  	s18 =	sld [smem:$0x3FFB];
	_ =	sdelay $0x3  }
0x92: {  	_ =	strace s18  }
0x93: {  	s3 =	sld [smem:$0x3FFC];
	_ =	sdelay $0x3  }
0x94: {  	_ =	strace s3  }
0x95: {  	s3 =	sld [smem:$0x3FFD];
	_ =	sdelay $0x3  }
0x96: {  	_ =	strace s3  }
0x97: {  	_ =	strace $0x8FFFFFFF  }
0x98: {  	s19 =	sld [smem:$0x3FDB];
	_ =	sdelay $0x1  }
0x99: {  	s4 =	simm.s32 $_scs_section_size  }
0x9a: {  	s5 =	simm.s32 $_size__tile_overlayer_lowered;
	s6 =	simm.s32 $_tile_overlayer_lowered  }
0x9b: {  	s22 =	simm.s32 $0x1BFF;
	s21 =	sshll.u32 s6, $0x1;
	s3 =	sadd.s32 s4, s19  }
0x9c: {  	s7 =	simm.s32 $0x0;
	s20 =	sshll.u32 s5, $0x1;
	s5 =	sadd.s32 s21, s3  }
0x9d: {  	[timem:s7], [sflag:s22] =	dma.local [hbm:s5], s20  }
0x9e: {  	_ =	swait.ge [sflag:s22], s20  }
0x9f: {  	s4 =	ssub.s32 $0x0, s20;
	[sflag:s22] =	ssyncset.done $0x0  }
0xa0: {  	[sflag:s22] =	ssyncadd.s32 s4;
	_ =	sdelay $0x1  }
0xa1: {  	s23 =	simm.s32 $0x1B8B  }
0xa2: {  	_ =	swait.ge [sflag:s23], $0x1  }
0xa3: {  	[sflag:s23] =	ssyncset.done $0x0  }
0xa4: {  	s25 =	simm.s32 $0x1B8E;
	s24 =	sld [smem:$0x3FFE];
	[sflag:s23] =	ssyncadd.s32 $0xFFFFFFFF  }
0xa5: {  	s26 =	simm.s32 $execute0_lowered;
	[smem:$0x3FD2] =	sst s25  }
0xa6: {  	s5 =	sshll.u32 s26, $0x1;
	_ =	strace $0x8000004C;
	[dreg:$0x1] =	wrdreg $0xFFFFFFFF  }
0xa7: {  	s28 =	simm.s32 $_size_execute0_lowered;
	s3 =	sadd.s32 s3, s5;
	[dreg:$0x0] =	wrdreg $0x0  }
0xa8: {  	s5 =	sshll.u32 s28, $0x1;
	[dreg:$0x2] =	wrdreg s3  }
0xa9: {  	[dreg:$0x3] =	wrdreg s5  }
0xaa: {  	[dreg:$0x4] =	wrdreg $0xC0  }
0xab: {  	_ =	task [dreg:s7], $0x5FFFF  }
0xac: {  	[dreg:$0x1] =	wrdreg $0xFFFFFFFF  }
0xad: {  	[dreg:$0x0] =	wrdreg $0x60  }
0xae: {  	[dreg:$0x2] =	wrdreg s2  }
0xaf: {  	[dreg:$0x3] =	wrdreg s24  }
0xb0: {  	[dreg:$0x4] =	wrdreg $0x0  }
0xb1: {  	[dreg:$0x5] =	wrdreg $0x9  }
0xb2: {  	_ =	task.clear_ibuf [dreg:s7], $0x6FFFF;
	_ =	strace $0x9000004C  }
0xb3: {  	s29 =	simm.s32 $0x9;
	_ =	strace $0x8000004E  }
0xb4: {  	_ =	swait.ge [sflag:s29], $0x1  }
0xb5: {  	[sflag:s29] =	ssyncadd.s32 $0xFFFFFFFF  }
0xb6: {  	_ =	strace $0x9000004E  }
0xb7: {  	_ =	sfence  }
0xb8: {  	s30 =	sld [smem:$0x0];
	_ =	sdelay $0x2  }
0xb9: {  	s31 =	sshll.u32 s1, $0xD;
	s1 =	sshrl.u32 s1, $0x2  }
0xba: {  	s3 =	sand.u32 $0x4000, s31;
	s1 =	sadd.s32 s1, s30  }
0xbb: {  	s0 =	sor.u32 s3, s0;
	s1 =	sshll.u32 s1, $0x11  }
0xbc: {  	s0 =	sor.u32 s1, s0  }
0xbd: {  	s0 =	sadd.s32 $0x8F2B, s0  }
0xbe: {  	[sflag:s0] =	ssyncadd.remote.s32 $0x1  }
0xbf: {  	_ =	sfence.sel $0xFFFF  }
0xc0: {  	[dreg:$0x0] =	wrdreg $0xFFFFFFFF;
	(pc) =	sbr.abs _section_cstart, $3  }
0xc1: {  	[dreg:$0x1] =	wrdreg $0xFFFFFFFF  }
0xc2: {  	_ =	task.clear_ibuf [dreg:s7], $0x2FFFF;
	_ =	strace $0x9FFFFFFF  }
0xc3: {  	(tm) =	ssettm $0x7FFFFFFF  }
tec
execute0_lowered:
.L_overlay_start_1:
0x0: {  	(tag) =	ssettag $0x1  }
0x1: {  	s0 =	srdreg.scid;
	s9 =	stileid.u32  }
0x2: {  	s0 =	sand.u32 $0x1, s0;
	s4 =	smul.u32 $0x5000, s9  }
0x3: {  	s2 =	rddreg [dreg:$0x0];
	s1 =	smul.u32 $0x50000, s0  }
0x4: {  	s5 =	rddreg [dreg:$0x1]  }
0x5: {  	s3 =	rddreg [dreg:$0x2];
	s1 =	sadd.s32 s4, s1;
	s4 =	simm.s32 $0x0  }
0x6: {  	s25 =	simm.s32 $0x13C80;
	[smem:$0x7FF] =	sst s4  }
0x7: {  	s26 =	simm.s32 $0x13D00;
	_ =	strace $0x8000004D;
	[dreg:$0x6] =	wrdreg s25  }
0x8: {  	s7 =	simm.s32 $0x14C80;
	[dreg:$0x7] =	wrdreg s26  }
0x9: {  	s8 =	simm.s32 $0x13E00;
	[dreg:$0x9] =	wrdreg s7  }
0xa: {  	s10 =	simm.s32 $0x14D00;
	[dreg:$0xa] =	wrdreg s8  }
0xb: {  	s11 =	simm.s32 $0x13E80;
	[dreg:$0xb] =	wrdreg s10  }
0xc: {  	s12 =	simm.s32 $0x14D80;
	[dreg:$0xc] =	wrdreg s11  }
0xd: {  	s13 =	simm.s32 $0x13F00;
	s15 =	simm.s32 $0x14E00;
	[dreg:$0xd] =	wrdreg s12  }
0xe: {  	s16 =	simm.s32 $0x13F80;
	s17 =	simm.s32 $0x14E80;
	[dreg:$0xe] =	wrdreg s13  }
0xf: {  	s18 =	simm.s32 $0x14000;
	s19 =	simm.s32 $0x14F00;
	[dreg:$0xf] =	wrdreg s15  }
0x10: {  	s20 =	simm.s32 $0x14080;
	s22 =	simm.s32 $0x14F80;
	[dreg:$0x10] =	wrdreg s16  }
0x11: {  	s24 =	simm.s32 $0x14100;
	s28 =	simm.s32 $0x15600;
	[dreg:$0x11] =	wrdreg s17  }
0x12: {  	s29 =	simm.s32 $0x14780;
	s30 =	simm.s32 $0x15680;
	[dreg:$0x12] =	wrdreg s18  }
0x13: {  	s31 =	simm.s32 $0x14800;
	s14 =	smul.u32 $0x2780, s9;
	[dreg:$0x13] =	wrdreg s19  }
0x14: {  	s23 =	smul.u32 $0x4F000, s9;
	s1 =	sshrl.u32 s1, $0x3;
	[dreg:$0x14] =	wrdreg s20  }
0x15: {  	s1 =	sadd.s32 s1, s5;
	s7 =	smul.u32 $0x27800, s0;
	[dreg:$0x15] =	wrdreg s22  }
0x16: {  	s8 =	sadd.s32 s14, s5;
	[dreg:$0x16] =	wrdreg s24;
	s25 =	simm.s32 $0x15000  }
0x17: {  	s0 =	ssub.s32 $0x2, s0;
	s10 =	simm.s32 $0x15080;
	[dreg:$0x17] =	wrdreg s25  }
0x18: {  	s26 =	sshrl.u32 s23, $0x2;
	s12 =	simm.s32 $0x14200;
	[dreg:$0x19] =	wrdreg s10  }
0x19: {  	s13 =	sshll.u32 s9, $0x6;
	s15 =	simm.s32 $0x14280;
	[dreg:$0x1a] =	wrdreg s12  }
0x1a: {  	s16 =	simm.s32 $0x15180;
	s17 =	simm.s32 $0x14300;
	[dreg:$0x1c] =	wrdreg s15  }
0x1b: {  	s18 =	simm.s32 $0x15200;
	s19 =	simm.s32 $0x14380;
	[dreg:$0x1d] =	wrdreg s16  }
0x1c: {  	s20 =	simm.s32 $0x15280;
	s22 =	simm.s32 $0x15300;
	[dreg:$0x1e] =	wrdreg s17  }
0x1d: {  	s23 =	simm.s32 $0x14480;
	s24 =	simm.s32 $0x15380;
	[dreg:$0x1f] =	wrdreg s18  }
0x1e: {  	s9 =	simm.s32 $0x0;
	s6 =	sadd.s32 $0x18000, s1;
	[smem:$0x7F4] =	sst s19  }
0x1f: {  	s1 =	sadd.s32 $0x4000, s1;
	s21 =	sshrl.u32 s0, $0x1;
	[smem:$0x7F5] =	sst s20  }
0x20: {  	s11 =	sadd.s32 $0x53200, s8;
	s10 =	simm.s32 $0x4;
	[smem:$0x7F7] =	sst s22  }
0x21: {  	s12 =	simm.s32 $0x14C00;
	s15 =	simm.s32 $0x18400;
	[smem:$0x7F8] =	sst s23  }
0x22: {  	s16 =	simm.s32 $0x1AC00;
	[smem:$0x7F9] =	sst s24;
	s25 =	simm.s32 $0x14500  }
0x23: {  	s17 =	simm.s32 $0x1;
	s18 =	simm.s32 $0x2;
	s19 =	simm.s32 $0x3  }
0x24: {  	s20 =	simm.s32 $0x14580;
	s22 =	simm.s32 $0x14600;
	[dreg:$0x4] =	wrdreg s6  }
0x25: {  	s23 =	simm.s32 $0x15500;
	s24 =	simm.s32 $0x14680;
	[dreg:$0x5] =	wrdreg s1  }
0x26: {  	s6 =	simm.s32 $0x13D80;
	s0 =	ssub.s32 s0, s21;
	[smem:$0x7F1] =	sst s11  }
0x27: {  	s11 =	simm.s32 $0x13C00;
	s21 =	simm.s32 $0x14400;
	[smem:$0x7FA] =	sst s25  }
0x28: {  	s25 =	simm.s32 $0x15580;
	s1 =	simm.s32 $0x15700;
	[dreg:$0x8] =	wrdreg s6  }
0x29: {  	s6 =	sadd.s32 s14, s7;
	s7 =	simm.s32 $0x14180;
	[smem:$0x7F6] =	sst s21  }
0x2a: {  	s14 =	simm.s32 $0x15100;
	s0 =	smax.u32 s0, $0x1;
	[dreg:$0x18] =	wrdreg s7  }
0x2b: {  	s21 =	simm.s32 $0x15480;
	s5 =	sadd.s32 s6, s5;
	[dreg:$0x1b] =	wrdreg s14  }
0x2c: {  	s6 =	sadd.s32 s26, s3;
	[smem:$0x7F3] =	sst s0;
	s26 =	simm.s32 $0x15400  }
0x2d: {  	s7 =	sor.u32 $0x1C04, s13;
	s13 =	simm.s32 $0x50;
	[smem:$0x7FB] =	sst s26  }
0x2e: {  	s14 =	simm.s32 $0x15C00;
	s5 =	sadd.s32 $0x7AA00, s5;
	[smem:$0x7FC] =	sst s7  }
0x2f: {  	s0 =	simm.s32 $0x15780;
	s8 =	sshrl.u32 s6, $0x3;
	[smem:$0x7F2] =	sst s5  }
0x30: {  	s26 =	simm.s32 $0x14700;
	s5 =	simm.s32 $0x15800;
	[smem:$0x7FD] =	sst s8  }
.LBB2_1:
0x31: {  	s6 =	sld [smem:$0x7F1];
	_ =	sdelay $0x1  }
0x32: {  	[smem:$0x7F0] =	sst s9  }
0x33: {  	[spmem:s8], [sflag:s7] =	dma.local [hbm:s6], $0x2780  }
0x34: {  	_ =	swait.ge [sflag:s10], $0x2780  }
0x35: {  	[sflag:s10] =	ssyncset.done $0x0  }
0x36: {  	[sflag:s10] =	ssyncadd.s32 $0xFFFFD880  }
0x37: {  	[bflag:$0x0] =	sbarrier.arrive $0xFFFF  }
0x38: {  	s7 =	rddreg [dreg:$0x5]  }
0x39: {  	s6 =	sadd.s32 $0x0, s7  }
0x3a: {  	[tilespmem:s11], [sflag:$0x4] =	stream.linear.gather [hbm4b:s6+s4], $0xC80, $0x38;
	[tilespmem:$0x1D400] =	vst v63  }
0x3b: {  	_ =	swait.ge [sflag:s10], $0xC80  }
0x3c: {  	s8 =	rddreg [dreg:$0x4];
	[sflag:s10] =	ssyncset.done $0x0  }
0x3d: {  	[sflag:s10] =	ssyncadd.s32 $0xFFFFF380;
	s6 =	sadd.s32 $0x0, s8  }
0x3e: {  	[tilespmem:s12], [sflag:$0x4] =	stream.linear.gather [hbm4b:s6+s4], $0xC80, $0x38;
	[tilespmem:$0x1D400] =	vst v63  }
0x3f: {  	_ =	swait.ge [sflag:s10], $0xC80  }
0x40: {  	[sflag:s10] =	ssyncset.done $0x0  }
0x41: {  	[sflag:s10] =	ssyncadd.s32 $0xFFFFF380  }
0x42: {  	[tilespmem:s14], [sflag:$0x1] =	stream.indirect.gather [hbm4b:s2+s13], $0x80, s11, s13, $0xb8;
	[tilespmem:$0x1D400] =	vst v63  }
0x43: {  	s9 =	rddreg [dreg:$0x6]  }
0x44: {  	[tilespmem:s15], [sflag:$0x2] =	stream.indirect.gather [hbm4b:s2+s13], $0x80, s9, s13, $0xb8;
	[tilespmem:$0x1D400] =	vst v63  }
0x45: {  	s7 =	rddreg [dreg:$0x7]  }
0x46: {  	[tilespmem:s16], [sflag:$0x3] =	stream.indirect.gather [hbm4b:s2+s13], $0x80, s7, s13, $0xb8;
	[tilespmem:$0x1D400] =	vst v63  }
0x47: {  	_ =	swait.ge [sflag:s17], $0x2800  }
0x48: {  	[sflag:s17] =	ssyncset.done $0x0  }
0x49: {  	[sflag:s17] =	ssyncadd.s32 $0xFFFFD800  }
0x4a: {  	[spmem:s3] =	stream.indirect.scatter.add.f32 [tilespmem:s14], [sflag:$0x4], $0x80, s12, s13, $0xb8;
	[tilespmem:$0x1D400] =	vst v63  }
0x4b: {  	_ =	swait.ge [sflag:s10], $0x2800  }
0x4c: {  	[sflag:s10] =	ssyncset.done $0x0  }
0x4d: {  	s8 =	rddreg [dreg:$0x8];
	[sflag:s10] =	ssyncadd.s32 $0xFFFFD800  }
0x4e: {  	[tilespmem:s14], [sflag:$0x1] =	stream.indirect.gather [hbm4b:s2+s13], $0x80, s8, s13, $0xb8;
	[tilespmem:$0x1D400] =	vst v63  }
0x4f: {  	_ =	swait.ge [sflag:s18], $0x2800  }
0x50: {  	[sflag:s18] =	ssyncset.done $0x0  }
0x51: {  	s9 =	rddreg [dreg:$0x9];
	[sflag:s18] =	ssyncadd.s32 $0xFFFFD800  }
0x52: {  	[spmem:s3] =	stream.indirect.scatter.add.f32 [tilespmem:s15], [sflag:$0x4], $0x80, s9, s13, $0xb8;
	[tilespmem:$0x1D400] =	vst v63  }
0x53: {  	_ =	swait.ge [sflag:s10], $0x2800  }
0x54: {  	[sflag:s10] =	ssyncset.done $0x0  }
0x55: {  	s7 =	rddreg [dreg:$0xa];
	[sflag:s10] =	ssyncadd.s32 $0xFFFFD800  }
0x56: {  	[tilespmem:s15], [sflag:$0x2] =	stream.indirect.gather [hbm4b:s2+s13], $0x80, s7, s13, $0xb8;
	[tilespmem:$0x1D400] =	vst v63  }
0x57: {  	_ =	swait.ge [sflag:s19], $0x2800  }
0x58: {  	[sflag:s19] =	ssyncset.done $0x0  }
0x59: {  	s8 =	rddreg [dreg:$0xb];
	[sflag:s19] =	ssyncadd.s32 $0xFFFFD800  }
0x5a: {  	[spmem:s3] =	stream.indirect.scatter.add.f32 [tilespmem:s16], [sflag:$0x4], $0x80, s8, s13, $0xb8;
	[tilespmem:$0x1D400] =	vst v63  }
0x5b: {  	_ =	swait.ge [sflag:s10], $0x2800  }
0x5c: {  	[sflag:s10] =	ssyncset.done $0x0  }
0x5d: {  	s9 =	rddreg [dreg:$0xc];
	[sflag:s10] =	ssyncadd.s32 $0xFFFFD800  }
0x5e: {  	[tilespmem:s16], [sflag:$0x3] =	stream.indirect.gather [hbm4b:s2+s13], $0x80, s9, s13, $0xb8;
	[tilespmem:$0x1D400] =	vst v63  }
0x5f: {  	_ =	swait.ge [sflag:s17], $0x2800  }
0x60: {  	[sflag:s17] =	ssyncset.done $0x0  }
0x61: {  	s7 =	rddreg [dreg:$0xd];
	[sflag:s17] =	ssyncadd.s32 $0xFFFFD800  }
0x62: {  	[spmem:s3] =	stream.indirect.scatter.add.f32 [tilespmem:s14], [sflag:$0x4], $0x80, s7, s13, $0xb8;
	[tilespmem:$0x1D400] =	vst v63  }
0x63: {  	_ =	swait.ge [sflag:s10], $0x2800  }
0x64: {  	[sflag:s10] =	ssyncset.done $0x0  }
0x65: {  	s8 =	rddreg [dreg:$0xe];
	[sflag:s10] =	ssyncadd.s32 $0xFFFFD800  }
0x66: {  	[tilespmem:s14], [sflag:$0x1] =	stream.indirect.gather [hbm4b:s2+s13], $0x80, s8, s13, $0xb8;
	[tilespmem:$0x1D400] =	vst v63  }
0x67: {  	_ =	swait.ge [sflag:s18], $0x2800  }
0x68: {  	[sflag:s18] =	ssyncset.done $0x0  }
0x69: {  	s9 =	rddreg [dreg:$0xf];
	[sflag:s18] =	ssyncadd.s32 $0xFFFFD800  }
0x6a: {  	[spmem:s3] =	stream.indirect.scatter.add.f32 [tilespmem:s15], [sflag:$0x4], $0x80, s9, s13, $0xb8;
	[tilespmem:$0x1D400] =	vst v63  }
0x6b: {  	_ =	swait.ge [sflag:s10], $0x2800  }
0x6c: {  	[sflag:s10] =	ssyncset.done $0x0  }
0x6d: {  	s7 =	rddreg [dreg:$0x10];
	[sflag:s10] =	ssyncadd.s32 $0xFFFFD800  }
0x6e: {  	[tilespmem:s15], [sflag:$0x2] =	stream.indirect.gather [hbm4b:s2+s13], $0x80, s7, s13, $0xb8;
	[tilespmem:$0x1D400] =	vst v63  }
0x6f: {  	_ =	swait.ge [sflag:s19], $0x2800  }
0x70: {  	[sflag:s19] =	ssyncset.done $0x0  }
0x71: {  	s8 =	rddreg [dreg:$0x11];
	[sflag:s19] =	ssyncadd.s32 $0xFFFFD800  }
0x72: {  	[spmem:s3] =	stream.indirect.scatter.add.f32 [tilespmem:s16], [sflag:$0x4], $0x80, s8, s13, $0xb8;
	[tilespmem:$0x1D400] =	vst v63  }
0x73: {  	_ =	swait.ge [sflag:s10], $0x2800  }
0x74: {  	[sflag:s10] =	ssyncset.done $0x0  }
0x75: {  	s9 =	rddreg [dreg:$0x12];
	[sflag:s10] =	ssyncadd.s32 $0xFFFFD800  }
0x76: {  	[tilespmem:s16], [sflag:$0x3] =	stream.indirect.gather [hbm4b:s2+s13], $0x80, s9, s13, $0xb8;
	[tilespmem:$0x1D400] =	vst v63  }
0x77: {  	_ =	swait.ge [sflag:s17], $0x2800  }
0x78: {  	[sflag:s17] =	ssyncset.done $0x0  }
0x79: {  	s7 =	rddreg [dreg:$0x13];
	[sflag:s17] =	ssyncadd.s32 $0xFFFFD800  }
0x7a: {  	[spmem:s3] =	stream.indirect.scatter.add.f32 [tilespmem:s14], [sflag:$0x4], $0x80, s7, s13, $0xb8;
	[tilespmem:$0x1D400] =	vst v63  }
0x7b: {  	_ =	swait.ge [sflag:s10], $0x2800  }
0x7c: {  	[sflag:s10] =	ssyncset.done $0x0  }
0x7d: {  	s8 =	rddreg [dreg:$0x14];
	[sflag:s10] =	ssyncadd.s32 $0xFFFFD800  }
0x7e: {  	[tilespmem:s14], [sflag:$0x1] =	stream.indirect.gather [hbm4b:s2+s13], $0x80, s8, s13, $0xb8;
	[tilespmem:$0x1D400] =	vst v63  }
0x7f: {  	_ =	swait.ge [sflag:s18], $0x2800  }
0x80: {  	[sflag:s18] =	ssyncset.done $0x0  }
0x81: {  	s9 =	rddreg [dreg:$0x15];
	[sflag:s18] =	ssyncadd.s32 $0xFFFFD800  }
0x82: {  	[spmem:s3] =	stream.indirect.scatter.add.f32 [tilespmem:s15], [sflag:$0x4], $0x80, s9, s13, $0xb8;
	[tilespmem:$0x1D400] =	vst v63  }
0x83: {  	_ =	swait.ge [sflag:s10], $0x2800  }
0x84: {  	[sflag:s10] =	ssyncset.done $0x0  }
0x85: {  	s7 =	rddreg [dreg:$0x16];
	[sflag:s10] =	ssyncadd.s32 $0xFFFFD800  }
0x86: {  	[tilespmem:s15], [sflag:$0x2] =	stream.indirect.gather [hbm4b:s2+s13], $0x80, s7, s13, $0xb8;
	[tilespmem:$0x1D400] =	vst v63  }
0x87: {  	_ =	swait.ge [sflag:s19], $0x2800  }
0x88: {  	[sflag:s19] =	ssyncset.done $0x0  }
0x89: {  	s8 =	rddreg [dreg:$0x17];
	[sflag:s19] =	ssyncadd.s32 $0xFFFFD800  }
0x8a: {  	[spmem:s3] =	stream.indirect.scatter.add.f32 [tilespmem:s16], [sflag:$0x4], $0x80, s8, s13, $0xb8;
	[tilespmem:$0x1D400] =	vst v63  }
0x8b: {  	_ =	swait.ge [sflag:s10], $0x2800  }
0x8c: {  	[sflag:s10] =	ssyncset.done $0x0  }
0x8d: {  	s9 =	rddreg [dreg:$0x18];
	[sflag:s10] =	ssyncadd.s32 $0xFFFFD800  }
0x8e: {  	[tilespmem:s16], [sflag:$0x3] =	stream.indirect.gather [hbm4b:s2+s13], $0x80, s9, s13, $0xb8;
	[tilespmem:$0x1D400] =	vst v63  }
0x8f: {  	_ =	swait.ge [sflag:s17], $0x2800  }
0x90: {  	[sflag:s17] =	ssyncset.done $0x0  }
0x91: {  	s7 =	rddreg [dreg:$0x19];
	[sflag:s17] =	ssyncadd.s32 $0xFFFFD800  }
0x92: {  	[spmem:s3] =	stream.indirect.scatter.add.f32 [tilespmem:s14], [sflag:$0x4], $0x80, s7, s13, $0xb8;
	[tilespmem:$0x1D400] =	vst v63  }
0x93: {  	_ =	swait.ge [sflag:s10], $0x2800  }
0x94: {  	[sflag:s10] =	ssyncset.done $0x0  }
0x95: {  	s8 =	rddreg [dreg:$0x1a];
	[sflag:s10] =	ssyncadd.s32 $0xFFFFD800  }
0x96: {  	[tilespmem:s14], [sflag:$0x1] =	stream.indirect.gather [hbm4b:s2+s13], $0x80, s8, s13, $0xb8;
	[tilespmem:$0x1D400] =	vst v63  }
0x97: {  	_ =	swait.ge [sflag:s18], $0x2800  }
0x98: {  	[sflag:s18] =	ssyncset.done $0x0  }
0x99: {  	s9 =	rddreg [dreg:$0x1b];
	[sflag:s18] =	ssyncadd.s32 $0xFFFFD800  }
0x9a: {  	[spmem:s3] =	stream.indirect.scatter.add.f32 [tilespmem:s15], [sflag:$0x4], $0x80, s9, s13, $0xb8;
	[tilespmem:$0x1D400] =	vst v63  }
0x9b: {  	_ =	swait.ge [sflag:s10], $0x2800  }
0x9c: {  	[sflag:s10] =	ssyncset.done $0x0  }
0x9d: {  	s7 =	rddreg [dreg:$0x1c];
	[sflag:s10] =	ssyncadd.s32 $0xFFFFD800  }
0x9e: {  	[tilespmem:s15], [sflag:$0x2] =	stream.indirect.gather [hbm4b:s2+s13], $0x80, s7, s13, $0xb8;
	[tilespmem:$0x1D400] =	vst v63  }
0x9f: {  	_ =	swait.ge [sflag:s19], $0x2800  }
0xa0: {  	[sflag:s19] =	ssyncset.done $0x0  }
0xa1: {  	s8 =	rddreg [dreg:$0x1d];
	[sflag:s19] =	ssyncadd.s32 $0xFFFFD800  }
0xa2: {  	[spmem:s3] =	stream.indirect.scatter.add.f32 [tilespmem:s16], [sflag:$0x4], $0x80, s8, s13, $0xb8;
	[tilespmem:$0x1D400] =	vst v63  }
0xa3: {  	_ =	swait.ge [sflag:s10], $0x2800  }
0xa4: {  	[sflag:s10] =	ssyncset.done $0x0  }
0xa5: {  	s9 =	rddreg [dreg:$0x1e];
	[sflag:s10] =	ssyncadd.s32 $0xFFFFD800  }
0xa6: {  	[tilespmem:s16], [sflag:$0x3] =	stream.indirect.gather [hbm4b:s2+s13], $0x80, s9, s13, $0xb8;
	[tilespmem:$0x1D400] =	vst v63  }
0xa7: {  	_ =	swait.ge [sflag:s17], $0x2800  }
0xa8: {  	[sflag:s17] =	ssyncset.done $0x0  }
0xa9: {  	s7 =	rddreg [dreg:$0x1f];
	[sflag:s17] =	ssyncadd.s32 $0xFFFFD800  }
0xaa: {  	[spmem:s3] =	stream.indirect.scatter.add.f32 [tilespmem:s14], [sflag:$0x4], $0x80, s7, s13, $0xb8;
	[tilespmem:$0x1D400] =	vst v63  }
0xab: {  	_ =	swait.ge [sflag:s10], $0x2800  }
0xac: {  	s8 =	sld [smem:$0x7F4]  }
0xad: {  	[sflag:s10] =	ssyncset.done $0x0  }
0xae: {  	[sflag:s10] =	ssyncadd.s32 $0xFFFFD800  }
0xaf: {  	[tilespmem:s14], [sflag:$0x1] =	stream.indirect.gather [hbm4b:s2+s13], $0x80, s8, s13, $0xb8;
	[tilespmem:$0x1D400] =	vst v63  }
0xb0: {  	_ =	swait.ge [sflag:s18], $0x2800  }
0xb1: {  	s9 =	sld [smem:$0x7F5]  }
0xb2: {  	[sflag:s18] =	ssyncset.done $0x0  }
0xb3: {  	[sflag:s18] =	ssyncadd.s32 $0xFFFFD800  }
0xb4: {  	[spmem:s3] =	stream.indirect.scatter.add.f32 [tilespmem:s15], [sflag:$0x4], $0x80, s9, s13, $0xb8;
	[tilespmem:$0x1D400] =	vst v63  }
0xb5: {  	_ =	swait.ge [sflag:s10], $0x2800  }
0xb6: {  	s7 =	sld [smem:$0x7F6]  }
0xb7: {  	[sflag:s10] =	ssyncset.done $0x0  }
0xb8: {  	[sflag:s10] =	ssyncadd.s32 $0xFFFFD800  }
0xb9: {  	[tilespmem:s15], [sflag:$0x2] =	stream.indirect.gather [hbm4b:s2+s13], $0x80, s7, s13, $0xb8;
	[tilespmem:$0x1D400] =	vst v63  }
0xba: {  	_ =	swait.ge [sflag:s19], $0x2800  }
0xbb: {  	s8 =	sld [smem:$0x7F7]  }
0xbc: {  	[sflag:s19] =	ssyncset.done $0x0  }
0xbd: {  	[sflag:s19] =	ssyncadd.s32 $0xFFFFD800  }
0xbe: {  	[spmem:s3] =	stream.indirect.scatter.add.f32 [tilespmem:s16], [sflag:$0x4], $0x80, s8, s13, $0xb8;
	[tilespmem:$0x1D400] =	vst v63  }
0xbf: {  	_ =	swait.ge [sflag:s10], $0x2800  }
0xc0: {  	s9 =	sld [smem:$0x7F8]  }
0xc1: {  	[sflag:s10] =	ssyncset.done $0x0  }
0xc2: {  	[sflag:s10] =	ssyncadd.s32 $0xFFFFD800  }
0xc3: {  	[tilespmem:s16], [sflag:$0x3] =	stream.indirect.gather [hbm4b:s2+s13], $0x80, s9, s13, $0xb8;
	[tilespmem:$0x1D400] =	vst v63  }
0xc4: {  	_ =	swait.ge [sflag:s17], $0x2800  }
0xc5: {  	s7 =	sld [smem:$0x7F9]  }
0xc6: {  	[sflag:s17] =	ssyncset.done $0x0  }
0xc7: {  	[sflag:s17] =	ssyncadd.s32 $0xFFFFD800  }
0xc8: {  	[spmem:s3] =	stream.indirect.scatter.add.f32 [tilespmem:s14], [sflag:$0x4], $0x80, s7, s13, $0xb8;
	[tilespmem:$0x1D400] =	vst v63  }
0xc9: {  	_ =	swait.ge [sflag:s10], $0x2800  }
0xca: {  	s8 =	sld [smem:$0x7FA]  }
0xcb: {  	[sflag:s10] =	ssyncset.done $0x0  }
0xcc: {  	[sflag:s10] =	ssyncadd.s32 $0xFFFFD800  }
0xcd: {  	[tilespmem:s14], [sflag:$0x1] =	stream.indirect.gather [hbm4b:s2+s13], $0x80, s8, s13, $0xb8;
	[tilespmem:$0x1D400] =	vst v63  }
0xce: {  	_ =	swait.ge [sflag:s18], $0x2800  }
0xcf: {  	s9 =	sld [smem:$0x7FB]  }
0xd0: {  	[sflag:s18] =	ssyncset.done $0x0  }
0xd1: {  	[sflag:s18] =	ssyncadd.s32 $0xFFFFD800  }
0xd2: {  	[spmem:s3] =	stream.indirect.scatter.add.f32 [tilespmem:s15], [sflag:$0x4], $0x80, s9, s13, $0xb8;
	[tilespmem:$0x1D400] =	vst v63  }
0xd3: {  	_ =	swait.ge [sflag:s10], $0x2800  }
0xd4: {  	[sflag:s10] =	ssyncset.done $0x0  }
0xd5: {  	[sflag:s10] =	ssyncadd.s32 $0xFFFFD800  }
0xd6: {  	[tilespmem:s15], [sflag:$0x2] =	stream.indirect.gather [hbm4b:s2+s13], $0x80, s20, s13, $0xb8;
	[tilespmem:$0x1D400] =	vst v63  }
0xd7: {  	_ =	swait.ge [sflag:s19], $0x2800  }
0xd8: {  	[sflag:s19] =	ssyncset.done $0x0  }
0xd9: {  	[sflag:s19] =	ssyncadd.s32 $0xFFFFD800  }
0xda: {  	[spmem:s3] =	stream.indirect.scatter.add.f32 [tilespmem:s16], [sflag:$0x4], $0x80, s21, s13, $0xb8;
	[tilespmem:$0x1D400] =	vst v63  }
0xdb: {  	_ =	swait.ge [sflag:s10], $0x2800  }
0xdc: {  	[sflag:s10] =	ssyncset.done $0x0  }
0xdd: {  	[sflag:s10] =	ssyncadd.s32 $0xFFFFD800  }
0xde: {  	[tilespmem:s16], [sflag:$0x3] =	stream.indirect.gather [hbm4b:s2+s13], $0x80, s22, s13, $0xb8;
	[tilespmem:$0x1D400] =	vst v63  }
0xdf: {  	_ =	swait.ge [sflag:s17], $0x2800  }
0xe0: {  	[sflag:s17] =	ssyncset.done $0x0  }
0xe1: {  	[sflag:s17] =	ssyncadd.s32 $0xFFFFD800  }
0xe2: {  	[spmem:s3] =	stream.indirect.scatter.add.f32 [tilespmem:s14], [sflag:$0x4], $0x80, s23, s13, $0xb8;
	[tilespmem:$0x1D400] =	vst v63  }
0xe3: {  	_ =	swait.ge [sflag:s10], $0x2800  }
0xe4: {  	[sflag:s10] =	ssyncset.done $0x0  }
0xe5: {  	[sflag:s10] =	ssyncadd.s32 $0xFFFFD800  }
0xe6: {  	[tilespmem:s14], [sflag:$0x1] =	stream.indirect.gather [hbm4b:s2+s13], $0x80, s24, s13, $0xb8;
	[tilespmem:$0x1D400] =	vst v63  }
0xe7: {  	_ =	swait.ge [sflag:s18], $0x2800  }
0xe8: {  	[sflag:s18] =	ssyncset.done $0x0  }
0xe9: {  	[sflag:s18] =	ssyncadd.s32 $0xFFFFD800  }
0xea: {  	[spmem:s3] =	stream.indirect.scatter.add.f32 [tilespmem:s15], [sflag:$0x4], $0x80, s25, s13, $0xb8;
	[tilespmem:$0x1D400] =	vst v63  }
0xeb: {  	_ =	swait.ge [sflag:s10], $0x2800  }
0xec: {  	[sflag:s10] =	ssyncset.done $0x0  }
0xed: {  	[sflag:s10] =	ssyncadd.s32 $0xFFFFD800  }
0xee: {  	[tilespmem:s15], [sflag:$0x2] =	stream.indirect.gather [hbm4b:s2+s13], $0x80, s26, s13, $0xb8;
	[tilespmem:$0x1D400] =	vst v63  }
0xef: {  	_ =	swait.ge [sflag:s19], $0x2800  }
0xf0: {  	[sflag:s19] =	ssyncset.done $0x0  }
0xf1: {  	[sflag:s19] =	ssyncadd.s32 $0xFFFFD800  }
0xf2: {  	[spmem:s3] =	stream.indirect.scatter.add.f32 [tilespmem:s16], [sflag:$0x4], $0x80, s28, s13, $0xb8;
	[tilespmem:$0x1D400] =	vst v63  }
0xf3: {  	_ =	swait.ge [sflag:s10], $0x2800  }
0xf4: {  	[sflag:s10] =	ssyncset.done $0x0  }
0xf5: {  	[sflag:s10] =	ssyncadd.s32 $0xFFFFD800  }
0xf6: {  	[tilespmem:s16], [sflag:$0x3] =	stream.indirect.gather [hbm4b:s2+s13], $0x80, s29, s13, $0xb8;
	[tilespmem:$0x1D400] =	vst v63  }
0xf7: {  	_ =	swait.ge [sflag:s17], $0x2800  }
0xf8: {  	[sflag:s17] =	ssyncset.done $0x0  }
0xf9: {  	[sflag:s17] =	ssyncadd.s32 $0xFFFFD800  }
0xfa: {  	[spmem:s3] =	stream.indirect.scatter.add.f32 [tilespmem:s14], [sflag:$0x4], $0x80, s30, s13, $0xb8;
	[tilespmem:$0x1D400] =	vst v63  }
0xfb: {  	_ =	swait.ge [sflag:s10], $0x2800  }
0xfc: {  	[sflag:s10] =	ssyncset.done $0x0  }
0xfd: {  	[sflag:s10] =	ssyncadd.s32 $0xFFFFD800  }
0xfe: {  	[tilespmem:s14], [sflag:$0x1] =	stream.indirect.gather [hbm4b:s2+s13], $0x80, s31, s13, $0xb8;
	[tilespmem:$0x1D400] =	vst v63  }
0xff: {  	_ =	swait.ge [sflag:s18], $0x2800  }
0x100: {  	[sflag:s18] =	ssyncset.done $0x0  }
0x101: {  	[sflag:s18] =	ssyncadd.s32 $0xFFFFD800  }
0x102: {  	[spmem:s3] =	stream.indirect.scatter.add.f32 [tilespmem:s15], [sflag:$0x4], $0x80, s1, s13, $0xb8;
	[tilespmem:$0x1D400] =	vst v63  }
0x103: {  	_ =	swait.ge [sflag:s10], $0x2800  }
0x104: {  	[sflag:s10] =	ssyncset.done $0x0  }
0x105: {  	[sflag:s10] =	ssyncadd.s32 $0xFFFFD800  }
0x106: {  	_ =	swait.ge [sflag:s19], $0x2800  }
0x107: {  	[sflag:s19] =	ssyncset.done $0x0  }
0x108: {  	[sflag:s19] =	ssyncadd.s32 $0xFFFFD800  }
0x109: {  	[spmem:s3] =	stream.indirect.scatter.add.f32 [tilespmem:s16], [sflag:$0x4], $0x80, s0, s13, $0xb8;
	[tilespmem:$0x1D400] =	vst v63  }
0x10a: {  	_ =	swait.ge [sflag:s10], $0x2800  }
0x10b: {  	[sflag:s10] =	ssyncset.done $0x0  }
0x10c: {  	[sflag:s10] =	ssyncadd.s32 $0xFFFFD800  }
0x10d: {  	_ =	swait.ge [sflag:s17], $0x2800  }
0x10e: {  	[sflag:s17] =	ssyncset.done $0x0  }
0x10f: {  	[sflag:s17] =	ssyncadd.s32 $0xFFFFD800  }
0x110: {  	[spmem:s3] =	stream.indirect.scatter.add.f32 [tilespmem:s14], [sflag:$0x4], $0x80, s5, s13, $0xb8;
	[tilespmem:$0x1D400] =	vst v63  }
0x111: {  	s6 =	simm.s32 $0x400;
	_ =	swait.ge [sflag:s10], $0x2800  }
0x112: {  	s8 =	simm.s32 $0x200;
	s9 =	rddreg [dreg:$0x5];
	[sflag:s10] =	ssyncset.done $0x0  }
.LBB2_2:
0x113: {  	[sflag:s10] =	ssyncadd.s32 $0xFFFFD800;
	s9 =	sadd.s32 s8, s9  }
0x114: {  	[tilespmem:s11], [sflag:$0x4] =	stream.linear.gather [hbm4b:s9+s4], $0xC80, $0x38;
	[tilespmem:$0x1D400] =	vst v63  }
0x115: {  	_ =	swait.ge [sflag:s10], $0xC80  }
0x116: {  	s9 =	rddreg [dreg:$0x4];
	[sflag:s10] =	ssyncset.done $0x0  }
0x117: {  	[sflag:s10] =	ssyncadd.s32 $0xFFFFF380;
	s9 =	sadd.s32 s8, s9  }
0x118: {  	[tilespmem:s12], [sflag:$0x4] =	stream.linear.gather [hbm4b:s9+s4], $0xC80, $0x38;
	[tilespmem:$0x1D400] =	vst v63  }
0x119: {  	_ =	swait.ge [sflag:s10], $0xC80  }
0x11a: {  	[sflag:s10] =	ssyncset.done $0x0  }
0x11b: {  	s7 =	smov.u32 s6;
	[sflag:s10] =	ssyncadd.s32 $0xFFFFF380  }
0x11c: {  	[tilespmem:s14], [sflag:$0x1] =	stream.indirect.gather [hbm4b:s2+s13], $0x80, s11, s13, $0xb8;
	[tilespmem:$0x1D400] =	vst v63  }
0x11d: {  	s8 =	smov.u32 s7;
	s7 =	rddreg [dreg:$0x6]  }
0x11e: {  	[tilespmem:s15], [sflag:$0x2] =	stream.indirect.gather [hbm4b:s2+s13], $0x80, s7, s13, $0xb8;
	[tilespmem:$0x1D400] =	vst v63  }
0x11f: {  	s9 =	rddreg [dreg:$0x7]  }
0x120: {  	[tilespmem:s16], [sflag:$0x3] =	stream.indirect.gather [hbm4b:s2+s13], $0x80, s9, s13, $0xb8;
	[tilespmem:$0x1D400] =	vst v63  }
0x121: {  	_ =	swait.ge [sflag:s17], $0x2800  }
0x122: {  	[sflag:s17] =	ssyncset.done $0x0  }
0x123: {  	[sflag:s17] =	ssyncadd.s32 $0xFFFFD800  }
0x124: {  	[spmem:s3] =	stream.indirect.scatter.add.f32 [tilespmem:s14], [sflag:$0x4], $0x80, s12, s13, $0xb8;
	[tilespmem:$0x1D400] =	vst v63  }
0x125: {  	_ =	swait.ge [sflag:s10], $0x2800  }
0x126: {  	[sflag:s10] =	ssyncset.done $0x0  }
0x127: {  	s9 =	rddreg [dreg:$0x8];
	[sflag:s10] =	ssyncadd.s32 $0xFFFFD800  }
0x128: {  	[tilespmem:s14], [sflag:$0x1] =	stream.indirect.gather [hbm4b:s2+s13], $0x80, s9, s13, $0xb8;
	[tilespmem:$0x1D400] =	vst v63  }
0x129: {  	_ =	swait.ge [sflag:s18], $0x2800  }
0x12a: {  	[sflag:s18] =	ssyncset.done $0x0  }
0x12b: {  	s9 =	rddreg [dreg:$0x9];
	[sflag:s18] =	ssyncadd.s32 $0xFFFFD800  }
0x12c: {  	[spmem:s3] =	stream.indirect.scatter.add.f32 [tilespmem:s15], [sflag:$0x4], $0x80, s9, s13, $0xb8;
	[tilespmem:$0x1D400] =	vst v63  }
0x12d: {  	_ =	swait.ge [sflag:s10], $0x2800  }
0x12e: {  	[sflag:s10] =	ssyncset.done $0x0  }
0x12f: {  	s9 =	rddreg [dreg:$0xa];
	[sflag:s10] =	ssyncadd.s32 $0xFFFFD800  }
0x130: {  	[tilespmem:s15], [sflag:$0x2] =	stream.indirect.gather [hbm4b:s2+s13], $0x80, s9, s13, $0xb8;
	[tilespmem:$0x1D400] =	vst v63  }
0x131: {  	_ =	swait.ge [sflag:s19], $0x2800  }
0x132: {  	[sflag:s19] =	ssyncset.done $0x0  }
0x133: {  	s9 =	rddreg [dreg:$0xb];
	[sflag:s19] =	ssyncadd.s32 $0xFFFFD800  }
0x134: {  	[spmem:s3] =	stream.indirect.scatter.add.f32 [tilespmem:s16], [sflag:$0x4], $0x80, s9, s13, $0xb8;
	[tilespmem:$0x1D400] =	vst v63  }
0x135: {  	_ =	swait.ge [sflag:s10], $0x2800  }
0x136: {  	[sflag:s10] =	ssyncset.done $0x0  }
0x137: {  	s9 =	rddreg [dreg:$0xc];
	[sflag:s10] =	ssyncadd.s32 $0xFFFFD800  }
0x138: {  	[tilespmem:s16], [sflag:$0x3] =	stream.indirect.gather [hbm4b:s2+s13], $0x80, s9, s13, $0xb8;
	[tilespmem:$0x1D400] =	vst v63  }
0x139: {  	_ =	swait.ge [sflag:s17], $0x2800  }
0x13a: {  	[sflag:s17] =	ssyncset.done $0x0  }
0x13b: {  	s9 =	rddreg [dreg:$0xd];
	[sflag:s17] =	ssyncadd.s32 $0xFFFFD800  }
0x13c: {  	[spmem:s3] =	stream.indirect.scatter.add.f32 [tilespmem:s14], [sflag:$0x4], $0x80, s9, s13, $0xb8;
	[tilespmem:$0x1D400] =	vst v63  }
0x13d: {  	_ =	swait.ge [sflag:s10], $0x2800  }
0x13e: {  	[sflag:s10] =	ssyncset.done $0x0  }
0x13f: {  	s9 =	rddreg [dreg:$0xe];
	[sflag:s10] =	ssyncadd.s32 $0xFFFFD800  }
0x140: {  	[tilespmem:s14], [sflag:$0x1] =	stream.indirect.gather [hbm4b:s2+s13], $0x80, s9, s13, $0xb8;
	[tilespmem:$0x1D400] =	vst v63  }
0x141: {  	_ =	swait.ge [sflag:s18], $0x2800  }
0x142: {  	[sflag:s18] =	ssyncset.done $0x0  }
0x143: {  	s9 =	rddreg [dreg:$0xf];
	[sflag:s18] =	ssyncadd.s32 $0xFFFFD800  }
0x144: {  	[spmem:s3] =	stream.indirect.scatter.add.f32 [tilespmem:s15], [sflag:$0x4], $0x80, s9, s13, $0xb8;
	[tilespmem:$0x1D400] =	vst v63  }
0x145: {  	_ =	swait.ge [sflag:s10], $0x2800  }
0x146: {  	[sflag:s10] =	ssyncset.done $0x0  }
0x147: {  	s9 =	rddreg [dreg:$0x10];
	[sflag:s10] =	ssyncadd.s32 $0xFFFFD800  }
0x148: {  	[tilespmem:s15], [sflag:$0x2] =	stream.indirect.gather [hbm4b:s2+s13], $0x80, s9, s13, $0xb8;
	[tilespmem:$0x1D400] =	vst v63  }
0x149: {  	_ =	swait.ge [sflag:s19], $0x2800  }
0x14a: {  	[sflag:s19] =	ssyncset.done $0x0  }
0x14b: {  	s9 =	rddreg [dreg:$0x11];
	[sflag:s19] =	ssyncadd.s32 $0xFFFFD800  }
0x14c: {  	[spmem:s3] =	stream.indirect.scatter.add.f32 [tilespmem:s16], [sflag:$0x4], $0x80, s9, s13, $0xb8;
	[tilespmem:$0x1D400] =	vst v63  }
0x14d: {  	_ =	swait.ge [sflag:s10], $0x2800  }
0x14e: {  	[sflag:s10] =	ssyncset.done $0x0  }
0x14f: {  	s9 =	rddreg [dreg:$0x12];
	[sflag:s10] =	ssyncadd.s32 $0xFFFFD800  }
0x150: {  	[tilespmem:s16], [sflag:$0x3] =	stream.indirect.gather [hbm4b:s2+s13], $0x80, s9, s13, $0xb8;
	[tilespmem:$0x1D400] =	vst v63  }
0x151: {  	_ =	swait.ge [sflag:s17], $0x2800  }
0x152: {  	[sflag:s17] =	ssyncset.done $0x0  }
0x153: {  	s9 =	rddreg [dreg:$0x13];
	[sflag:s17] =	ssyncadd.s32 $0xFFFFD800  }
0x154: {  	[spmem:s3] =	stream.indirect.scatter.add.f32 [tilespmem:s14], [sflag:$0x4], $0x80, s9, s13, $0xb8;
	[tilespmem:$0x1D400] =	vst v63  }
0x155: {  	_ =	swait.ge [sflag:s10], $0x2800  }
0x156: {  	[sflag:s10] =	ssyncset.done $0x0  }
0x157: {  	s9 =	rddreg [dreg:$0x14];
	[sflag:s10] =	ssyncadd.s32 $0xFFFFD800  }
0x158: {  	[tilespmem:s14], [sflag:$0x1] =	stream.indirect.gather [hbm4b:s2+s13], $0x80, s9, s13, $0xb8;
	[tilespmem:$0x1D400] =	vst v63  }
0x159: {  	_ =	swait.ge [sflag:s18], $0x2800  }
0x15a: {  	[sflag:s18] =	ssyncset.done $0x0  }
0x15b: {  	s9 =	rddreg [dreg:$0x15];
	[sflag:s18] =	ssyncadd.s32 $0xFFFFD800  }
0x15c: {  	[spmem:s3] =	stream.indirect.scatter.add.f32 [tilespmem:s15], [sflag:$0x4], $0x80, s9, s13, $0xb8;
	[tilespmem:$0x1D400] =	vst v63  }
0x15d: {  	_ =	swait.ge [sflag:s10], $0x2800  }
0x15e: {  	[sflag:s10] =	ssyncset.done $0x0  }
0x15f: {  	s9 =	rddreg [dreg:$0x16];
	[sflag:s10] =	ssyncadd.s32 $0xFFFFD800  }
0x160: {  	[tilespmem:s15], [sflag:$0x2] =	stream.indirect.gather [hbm4b:s2+s13], $0x80, s9, s13, $0xb8;
	[tilespmem:$0x1D400] =	vst v63  }
0x161: {  	_ =	swait.ge [sflag:s19], $0x2800  }
0x162: {  	[sflag:s19] =	ssyncset.done $0x0  }
0x163: {  	s9 =	rddreg [dreg:$0x17];
	[sflag:s19] =	ssyncadd.s32 $0xFFFFD800  }
0x164: {  	[spmem:s3] =	stream.indirect.scatter.add.f32 [tilespmem:s16], [sflag:$0x4], $0x80, s9, s13, $0xb8;
	[tilespmem:$0x1D400] =	vst v63  }
0x165: {  	_ =	swait.ge [sflag:s10], $0x2800  }
0x166: {  	[sflag:s10] =	ssyncset.done $0x0  }
0x167: {  	s9 =	rddreg [dreg:$0x18];
	[sflag:s10] =	ssyncadd.s32 $0xFFFFD800  }
0x168: {  	[tilespmem:s16], [sflag:$0x3] =	stream.indirect.gather [hbm4b:s2+s13], $0x80, s9, s13, $0xb8;
	[tilespmem:$0x1D400] =	vst v63  }
0x169: {  	_ =	swait.ge [sflag:s17], $0x2800  }
0x16a: {  	[sflag:s17] =	ssyncset.done $0x0  }
0x16b: {  	s9 =	rddreg [dreg:$0x19];
	[sflag:s17] =	ssyncadd.s32 $0xFFFFD800  }
0x16c: {  	[spmem:s3] =	stream.indirect.scatter.add.f32 [tilespmem:s14], [sflag:$0x4], $0x80, s9, s13, $0xb8;
	[tilespmem:$0x1D400] =	vst v63  }
0x16d: {  	_ =	swait.ge [sflag:s10], $0x2800  }
0x16e: {  	[sflag:s10] =	ssyncset.done $0x0  }
0x16f: {  	s9 =	rddreg [dreg:$0x1a];
	[sflag:s10] =	ssyncadd.s32 $0xFFFFD800  }
0x170: {  	[tilespmem:s14], [sflag:$0x1] =	stream.indirect.gather [hbm4b:s2+s13], $0x80, s9, s13, $0xb8;
	[tilespmem:$0x1D400] =	vst v63  }
0x171: {  	_ =	swait.ge [sflag:s18], $0x2800  }
0x172: {  	[sflag:s18] =	ssyncset.done $0x0  }
0x173: {  	s9 =	rddreg [dreg:$0x1b];
	[sflag:s18] =	ssyncadd.s32 $0xFFFFD800  }
0x174: {  	[spmem:s3] =	stream.indirect.scatter.add.f32 [tilespmem:s15], [sflag:$0x4], $0x80, s9, s13, $0xb8;
	[tilespmem:$0x1D400] =	vst v63  }
0x175: {  	_ =	swait.ge [sflag:s10], $0x2800  }
0x176: {  	[sflag:s10] =	ssyncset.done $0x0  }
0x177: {  	s9 =	rddreg [dreg:$0x1c];
	[sflag:s10] =	ssyncadd.s32 $0xFFFFD800  }
0x178: {  	[tilespmem:s15], [sflag:$0x2] =	stream.indirect.gather [hbm4b:s2+s13], $0x80, s9, s13, $0xb8;
	[tilespmem:$0x1D400] =	vst v63  }
0x179: {  	_ =	swait.ge [sflag:s19], $0x2800  }
0x17a: {  	[sflag:s19] =	ssyncset.done $0x0  }
0x17b: {  	s9 =	rddreg [dreg:$0x1d];
	[sflag:s19] =	ssyncadd.s32 $0xFFFFD800  }
0x17c: {  	[spmem:s3] =	stream.indirect.scatter.add.f32 [tilespmem:s16], [sflag:$0x4], $0x80, s9, s13, $0xb8;
	[tilespmem:$0x1D400] =	vst v63  }
0x17d: {  	_ =	swait.ge [sflag:s10], $0x2800  }
0x17e: {  	[sflag:s10] =	ssyncset.done $0x0  }
0x17f: {  	s9 =	rddreg [dreg:$0x1e];
	[sflag:s10] =	ssyncadd.s32 $0xFFFFD800  }
0x180: {  	[tilespmem:s16], [sflag:$0x3] =	stream.indirect.gather [hbm4b:s2+s13], $0x80, s9, s13, $0xb8;
	[tilespmem:$0x1D400] =	vst v63  }
0x181: {  	_ =	swait.ge [sflag:s17], $0x2800  }
0x182: {  	[sflag:s17] =	ssyncset.done $0x0  }
0x183: {  	s9 =	rddreg [dreg:$0x1f];
	[sflag:s17] =	ssyncadd.s32 $0xFFFFD800  }
0x184: {  	[spmem:s3] =	stream.indirect.scatter.add.f32 [tilespmem:s14], [sflag:$0x4], $0x80, s9, s13, $0xb8;
	[tilespmem:$0x1D400] =	vst v63  }
0x185: {  	_ =	swait.ge [sflag:s10], $0x2800  }
0x186: {  	s9 =	sld [smem:$0x7F4]  }
0x187: {  	[sflag:s10] =	ssyncset.done $0x0  }
0x188: {  	[sflag:s10] =	ssyncadd.s32 $0xFFFFD800  }
0x189: {  	[tilespmem:s14], [sflag:$0x1] =	stream.indirect.gather [hbm4b:s2+s13], $0x80, s9, s13, $0xb8;
	[tilespmem:$0x1D400] =	vst v63  }
0x18a: {  	_ =	swait.ge [sflag:s18], $0x2800  }
0x18b: {  	s9 =	sld [smem:$0x7F5]  }
0x18c: {  	[sflag:s18] =	ssyncset.done $0x0  }
0x18d: {  	[sflag:s18] =	ssyncadd.s32 $0xFFFFD800  }
0x18e: {  	[spmem:s3] =	stream.indirect.scatter.add.f32 [tilespmem:s15], [sflag:$0x4], $0x80, s9, s13, $0xb8;
	[tilespmem:$0x1D400] =	vst v63  }
0x18f: {  	_ =	swait.ge [sflag:s10], $0x2800  }
0x190: {  	s9 =	sld [smem:$0x7F6]  }
0x191: {  	[sflag:s10] =	ssyncset.done $0x0  }
0x192: {  	[sflag:s10] =	ssyncadd.s32 $0xFFFFD800  }
0x193: {  	[tilespmem:s15], [sflag:$0x2] =	stream.indirect.gather [hbm4b:s2+s13], $0x80, s9, s13, $0xb8;
	[tilespmem:$0x1D400] =	vst v63  }
0x194: {  	_ =	swait.ge [sflag:s19], $0x2800  }
0x195: {  	s9 =	sld [smem:$0x7F7]  }
0x196: {  	[sflag:s19] =	ssyncset.done $0x0  }
0x197: {  	[sflag:s19] =	ssyncadd.s32 $0xFFFFD800  }
0x198: {  	[spmem:s3] =	stream.indirect.scatter.add.f32 [tilespmem:s16], [sflag:$0x4], $0x80, s9, s13, $0xb8;
	[tilespmem:$0x1D400] =	vst v63  }
0x199: {  	_ =	swait.ge [sflag:s10], $0x2800  }
0x19a: {  	s9 =	sld [smem:$0x7F8]  }
0x19b: {  	[sflag:s10] =	ssyncset.done $0x0  }
0x19c: {  	[sflag:s10] =	ssyncadd.s32 $0xFFFFD800  }
0x19d: {  	[tilespmem:s16], [sflag:$0x3] =	stream.indirect.gather [hbm4b:s2+s13], $0x80, s9, s13, $0xb8;
	[tilespmem:$0x1D400] =	vst v63  }
0x19e: {  	_ =	swait.ge [sflag:s17], $0x2800  }
0x19f: {  	s9 =	sld [smem:$0x7F9]  }
0x1a0: {  	[sflag:s17] =	ssyncset.done $0x0  }
0x1a1: {  	[sflag:s17] =	ssyncadd.s32 $0xFFFFD800  }
0x1a2: {  	[spmem:s3] =	stream.indirect.scatter.add.f32 [tilespmem:s14], [sflag:$0x4], $0x80, s9, s13, $0xb8;
	[tilespmem:$0x1D400] =	vst v63  }
0x1a3: {  	_ =	swait.ge [sflag:s10], $0x2800  }
0x1a4: {  	s9 =	sld [smem:$0x7FA]  }
0x1a5: {  	[sflag:s10] =	ssyncset.done $0x0  }
0x1a6: {  	[sflag:s10] =	ssyncadd.s32 $0xFFFFD800  }
0x1a7: {  	[tilespmem:s14], [sflag:$0x1] =	stream.indirect.gather [hbm4b:s2+s13], $0x80, s9, s13, $0xb8;
	[tilespmem:$0x1D400] =	vst v63  }
0x1a8: {  	_ =	swait.ge [sflag:s18], $0x2800  }
0x1a9: {  	s9 =	sld [smem:$0x7FB]  }
0x1aa: {  	[sflag:s18] =	ssyncset.done $0x0  }
0x1ab: {  	[sflag:s18] =	ssyncadd.s32 $0xFFFFD800  }
0x1ac: {  	[spmem:s3] =	stream.indirect.scatter.add.f32 [tilespmem:s15], [sflag:$0x4], $0x80, s9, s13, $0xb8;
	[tilespmem:$0x1D400] =	vst v63  }
0x1ad: {  	_ =	swait.ge [sflag:s10], $0x2800  }
0x1ae: {  	[sflag:s10] =	ssyncset.done $0x0  }
0x1af: {  	[sflag:s10] =	ssyncadd.s32 $0xFFFFD800  }
0x1b0: {  	[tilespmem:s15], [sflag:$0x2] =	stream.indirect.gather [hbm4b:s2+s13], $0x80, s20, s13, $0xb8;
	[tilespmem:$0x1D400] =	vst v63  }
0x1b1: {  	_ =	swait.ge [sflag:s19], $0x2800  }
0x1b2: {  	[sflag:s19] =	ssyncset.done $0x0  }
0x1b3: {  	[sflag:s19] =	ssyncadd.s32 $0xFFFFD800  }
0x1b4: {  	[spmem:s3] =	stream.indirect.scatter.add.f32 [tilespmem:s16], [sflag:$0x4], $0x80, s21, s13, $0xb8;
	[tilespmem:$0x1D400] =	vst v63  }
0x1b5: {  	_ =	swait.ge [sflag:s10], $0x2800  }
0x1b6: {  	[sflag:s10] =	ssyncset.done $0x0  }
0x1b7: {  	[sflag:s10] =	ssyncadd.s32 $0xFFFFD800  }
0x1b8: {  	[tilespmem:s16], [sflag:$0x3] =	stream.indirect.gather [hbm4b:s2+s13], $0x80, s22, s13, $0xb8;
	[tilespmem:$0x1D400] =	vst v63  }
0x1b9: {  	_ =	swait.ge [sflag:s17], $0x2800  }
0x1ba: {  	[sflag:s17] =	ssyncset.done $0x0  }
0x1bb: {  	[sflag:s17] =	ssyncadd.s32 $0xFFFFD800  }
0x1bc: {  	[spmem:s3] =	stream.indirect.scatter.add.f32 [tilespmem:s14], [sflag:$0x4], $0x80, s23, s13, $0xb8;
	[tilespmem:$0x1D400] =	vst v63  }
0x1bd: {  	_ =	swait.ge [sflag:s10], $0x2800  }
0x1be: {  	[sflag:s10] =	ssyncset.done $0x0  }
0x1bf: {  	[sflag:s10] =	ssyncadd.s32 $0xFFFFD800  }
0x1c0: {  	[tilespmem:s14], [sflag:$0x1] =	stream.indirect.gather [hbm4b:s2+s13], $0x80, s24, s13, $0xb8;
	[tilespmem:$0x1D400] =	vst v63  }
0x1c1: {  	_ =	swait.ge [sflag:s18], $0x2800  }
0x1c2: {  	[sflag:s18] =	ssyncset.done $0x0  }
0x1c3: {  	[sflag:s18] =	ssyncadd.s32 $0xFFFFD800  }
0x1c4: {  	[spmem:s3] =	stream.indirect.scatter.add.f32 [tilespmem:s15], [sflag:$0x4], $0x80, s25, s13, $0xb8;
	[tilespmem:$0x1D400] =	vst v63  }
0x1c5: {  	_ =	swait.ge [sflag:s10], $0x2800  }
0x1c6: {  	[sflag:s10] =	ssyncset.done $0x0  }
0x1c7: {  	[sflag:s10] =	ssyncadd.s32 $0xFFFFD800  }
0x1c8: {  	[tilespmem:s15], [sflag:$0x2] =	stream.indirect.gather [hbm4b:s2+s13], $0x80, s26, s13, $0xb8;
	[tilespmem:$0x1D400] =	vst v63  }
0x1c9: {  	_ =	swait.ge [sflag:s19], $0x2800  }
0x1ca: {  	[sflag:s19] =	ssyncset.done $0x0  }
0x1cb: {  	[sflag:s19] =	ssyncadd.s32 $0xFFFFD800  }
0x1cc: {  	[spmem:s3] =	stream.indirect.scatter.add.f32 [tilespmem:s16], [sflag:$0x4], $0x80, s28, s13, $0xb8;
	[tilespmem:$0x1D400] =	vst v63  }
0x1cd: {  	_ =	swait.ge [sflag:s10], $0x2800  }
0x1ce: {  	[sflag:s10] =	ssyncset.done $0x0  }
0x1cf: {  	[sflag:s10] =	ssyncadd.s32 $0xFFFFD800  }
0x1d0: {  	[tilespmem:s16], [sflag:$0x3] =	stream.indirect.gather [hbm4b:s2+s13], $0x80, s29, s13, $0xb8;
	[tilespmem:$0x1D400] =	vst v63  }
0x1d1: {  	_ =	swait.ge [sflag:s17], $0x2800  }
0x1d2: {  	[sflag:s17] =	ssyncset.done $0x0  }
0x1d3: {  	[sflag:s17] =	ssyncadd.s32 $0xFFFFD800  }
0x1d4: {  	[spmem:s3] =	stream.indirect.scatter.add.f32 [tilespmem:s14], [sflag:$0x4], $0x80, s30, s13, $0xb8;
	[tilespmem:$0x1D400] =	vst v63  }
0x1d5: {  	_ =	swait.ge [sflag:s10], $0x2800  }
0x1d6: {  	[sflag:s10] =	ssyncset.done $0x0  }
0x1d7: {  	[sflag:s10] =	ssyncadd.s32 $0xFFFFD800  }
0x1d8: {  	[tilespmem:s14], [sflag:$0x1] =	stream.indirect.gather [hbm4b:s2+s13], $0x80, s31, s13, $0xb8;
	[tilespmem:$0x1D400] =	vst v63  }
0x1d9: {  	_ =	swait.ge [sflag:s18], $0x2800  }
0x1da: {  	[sflag:s18] =	ssyncset.done $0x0  }
0x1db: {  	[sflag:s18] =	ssyncadd.s32 $0xFFFFD800  }
0x1dc: {  	[spmem:s3] =	stream.indirect.scatter.add.f32 [tilespmem:s15], [sflag:$0x4], $0x80, s1, s13, $0xb8;
	[tilespmem:$0x1D400] =	vst v63  }
0x1dd: {  	_ =	swait.ge [sflag:s10], $0x2800  }
0x1de: {  	[sflag:s10] =	ssyncset.done $0x0  }
0x1df: {  	[sflag:s10] =	ssyncadd.s32 $0xFFFFD800  }
0x1e0: {  	_ =	swait.ge [sflag:s19], $0x2800  }
0x1e1: {  	[sflag:s19] =	ssyncset.done $0x0  }
0x1e2: {  	[sflag:s19] =	ssyncadd.s32 $0xFFFFD800  }
0x1e3: {  	[spmem:s3] =	stream.indirect.scatter.add.f32 [tilespmem:s16], [sflag:$0x4], $0x80, s0, s13, $0xb8;
	[tilespmem:$0x1D400] =	vst v63  }
0x1e4: {  	_ =	swait.ge [sflag:s10], $0x2800  }
0x1e5: {  	[sflag:s10] =	ssyncset.done $0x0  }
0x1e6: {  	[sflag:s10] =	ssyncadd.s32 $0xFFFFD800  }
0x1e7: {  	p0 =	sne.s32 s6, $0x800;
	_ =	swait.ge [sflag:s17], $0x2800  }
.Ltmp0:
0x1e8: {  	[sflag:s17] =	ssyncset.done $0x0;
	(pc) =	sbr.rel @p0 .LBB2_2-.Ltmp0, $4  }
0x1e9: {  	[sflag:s17] =	ssyncadd.s32 $0xFFFFD800  }
0x1ea: {  	[spmem:s3] =	stream.indirect.scatter.add.f32 [tilespmem:s14], [sflag:$0x4], $0x80, s5, s13, $0xb8;
	[tilespmem:$0x1D400] =	vst v63  }
0x1eb: {  	_ =	swait.ge [sflag:s10], $0x2800  }
0x1ec: {  	s6 =	sadd.s32 $0x200, s6;
	s9 =	rddreg [dreg:$0x5];
	[sflag:s10] =	ssyncset.done $0x0  }
0x1ed: {  	[sflag:s10] =	ssyncadd.s32 $0xFFFFD800;
	s6 =	sadd.s32 s8, s9  }
0x1ee: {  	[tilespmem:s11], [sflag:$0x4] =	stream.linear.gather [hbm4b:s6+s4], $0xC80, $0x38;
	[tilespmem:$0x1D400] =	vst v63  }
0x1ef: {  	_ =	swait.ge [sflag:s10], $0xC80  }
0x1f0: {  	s7 =	rddreg [dreg:$0x4];
	[sflag:s10] =	ssyncset.done $0x0  }
0x1f1: {  	[sflag:s10] =	ssyncadd.s32 $0xFFFFF380;
	s6 =	sadd.s32 s8, s7  }
0x1f2: {  	[tilespmem:s12], [sflag:$0x4] =	stream.linear.gather [hbm4b:s6+s4], $0xC80, $0x38;
	[tilespmem:$0x1D400] =	vst v63  }
0x1f3: {  	_ =	swait.ge [sflag:s10], $0xC80  }
0x1f4: {  	[sflag:s10] =	ssyncset.done $0x0  }
0x1f5: {  	[sflag:s10] =	ssyncadd.s32 $0xFFFFF380  }
0x1f6: {  	[tilespmem:s14], [sflag:$0x1] =	stream.indirect.gather [hbm4b:s2+s13], $0x80, s11, s13, $0xb8;
	[tilespmem:$0x1D400] =	vst v63  }
0x1f7: {  	s9 =	rddreg [dreg:$0x6]  }
0x1f8: {  	[tilespmem:s15], [sflag:$0x2] =	stream.indirect.gather [hbm4b:s2+s13], $0x80, s9, s13, $0xb8;
	[tilespmem:$0x1D400] =	vst v63  }
0x1f9: {  	s7 =	rddreg [dreg:$0x7]  }
0x1fa: {  	[tilespmem:s16], [sflag:$0x3] =	stream.indirect.gather [hbm4b:s2+s13], $0x80, s7, s13, $0xb8;
	[tilespmem:$0x1D400] =	vst v63  }
0x1fb: {  	_ =	swait.ge [sflag:s17], $0x2800  }
0x1fc: {  	[sflag:s17] =	ssyncset.done $0x0  }
0x1fd: {  	[sflag:s17] =	ssyncadd.s32 $0xFFFFD800  }
0x1fe: {  	[spmem:s3] =	stream.indirect.scatter.add.f32 [tilespmem:s14], [sflag:$0x4], $0x80, s12, s13, $0xb8;
	[tilespmem:$0x1D400] =	vst v63  }
0x1ff: {  	_ =	swait.ge [sflag:s10], $0x2800  }
0x200: {  	[sflag:s10] =	ssyncset.done $0x0  }
0x201: {  	s7 =	rddreg [dreg:$0x8];
	[sflag:s10] =	ssyncadd.s32 $0xFFFFD800  }
0x202: {  	[tilespmem:s14], [sflag:$0x1] =	stream.indirect.gather [hbm4b:s2+s13], $0x80, s7, s13, $0xb8;
	[tilespmem:$0x1D400] =	vst v63  }
0x203: {  	_ =	swait.ge [sflag:s18], $0x2800  }
0x204: {  	[sflag:s18] =	ssyncset.done $0x0  }
0x205: {  	s8 =	rddreg [dreg:$0x9];
	[sflag:s18] =	ssyncadd.s32 $0xFFFFD800  }
0x206: {  	[spmem:s3] =	stream.indirect.scatter.add.f32 [tilespmem:s15], [sflag:$0x4], $0x80, s8, s13, $0xb8;
	[tilespmem:$0x1D400] =	vst v63  }
0x207: {  	_ =	swait.ge [sflag:s10], $0x2800  }
0x208: {  	[sflag:s10] =	ssyncset.done $0x0  }
0x209: {  	s9 =	rddreg [dreg:$0xa];
	[sflag:s10] =	ssyncadd.s32 $0xFFFFD800  }
0x20a: {  	[tilespmem:s15], [sflag:$0x2] =	stream.indirect.gather [hbm4b:s2+s13], $0x80, s9, s13, $0xb8;
	[tilespmem:$0x1D400] =	vst v63  }
0x20b: {  	_ =	swait.ge [sflag:s19], $0x2800  }
0x20c: {  	[sflag:s19] =	ssyncset.done $0x0  }
0x20d: {  	s7 =	rddreg [dreg:$0xb];
	[sflag:s19] =	ssyncadd.s32 $0xFFFFD800  }
0x20e: {  	[spmem:s3] =	stream.indirect.scatter.add.f32 [tilespmem:s16], [sflag:$0x4], $0x80, s7, s13, $0xb8;
	[tilespmem:$0x1D400] =	vst v63  }
0x20f: {  	_ =	swait.ge [sflag:s10], $0x2800  }
0x210: {  	[sflag:s10] =	ssyncset.done $0x0  }
0x211: {  	s8 =	rddreg [dreg:$0xc];
	[sflag:s10] =	ssyncadd.s32 $0xFFFFD800  }
0x212: {  	[tilespmem:s16], [sflag:$0x3] =	stream.indirect.gather [hbm4b:s2+s13], $0x80, s8, s13, $0xb8;
	[tilespmem:$0x1D400] =	vst v63  }
0x213: {  	_ =	swait.ge [sflag:s17], $0x2800  }
0x214: {  	[sflag:s17] =	ssyncset.done $0x0  }
0x215: {  	s9 =	rddreg [dreg:$0xd];
	[sflag:s17] =	ssyncadd.s32 $0xFFFFD800  }
0x216: {  	[spmem:s3] =	stream.indirect.scatter.add.f32 [tilespmem:s14], [sflag:$0x4], $0x80, s9, s13, $0xb8;
	[tilespmem:$0x1D400] =	vst v63  }
0x217: {  	_ =	swait.ge [sflag:s10], $0x2800  }
0x218: {  	[sflag:s10] =	ssyncset.done $0x0  }
0x219: {  	s7 =	rddreg [dreg:$0xe];
	[sflag:s10] =	ssyncadd.s32 $0xFFFFD800  }
0x21a: {  	[tilespmem:s14], [sflag:$0x1] =	stream.indirect.gather [hbm4b:s2+s13], $0x80, s7, s13, $0xb8;
	[tilespmem:$0x1D400] =	vst v63  }
0x21b: {  	_ =	swait.ge [sflag:s18], $0x2800  }
0x21c: {  	[sflag:s18] =	ssyncset.done $0x0  }
0x21d: {  	s8 =	rddreg [dreg:$0xf];
	[sflag:s18] =	ssyncadd.s32 $0xFFFFD800  }
0x21e: {  	[spmem:s3] =	stream.indirect.scatter.add.f32 [tilespmem:s15], [sflag:$0x4], $0x80, s8, s13, $0xb8;
	[tilespmem:$0x1D400] =	vst v63  }
0x21f: {  	_ =	swait.ge [sflag:s10], $0x2800  }
0x220: {  	[sflag:s10] =	ssyncset.done $0x0  }
0x221: {  	s9 =	rddreg [dreg:$0x10];
	[sflag:s10] =	ssyncadd.s32 $0xFFFFD800  }
0x222: {  	[tilespmem:s15], [sflag:$0x2] =	stream.indirect.gather [hbm4b:s2+s13], $0x80, s9, s13, $0xb8;
	[tilespmem:$0x1D400] =	vst v63  }
0x223: {  	_ =	swait.ge [sflag:s19], $0x2800  }
0x224: {  	[sflag:s19] =	ssyncset.done $0x0  }
0x225: {  	s7 =	rddreg [dreg:$0x11];
	[sflag:s19] =	ssyncadd.s32 $0xFFFFD800  }
0x226: {  	[spmem:s3] =	stream.indirect.scatter.add.f32 [tilespmem:s16], [sflag:$0x4], $0x80, s7, s13, $0xb8;
	[tilespmem:$0x1D400] =	vst v63  }
0x227: {  	_ =	swait.ge [sflag:s10], $0x2800  }
0x228: {  	[sflag:s10] =	ssyncset.done $0x0  }
0x229: {  	s8 =	rddreg [dreg:$0x12];
	[sflag:s10] =	ssyncadd.s32 $0xFFFFD800  }
0x22a: {  	[tilespmem:s16], [sflag:$0x3] =	stream.indirect.gather [hbm4b:s2+s13], $0x80, s8, s13, $0xb8;
	[tilespmem:$0x1D400] =	vst v63  }
0x22b: {  	_ =	swait.ge [sflag:s17], $0x2800  }
0x22c: {  	[sflag:s17] =	ssyncset.done $0x0  }
0x22d: {  	s9 =	rddreg [dreg:$0x13];
	[sflag:s17] =	ssyncadd.s32 $0xFFFFD800  }
0x22e: {  	[spmem:s3] =	stream.indirect.scatter.add.f32 [tilespmem:s14], [sflag:$0x4], $0x80, s9, s13, $0xb8;
	[tilespmem:$0x1D400] =	vst v63  }
0x22f: {  	_ =	swait.ge [sflag:s10], $0x2800  }
0x230: {  	[sflag:s10] =	ssyncset.done $0x0  }
0x231: {  	s7 =	rddreg [dreg:$0x14];
	[sflag:s10] =	ssyncadd.s32 $0xFFFFD800  }
0x232: {  	[tilespmem:s14], [sflag:$0x1] =	stream.indirect.gather [hbm4b:s2+s13], $0x80, s7, s13, $0xb8;
	[tilespmem:$0x1D400] =	vst v63  }
0x233: {  	_ =	swait.ge [sflag:s18], $0x2800  }
0x234: {  	[sflag:s18] =	ssyncset.done $0x0  }
0x235: {  	s8 =	rddreg [dreg:$0x15];
	[sflag:s18] =	ssyncadd.s32 $0xFFFFD800  }
0x236: {  	[spmem:s3] =	stream.indirect.scatter.add.f32 [tilespmem:s15], [sflag:$0x4], $0x80, s8, s13, $0xb8;
	[tilespmem:$0x1D400] =	vst v63  }
0x237: {  	_ =	swait.ge [sflag:s10], $0x2800  }
0x238: {  	[sflag:s10] =	ssyncset.done $0x0  }
0x239: {  	s9 =	rddreg [dreg:$0x16];
	[sflag:s10] =	ssyncadd.s32 $0xFFFFD800  }
0x23a: {  	[tilespmem:s15], [sflag:$0x2] =	stream.indirect.gather [hbm4b:s2+s13], $0x80, s9, s13, $0xb8;
	[tilespmem:$0x1D400] =	vst v63  }
0x23b: {  	_ =	swait.ge [sflag:s19], $0x2800  }
0x23c: {  	[sflag:s19] =	ssyncset.done $0x0  }
0x23d: {  	s7 =	rddreg [dreg:$0x17];
	[sflag:s19] =	ssyncadd.s32 $0xFFFFD800  }
0x23e: {  	[spmem:s3] =	stream.indirect.scatter.add.f32 [tilespmem:s16], [sflag:$0x4], $0x80, s7, s13, $0xb8;
	[tilespmem:$0x1D400] =	vst v63  }
0x23f: {  	_ =	swait.ge [sflag:s10], $0x2800  }
0x240: {  	[sflag:s10] =	ssyncset.done $0x0  }
0x241: {  	s8 =	rddreg [dreg:$0x18];
	[sflag:s10] =	ssyncadd.s32 $0xFFFFD800  }
0x242: {  	[tilespmem:s16], [sflag:$0x3] =	stream.indirect.gather [hbm4b:s2+s13], $0x80, s8, s13, $0xb8;
	[tilespmem:$0x1D400] =	vst v63  }
0x243: {  	_ =	swait.ge [sflag:s17], $0x2800  }
0x244: {  	[sflag:s17] =	ssyncset.done $0x0  }
0x245: {  	s9 =	rddreg [dreg:$0x19];
	[sflag:s17] =	ssyncadd.s32 $0xFFFFD800  }
0x246: {  	[spmem:s3] =	stream.indirect.scatter.add.f32 [tilespmem:s14], [sflag:$0x4], $0x80, s9, s13, $0xb8;
	[tilespmem:$0x1D400] =	vst v63  }
0x247: {  	_ =	swait.ge [sflag:s10], $0x2800  }
0x248: {  	[sflag:s10] =	ssyncset.done $0x0  }
0x249: {  	s7 =	rddreg [dreg:$0x1a];
	[sflag:s10] =	ssyncadd.s32 $0xFFFFD800  }
0x24a: {  	[tilespmem:s14], [sflag:$0x1] =	stream.indirect.gather [hbm4b:s2+s13], $0x80, s7, s13, $0xb8;
	[tilespmem:$0x1D400] =	vst v63  }
0x24b: {  	_ =	swait.ge [sflag:s18], $0x2800  }
0x24c: {  	[sflag:s18] =	ssyncset.done $0x0  }
0x24d: {  	s8 =	rddreg [dreg:$0x1b];
	[sflag:s18] =	ssyncadd.s32 $0xFFFFD800  }
0x24e: {  	[spmem:s3] =	stream.indirect.scatter.add.f32 [tilespmem:s15], [sflag:$0x4], $0x80, s8, s13, $0xb8;
	[tilespmem:$0x1D400] =	vst v63  }
0x24f: {  	_ =	swait.ge [sflag:s10], $0x2800  }
0x250: {  	[sflag:s10] =	ssyncset.done $0x0  }
0x251: {  	s9 =	rddreg [dreg:$0x1c];
	[sflag:s10] =	ssyncadd.s32 $0xFFFFD800  }
0x252: {  	[tilespmem:s15], [sflag:$0x2] =	stream.indirect.gather [hbm4b:s2+s13], $0x80, s9, s13, $0xb8;
	[tilespmem:$0x1D400] =	vst v63  }
0x253: {  	_ =	swait.ge [sflag:s19], $0x2800  }
0x254: {  	[sflag:s19] =	ssyncset.done $0x0  }
0x255: {  	s7 =	rddreg [dreg:$0x1d];
	[sflag:s19] =	ssyncadd.s32 $0xFFFFD800  }
0x256: {  	[spmem:s3] =	stream.indirect.scatter.add.f32 [tilespmem:s16], [sflag:$0x4], $0x80, s7, s13, $0xb8;
	[tilespmem:$0x1D400] =	vst v63  }
0x257: {  	_ =	swait.ge [sflag:s10], $0x2800  }
0x258: {  	[sflag:s10] =	ssyncset.done $0x0  }
0x259: {  	s8 =	rddreg [dreg:$0x1e];
	[sflag:s10] =	ssyncadd.s32 $0xFFFFD800  }
0x25a: {  	[tilespmem:s16], [sflag:$0x3] =	stream.indirect.gather [hbm4b:s2+s13], $0x80, s8, s13, $0xb8;
	[tilespmem:$0x1D400] =	vst v63  }
0x25b: {  	_ =	swait.ge [sflag:s17], $0x2800  }
0x25c: {  	[sflag:s17] =	ssyncset.done $0x0  }
0x25d: {  	s9 =	rddreg [dreg:$0x1f];
	[sflag:s17] =	ssyncadd.s32 $0xFFFFD800  }
0x25e: {  	[spmem:s3] =	stream.indirect.scatter.add.f32 [tilespmem:s14], [sflag:$0x4], $0x80, s9, s13, $0xb8;
	[tilespmem:$0x1D400] =	vst v63  }
0x25f: {  	_ =	swait.ge [sflag:s10], $0x2800  }
0x260: {  	s7 =	sld [smem:$0x7F4]  }
0x261: {  	[sflag:s10] =	ssyncset.done $0x0  }
0x262: {  	[sflag:s10] =	ssyncadd.s32 $0xFFFFD800  }
0x263: {  	[tilespmem:s14], [sflag:$0x1] =	stream.indirect.gather [hbm4b:s2+s13], $0x80, s7, s13, $0xb8;
	[tilespmem:$0x1D400] =	vst v63  }
0x264: {  	_ =	swait.ge [sflag:s18], $0x2800  }
0x265: {  	s8 =	sld [smem:$0x7F5]  }
0x266: {  	[sflag:s18] =	ssyncset.done $0x0  }
0x267: {  	[sflag:s18] =	ssyncadd.s32 $0xFFFFD800  }
0x268: {  	[spmem:s3] =	stream.indirect.scatter.add.f32 [tilespmem:s15], [sflag:$0x4], $0x80, s8, s13, $0xb8;
	[tilespmem:$0x1D400] =	vst v63  }
0x269: {  	_ =	swait.ge [sflag:s10], $0x2800  }
0x26a: {  	s9 =	sld [smem:$0x7F6]  }
0x26b: {  	[sflag:s10] =	ssyncset.done $0x0  }
0x26c: {  	[sflag:s10] =	ssyncadd.s32 $0xFFFFD800  }
0x26d: {  	[tilespmem:s15], [sflag:$0x2] =	stream.indirect.gather [hbm4b:s2+s13], $0x80, s9, s13, $0xb8;
	[tilespmem:$0x1D400] =	vst v63  }
0x26e: {  	_ =	swait.ge [sflag:s19], $0x2800  }
0x26f: {  	s7 =	sld [smem:$0x7F7]  }
0x270: {  	[sflag:s19] =	ssyncset.done $0x0  }
0x271: {  	[sflag:s19] =	ssyncadd.s32 $0xFFFFD800  }
0x272: {  	[spmem:s3] =	stream.indirect.scatter.add.f32 [tilespmem:s16], [sflag:$0x4], $0x80, s7, s13, $0xb8;
	[tilespmem:$0x1D400] =	vst v63  }
0x273: {  	_ =	swait.ge [sflag:s10], $0x2800  }
0x274: {  	s8 =	sld [smem:$0x7F8]  }
0x275: {  	[sflag:s10] =	ssyncset.done $0x0  }
0x276: {  	[sflag:s10] =	ssyncadd.s32 $0xFFFFD800  }
0x277: {  	[tilespmem:s16], [sflag:$0x3] =	stream.indirect.gather [hbm4b:s2+s13], $0x80, s8, s13, $0xb8;
	[tilespmem:$0x1D400] =	vst v63  }
0x278: {  	_ =	swait.ge [sflag:s17], $0x2800  }
0x279: {  	s9 =	sld [smem:$0x7F9]  }
0x27a: {  	[sflag:s17] =	ssyncset.done $0x0  }
0x27b: {  	[sflag:s17] =	ssyncadd.s32 $0xFFFFD800  }
0x27c: {  	[spmem:s3] =	stream.indirect.scatter.add.f32 [tilespmem:s14], [sflag:$0x4], $0x80, s9, s13, $0xb8;
	[tilespmem:$0x1D400] =	vst v63  }
0x27d: {  	_ =	swait.ge [sflag:s10], $0x2800  }
0x27e: {  	s7 =	sld [smem:$0x7FA]  }
0x27f: {  	[sflag:s10] =	ssyncset.done $0x0  }
0x280: {  	[sflag:s10] =	ssyncadd.s32 $0xFFFFD800  }
0x281: {  	[tilespmem:s14], [sflag:$0x1] =	stream.indirect.gather [hbm4b:s2+s13], $0x80, s7, s13, $0xb8;
	[tilespmem:$0x1D400] =	vst v63  }
0x282: {  	_ =	swait.ge [sflag:s18], $0x2800  }
0x283: {  	s8 =	sld [smem:$0x7FB]  }
0x284: {  	[sflag:s18] =	ssyncset.done $0x0  }
0x285: {  	[sflag:s18] =	ssyncadd.s32 $0xFFFFD800  }
0x286: {  	[spmem:s3] =	stream.indirect.scatter.add.f32 [tilespmem:s15], [sflag:$0x4], $0x80, s8, s13, $0xb8;
	[tilespmem:$0x1D400] =	vst v63  }
0x287: {  	_ =	swait.ge [sflag:s10], $0x2800  }
0x288: {  	[sflag:s10] =	ssyncset.done $0x0  }
0x289: {  	[sflag:s10] =	ssyncadd.s32 $0xFFFFD800  }
0x28a: {  	[tilespmem:s15], [sflag:$0x2] =	stream.indirect.gather [hbm4b:s2+s13], $0x80, s20, s13, $0xb8;
	[tilespmem:$0x1D400] =	vst v63  }
0x28b: {  	_ =	swait.ge [sflag:s19], $0x2800  }
0x28c: {  	[sflag:s19] =	ssyncset.done $0x0  }
0x28d: {  	[sflag:s19] =	ssyncadd.s32 $0xFFFFD800  }
0x28e: {  	[spmem:s3] =	stream.indirect.scatter.add.f32 [tilespmem:s16], [sflag:$0x4], $0x80, s21, s13, $0xb8;
	[tilespmem:$0x1D400] =	vst v63  }
0x28f: {  	_ =	swait.ge [sflag:s10], $0x2800  }
0x290: {  	[sflag:s10] =	ssyncset.done $0x0  }
0x291: {  	[sflag:s10] =	ssyncadd.s32 $0xFFFFD800  }
0x292: {  	[tilespmem:s16], [sflag:$0x3] =	stream.indirect.gather [hbm4b:s2+s13], $0x80, s22, s13, $0xb8;
	[tilespmem:$0x1D400] =	vst v63  }
0x293: {  	_ =	swait.ge [sflag:s17], $0x2800  }
0x294: {  	[sflag:s17] =	ssyncset.done $0x0  }
0x295: {  	[sflag:s17] =	ssyncadd.s32 $0xFFFFD800  }
0x296: {  	[spmem:s3] =	stream.indirect.scatter.add.f32 [tilespmem:s14], [sflag:$0x4], $0x80, s23, s13, $0xb8;
	[tilespmem:$0x1D400] =	vst v63  }
0x297: {  	_ =	swait.ge [sflag:s10], $0x2800  }
0x298: {  	[sflag:s10] =	ssyncset.done $0x0  }
0x299: {  	[sflag:s10] =	ssyncadd.s32 $0xFFFFD800  }
0x29a: {  	[tilespmem:s14], [sflag:$0x1] =	stream.indirect.gather [hbm4b:s2+s13], $0x80, s24, s13, $0xb8;
	[tilespmem:$0x1D400] =	vst v63  }
0x29b: {  	_ =	swait.ge [sflag:s18], $0x2800  }
0x29c: {  	[sflag:s18] =	ssyncset.done $0x0  }
0x29d: {  	[sflag:s18] =	ssyncadd.s32 $0xFFFFD800  }
0x29e: {  	[spmem:s3] =	stream.indirect.scatter.add.f32 [tilespmem:s15], [sflag:$0x4], $0x80, s25, s13, $0xb8;
	[tilespmem:$0x1D400] =	vst v63  }
0x29f: {  	_ =	swait.ge [sflag:s10], $0x2800  }
0x2a0: {  	[sflag:s10] =	ssyncset.done $0x0  }
0x2a1: {  	[sflag:s10] =	ssyncadd.s32 $0xFFFFD800  }
0x2a2: {  	[tilespmem:s15], [sflag:$0x2] =	stream.indirect.gather [hbm4b:s2+s13], $0x80, s26, s13, $0xb8;
	[tilespmem:$0x1D400] =	vst v63  }
0x2a3: {  	_ =	swait.ge [sflag:s19], $0x2800  }
0x2a4: {  	[sflag:s19] =	ssyncset.done $0x0  }
0x2a5: {  	[sflag:s19] =	ssyncadd.s32 $0xFFFFD800  }
0x2a6: {  	[spmem:s3] =	stream.indirect.scatter.add.f32 [tilespmem:s16], [sflag:$0x4], $0x80, s28, s13, $0xb8;
	[tilespmem:$0x1D400] =	vst v63  }
0x2a7: {  	_ =	swait.ge [sflag:s10], $0x2800  }
0x2a8: {  	[sflag:s10] =	ssyncset.done $0x0  }
0x2a9: {  	[sflag:s10] =	ssyncadd.s32 $0xFFFFD800  }
0x2aa: {  	[tilespmem:s16], [sflag:$0x3] =	stream.indirect.gather [hbm4b:s2+s13], $0x80, s29, s13, $0xb8;
	[tilespmem:$0x1D400] =	vst v63  }
0x2ab: {  	_ =	swait.ge [sflag:s17], $0x2800  }
0x2ac: {  	[sflag:s17] =	ssyncset.done $0x0  }
0x2ad: {  	[sflag:s17] =	ssyncadd.s32 $0xFFFFD800  }
0x2ae: {  	[spmem:s3] =	stream.indirect.scatter.add.f32 [tilespmem:s14], [sflag:$0x4], $0x80, s30, s13, $0xb8;
	[tilespmem:$0x1D400] =	vst v63  }
0x2af: {  	_ =	swait.ge [sflag:s10], $0x2800  }
0x2b0: {  	[sflag:s10] =	ssyncset.done $0x0  }
0x2b1: {  	[sflag:s10] =	ssyncadd.s32 $0xFFFFD800  }
0x2b2: {  	[tilespmem:s14], [sflag:$0x1] =	stream.indirect.gather [hbm4b:s2+s13], $0x80, s31, s13, $0xb8;
	[tilespmem:$0x1D400] =	vst v63  }
0x2b3: {  	_ =	swait.ge [sflag:s18], $0x2800  }
0x2b4: {  	[sflag:s18] =	ssyncset.done $0x0  }
0x2b5: {  	[sflag:s18] =	ssyncadd.s32 $0xFFFFD800  }
0x2b6: {  	[spmem:s3] =	stream.indirect.scatter.add.f32 [tilespmem:s15], [sflag:$0x4], $0x80, s1, s13, $0xb8;
	[tilespmem:$0x1D400] =	vst v63  }
0x2b7: {  	_ =	swait.ge [sflag:s10], $0x2800  }
0x2b8: {  	[sflag:s10] =	ssyncset.done $0x0  }
0x2b9: {  	[sflag:s10] =	ssyncadd.s32 $0xFFFFD800  }
0x2ba: {  	_ =	swait.ge [sflag:s19], $0x2800  }
0x2bb: {  	[sflag:s19] =	ssyncset.done $0x0  }
0x2bc: {  	[sflag:s19] =	ssyncadd.s32 $0xFFFFD800  }
0x2bd: {  	[spmem:s3] =	stream.indirect.scatter.add.f32 [tilespmem:s16], [sflag:$0x4], $0x80, s0, s13, $0xb8;
	[tilespmem:$0x1D400] =	vst v63  }
0x2be: {  	_ =	swait.ge [sflag:s10], $0x2800  }
0x2bf: {  	[sflag:s10] =	ssyncset.done $0x0  }
0x2c0: {  	[sflag:s10] =	ssyncadd.s32 $0xFFFFD800  }
0x2c1: {  	_ =	swait.ge [sflag:s17], $0x2800  }
0x2c2: {  	[sflag:s17] =	ssyncset.done $0x0  }
0x2c3: {  	[sflag:s17] =	ssyncadd.s32 $0xFFFFD800  }
0x2c4: {  	[spmem:s3] =	stream.indirect.scatter.add.f32 [tilespmem:s14], [sflag:$0x4], $0x80, s5, s13, $0xb8;
	[tilespmem:$0x1D400] =	vst v63  }
0x2c5: {  	_ =	swait.ge [sflag:s10], $0x2800  }
0x2c6: {  	[sflag:s10] =	ssyncset.done $0x0  }
0x2c7: {  	[sflag:s10] =	ssyncadd.s32 $0xFFFFD800  }
0x2c8: {  	[bflag:$0x0] =	sbarrier.arrive $0xFFFF  }
0x2c9: {  	s7 =	sld [smem:$0x7FC]  }
0x2ca: {  	s9 =	sld [smem:$0x7F2]  }
0x2cb: {  	s8 =	sld [smem:$0x7FD];
	_ =	sdelay $0x2  }
0x2cc: {  	[hbm:s9], [sflag:s7] =	dma.local [spmem:s8], $0x2780  }
0x2cd: {  	_ =	swait.ge [sflag:s10], $0x2780  }
0x2ce: {  	s6 =	sld [smem:$0x7F0];
	_ =	sdelay $0x2  }
0x2cf: {  	s9 =	sadd.s32 $0x1, s6;
	s6 =	sld [smem:$0x7F3];
	_ =	sdelay $0x2  }
0x2d0: {  	p0 =	sne.s32 s9, s6  }
.Ltmp1:
0x2d1: {  	_ = 	snop;
	(pc) =	sbr.rel @p0 .LBB2_1-.Ltmp1, $3  }
0x2d2: {  	_ =	sdelay $0x1  }
0x2d3: {  	[sflag:s10] =	ssyncset.done $0x0  }
0x2d4: {  	[sflag:s10] =	ssyncadd.s32 $0xFFFFD880  }
0x2d5: {  	_ =	sfence.sel $0x180000  }
0x2d6: {  	[bflag:$0x0] =	sbarrier.arrive $0xFFFF  }
0x2d7: {  	_ =	strace $0x9000004D  }
0x2d8: {  	s0 =	stileid.u32;
	[bflag:$0x2] =	sbarrier.arrive $0xFFFF  }
0x2d9: {  	p0 =	sne.s32 s0, $0x0;
	s0 =	rddreg [dreg:$0x3]  }
0x2da: {  	s0 =	sadd.s32 @!p0 $0x100000, s0  }
0x2db: {  	[sflag:s0] =	ssyncadd.tile.s32 @!p0 $0x1;
	_ =	shalt  }
.Lfunc_end2:
_tile_overlayer_lowered:
.L_overlay_start_2:
0x2dc: {  	(tag) =	ssettag $0x2  }
0x2dd: {  	s0 =	rddreg [dreg:$0x0];
	s2 =	stileid.u32  }
0x2de: {  	s1 =	rddreg [dreg:$0x1];
	p0 =	sne.s32 s2, $0x0  }
0x2df: {  	s3 =	rddreg [dreg:$0x2];
	[bflag:$0x3] =	sbarrier.arrive $0xFFFF;
	s2 =	simm.s32 @!p0 $0x1C04  }
0x2e0: {  	[timem:s3], [sflag:s2] =	dma.local @!p0 [hbm:s0], s1  }
0x2e1: {  	s0 =	simm.s32 @!p0 $0x4  }
0x2e2: {  	_ =	swait.ge @!p0 [sflag:s0], s1  }
0x2e3: {  	s1 =	ssub.s32 @!p0 $0x0, s1;
	[sflag:s0] =	ssyncset.done @!p0 $0x0  }
0x2e4: {  	[sflag:s0] =	ssyncadd.s32 @!p0 s1  }
0x2e5: {  	[bflag:$0x3] =	sbarrier.arrive $0xFFFF  }
0x2e6: {  	_ =	shalt  }

// kernel: kernel.8.cloned.1.call-start
scs
__scs_entry_jumppad:
0x0: {  	(pc) =	sbr.rel $0x88, $3  }
0x1: {  	(tag) =	ssettag $0x0;
	lr =	simm.s32 $0x1  }
0x2: {  	[smem:$0x3F97] =	sst lr;
	_ =	strace $0xD0000000  }
0x3: {  	_ = 	snop  }
0x4: {  	_ = 	snop  }
0x5: {  	_ = 	snop  }
0x6: {  	_ = 	snop  }
0x7: {  	_ = 	snop  }
__scs_overlays_trampoline_lowered:
0x8: {  	[smem:$0x3FA6] =	sst s0  }
0x9: {  	[smem:$0x3FA7] =	sst s1  }
0xa: {  	[smem:$0x3FA8] =	sst s2  }
0xb: {  	[smem:$0x3FA9] =	sst s3  }
0xc: {  	[smem:$0x3FAA] =	sst s4  }
0xd: {  	[smem:$0x3FAB] =	sst s5  }
0xe: {  	[smem:$0x3FAC] =	sst s6  }
0xf: {  	[smem:$0x3FAD] =	sst s7  }
0x10: {  	[smem:$0x3FAE] =	sst s8  }
0x11: {  	[smem:$0x3FAF] =	sst s9;
	s0 =	simm.s32 @!p0 $0x0  }
0x12: {  	s1 =	sld [smem:$0x3F95];
	s0 =	simm.s32 @p0 $0x1  }
0x13: {  	[smem:$0x3FB0] =	sst s0;
	s0 =	simm.s32 @!p1 $0x0  }
0x14: {  	s2 =	sld [smem:$0x3F94];
	s0 =	simm.s32 @p1 $0x1  }
0x15: {  	[smem:$0x3FB1] =	sst s0;
	s0 =	simm.s32 @!p2 $0x0  }
0x16: {  	s3 =	sld [smem:$0x3FDB];
	s0 =	simm.s32 @p2 $0x1  }
0x17: {  	s4 =	simm.s32 $0x1BF5;
	[smem:$0x3FB3] =	sst s0  }
0x18: {  	s0 =	sld [smem:$0x3F96];
	_ =	swait.ge [sflag:s4], $0x0  }
0x19: {  	s7 =	sld [smem:$0x3F97]  }
0x1a: {  	s8 =	sadd.s32 $0xFFFFE003, lr  }
0x1b: {  	s9 =	sadd.s32 $0xFFFFFEF7, lr;
	s5 =	simm.s32 $0xFFFFFFFF;
	p2 =	slt.u32 s8, $0xFFFFF086  }
0x1c: {  	p1 =	slt.u32 s9, $0xF7A;
	s5 =	simm.s32 @!p2 $0x0  }
0x1d: {  	s5 =	simm.s32 @p1 $0x1;
	p0 =	seq.s32 s7, s2  }
0x1e: {  	s7 =	smul.u32 @!p0 $0xF7A, s2;
	p2 =	seq.s32 @!p0 s5, $0x0  }
0x1f: {  	s9 =	smul.u32 $0xF7A, s1;
	s8 =	simm.s32 @!p0 $0x1BF5;
	p2 =	por !p2, p0  }
0x20: {  	[sflag:s8] =	ssyncset.s32 @!p0 $0xFFFFF086;
	s6 =	sadd.s32 @!p0 s3, s7;
	s7 =	simm.s32 @!p0 $0x108  }
0x21: {  	s3 =	sadd.s32 s3, s9;
	s6 =	sadd.s32 @!p0 $0x88, s6;
	s7 =	simm.s32 @p2 $0x1082  }
0x22: {  	[simem:s7], [sflag:s8] =	dma.local @!p0 [hbm:s6], $0xF7A  }
0x23: {  	s9 =	sor.u32 $0xD0000000, s2;
	s6 =	simm.s32 $0x108;
	_ =	swait.ge @!p0 [sflag:s8], $0x0  }
0x24: {  	s3 =	sadd.s32 $0x88, s3;
	s6 =	simm.s32 @!p1 $0x1082;
	[sflag:s4] =	ssyncset.s32 $0xFFFFF086  }
0x25: {  	[simem:s6], [sflag:s4] =	dma.local [hbm:s3], $0xF7A  }
0x26: {  	[smem:$0x3F97] =	sst s1;
	(tag) =	ssettag s2;
	_ =	strace s9  }
0x27: {  	s1 =	sld [smem:$0x3FA7]  }
0x28: {  	s2 =	sld [smem:$0x3FA8]  }
0x29: {  	s4 =	sld [smem:$0x3FAA]  }
0x2a: {  	p0 =	seq.s32 s5, $0x0;
	s5 =	sld [smem:$0x3FAB]  }
0x2b: {  	s6 =	sld [smem:$0x3FAC]  }
0x2c: {  	s7 =	sld [smem:$0x3FAD]  }
0x2d: {  	s3 =	simm.s32 $0x108;
	s8 =	sld [smem:$0x3FAE]  }
0x2e: {  	s3 =	simm.s32 @!p0 $0x1082;
	s9 =	sld [smem:$0x3FAF]  }
0x2f: {  	lr =	sadd.s32 s0, s3;
	s0 =	sld [smem:$0x3FA6]  }
0x30: {  	s3 =	sld [smem:$0x3FA9]  }
0x31: {  	[smem:$0x3FB2] =	sst s10  }
0x32: {  	s10 =	sld [smem:$0x3FB0];
	_ =	sdelay $0x3  }
0x33: {  	p0 =	seq.s32 s10, $0x1;
	s10 =	sld [smem:$0x3FB2];
	_ =	sdelay $0x3  }
0x34: {  	[smem:$0x3FB2] =	sst s10  }
0x35: {  	s10 =	sld [smem:$0x3FB1];
	_ =	sdelay $0x3  }
0x36: {  	p1 =	seq.s32 s10, $0x1;
	s10 =	sld [smem:$0x3FB2];
	_ =	sdelay $0x3  }
0x37: {  	[smem:$0x3FB2] =	sst s10  }
0x38: {  	s10 =	sld [smem:$0x3FB3]  }
0x39: {  	_ = 	snop;
	(pc) =	sbr.ind lr, $3  }
0x3a: {  	_ = 	snop  }
0x3b: {  	_ = 	snop  }
0x3c: {  	p2 =	seq.s32 s10, $0x1;
	s10 =	sld [smem:$0x3FB2]  }
0x3d: {  	_ =	shalt  }
0x3e: {  	_ =	shalt  }
0x3f: {  	_ =	shalt  }
0x40: {  	_ =	shalt  }
0x41: {  	_ =	shalt  }
0x42: {  	_ =	shalt  }
0x43: {  	_ =	shalt  }
0x44: {  	_ =	shalt  }
0x45: {  	_ =	shalt  }
0x46: {  	_ =	shalt  }
0x47: {  	_ =	shalt  }
0x48: {  	_ =	shalt  }
0x49: {  	_ =	shalt  }
0x4a: {  	_ =	shalt  }
0x4b: {  	_ =	shalt  }
0x4c: {  	_ =	shalt  }
0x4d: {  	_ =	shalt  }
0x4e: {  	_ =	shalt  }
0x4f: {  	_ =	shalt  }
0x50: {  	_ =	shalt  }
0x51: {  	_ =	shalt  }
0x52: {  	_ =	shalt  }
0x53: {  	_ =	shalt  }
0x54: {  	_ =	shalt  }
0x55: {  	_ =	shalt  }
0x56: {  	_ =	shalt  }
0x57: {  	_ =	shalt  }
0x58: {  	_ =	shalt  }
0x59: {  	_ =	shalt  }
0x5a: {  	_ =	shalt  }
0x5b: {  	_ =	shalt  }
0x5c: {  	_ =	shalt  }
0x5d: {  	_ =	shalt  }
0x5e: {  	_ =	shalt  }
0x5f: {  	_ =	shalt  }
0x60: {  	_ =	shalt  }
0x61: {  	_ =	shalt  }
0x62: {  	_ =	shalt  }
0x63: {  	_ =	shalt  }
0x64: {  	_ =	shalt  }
0x65: {  	_ =	shalt  }
0x66: {  	_ =	shalt  }
0x67: {  	_ =	shalt  }
0x68: {  	_ =	shalt  }
0x69: {  	_ =	shalt  }
0x6a: {  	_ =	shalt  }
0x6b: {  	_ =	shalt  }
0x6c: {  	_ =	shalt  }
0x6d: {  	_ =	shalt  }
0x6e: {  	_ =	shalt  }
0x6f: {  	_ =	shalt  }
0x70: {  	_ =	shalt  }
0x71: {  	_ =	shalt  }
0x72: {  	_ =	shalt  }
0x73: {  	_ =	shalt  }
0x74: {  	_ =	shalt  }
0x75: {  	_ =	shalt  }
0x76: {  	_ =	shalt  }
0x77: {  	_ =	shalt  }
0x78: {  	_ =	shalt  }
0x79: {  	_ =	shalt  }
0x7a: {  	_ =	shalt  }
0x7b: {  	_ =	shalt  }
0x7c: {  	_ =	shalt  }
0x7d: {  	_ =	shalt  }
0x7e: {  	_ =	shalt  }
0x7f: {  	_ =	shalt  }
0x80: {  	_ =	shalt  }
0x81: {  	_ =	shalt  }
0x82: {  	_ =	shalt  }
0x83: {  	_ =	shalt  }
0x84: {  	_ =	shalt  }
0x85: {  	_ =	shalt  }
0x86: {  	_ =	shalt  }
0x87: {  	_ =	shalt  }
.Lfunc_end0:
.L_simem_size_0:
called_computation_lowered:
.L_overlay_start_0:
0x88: {  	s2 =	sld [smem:$0x3FD9]  }
0x89: {  	s3 =	sld [smem:$0x3FFE];
	_ =	sdelay $0x1  }
0x8a: {  	s1 =	srdreg.scid  }
0x8b: {  	s0 =	sand.u32 $0x1, s1  }
0x8c: {  	s17 =	sshll.u32 s0, $0xA;
	s2 =	sadd.s32 s3, s2  }
0x8d: {  	s2 =	sadd.s32 s2, s17  }
0x8e: {  	[smem:$0x3FBE] =	sst s2  }
0x8f: {  	_ = 	snop  }
0x90: {  	s2 =	sld [smem:$0x3FD0];
	(tm) =	ssettm $0x1  }
0x91: {  	s18 =	sld [smem:$0x3FFB];
	_ =	sdelay $0x3  }
0x92: {  	_ =	strace s18  }
0x93: {  	s3 =	sld [smem:$0x3FFC];
	_ =	sdelay $0x3  }
0x94: {  	_ =	strace s3  }
0x95: {  	s3 =	sld [smem:$0x3FFD];
	_ =	sdelay $0x3  }
0x96: {  	_ =	strace s3  }
0x97: {  	_ =	strace $0x8FFFFFFF  }
0x98: {  	s19 =	sld [smem:$0x3FDB];
	_ =	sdelay $0x1  }
0x99: {  	s4 =	simm.s32 $_scs_section_size  }
0x9a: {  	s5 =	simm.s32 $_size__tile_overlayer_lowered;
	s6 =	simm.s32 $_tile_overlayer_lowered  }
0x9b: {  	s22 =	simm.s32 $0x1BFF;
	s21 =	sshll.u32 s6, $0x1;
	s3 =	sadd.s32 s4, s19  }
0x9c: {  	s7 =	simm.s32 $0x0;
	s20 =	sshll.u32 s5, $0x1;
	s5 =	sadd.s32 s21, s3  }
0x9d: {  	[timem:s7], [sflag:s22] =	dma.local [hbm:s5], s20  }
0x9e: {  	_ =	swait.ge [sflag:s22], s20  }
0x9f: {  	s4 =	ssub.s32 $0x0, s20;
	[sflag:s22] =	ssyncset.done $0x0  }
0xa0: {  	[sflag:s22] =	ssyncadd.s32 s4;
	_ =	sdelay $0x1  }
0xa1: {  	s23 =	simm.s32 $0x1B8B  }
0xa2: {  	_ =	swait.ge [sflag:s23], $0x1  }
0xa3: {  	[sflag:s23] =	ssyncset.done $0x0  }
0xa4: {  	s25 =	simm.s32 $0x1B8E;
	s24 =	sld [smem:$0x3FFE];
	[sflag:s23] =	ssyncadd.s32 $0xFFFFFFFF  }
0xa5: {  	s26 =	simm.s32 $execute0_lowered;
	[smem:$0x3FD2] =	sst s25  }
0xa6: {  	s5 =	sshll.u32 s26, $0x1;
	_ =	strace $0x80000046;
	[dreg:$0x1] =	wrdreg $0xFFFFFFFF  }
0xa7: {  	s28 =	simm.s32 $_size_execute0_lowered;
	s3 =	sadd.s32 s3, s5;
	[dreg:$0x0] =	wrdreg $0x0  }
0xa8: {  	s5 =	sshll.u32 s28, $0x1;
	[dreg:$0x2] =	wrdreg s3  }
0xa9: {  	[dreg:$0x3] =	wrdreg s5  }
0xaa: {  	[dreg:$0x4] =	wrdreg $0xC0  }
0xab: {  	_ =	task [dreg:s7], $0x5FFFF  }
0xac: {  	[dreg:$0x1] =	wrdreg $0xFFFFFFFF  }
0xad: {  	[dreg:$0x0] =	wrdreg $0x60  }
0xae: {  	[dreg:$0x2] =	wrdreg s2  }
0xaf: {  	[dreg:$0x3] =	wrdreg s24  }
0xb0: {  	[dreg:$0x4] =	wrdreg $0x0  }
0xb1: {  	[dreg:$0x5] =	wrdreg $0x9  }
0xb2: {  	_ =	task.clear_ibuf [dreg:s7], $0x6FFFF;
	_ =	strace $0x90000046  }
0xb3: {  	s29 =	simm.s32 $0x9;
	_ =	strace $0x80000048  }
0xb4: {  	_ =	swait.ge [sflag:s29], $0x1  }
0xb5: {  	[sflag:s29] =	ssyncadd.s32 $0xFFFFFFFF  }
0xb6: {  	_ =	strace $0x90000048  }
0xb7: {  	_ =	sfence  }
0xb8: {  	s30 =	sld [smem:$0x0];
	_ =	sdelay $0x2  }
0xb9: {  	s31 =	sshll.u32 s1, $0xD;
	s1 =	sshrl.u32 s1, $0x2  }
0xba: {  	s3 =	sand.u32 $0x4000, s31;
	s1 =	sadd.s32 s1, s30  }
0xbb: {  	s0 =	sor.u32 s3, s0;
	s1 =	sshll.u32 s1, $0x11  }
0xbc: {  	s0 =	sor.u32 s1, s0  }
0xbd: {  	s0 =	sadd.s32 $0x8F2B, s0  }
0xbe: {  	[sflag:s0] =	ssyncadd.remote.s32 $0x1  }
0xbf: {  	_ =	sfence.sel $0xFFFF  }
0xc0: {  	[dreg:$0x0] =	wrdreg $0xFFFFFFFF;
	(pc) =	sbr.abs _section_cstart, $3  }
0xc1: {  	[dreg:$0x1] =	wrdreg $0xFFFFFFFF  }
0xc2: {  	_ =	task.clear_ibuf [dreg:s7], $0x2FFFF;
	_ =	strace $0x9FFFFFFF  }
0xc3: {  	(tm) =	ssettm $0x7FFFFFFF  }
tec
execute0_lowered:
.L_overlay_start_1:
0x0: {  	(tag) =	ssettag $0x1  }
0x1: {  	s0 =	srdreg.scid;
	s9 =	stileid.u32  }
0x2: {  	s0 =	sand.u32 $0x1, s0;
	s4 =	smul.u32 $0x5000, s9  }
0x3: {  	s2 =	rddreg [dreg:$0x0];
	s1 =	smul.u32 $0x50000, s0  }
0x4: {  	s5 =	rddreg [dreg:$0x1]  }
0x5: {  	s3 =	rddreg [dreg:$0x2];
	s1 =	sadd.s32 s4, s1;
	s4 =	simm.s32 $0x0  }
0x6: {  	s25 =	simm.s32 $0x13C80;
	[smem:$0x7FF] =	sst s4  }
0x7: {  	s26 =	simm.s32 $0x13D00;
	_ =	strace $0x80000047;
	[dreg:$0x6] =	wrdreg s25  }
0x8: {  	s7 =	simm.s32 $0x14C80;
	[dreg:$0x7] =	wrdreg s26  }
0x9: {  	s8 =	simm.s32 $0x13E00;
	[dreg:$0x9] =	wrdreg s7  }
0xa: {  	s10 =	simm.s32 $0x14D00;
	[dreg:$0xa] =	wrdreg s8  }
0xb: {  	s11 =	simm.s32 $0x13E80;
	[dreg:$0xb] =	wrdreg s10  }
0xc: {  	s12 =	simm.s32 $0x14D80;
	[dreg:$0xc] =	wrdreg s11  }
0xd: {  	s13 =	simm.s32 $0x13F00;
	s15 =	simm.s32 $0x14E00;
	[dreg:$0xd] =	wrdreg s12  }
0xe: {  	s16 =	simm.s32 $0x13F80;
	s17 =	simm.s32 $0x14E80;
	[dreg:$0xe] =	wrdreg s13  }
0xf: {  	s18 =	simm.s32 $0x14000;
	s19 =	simm.s32 $0x14F00;
	[dreg:$0xf] =	wrdreg s15  }
0x10: {  	s20 =	simm.s32 $0x14080;
	s22 =	simm.s32 $0x14F80;
	[dreg:$0x10] =	wrdreg s16  }
0x11: {  	s24 =	simm.s32 $0x14100;
	s28 =	simm.s32 $0x15600;
	[dreg:$0x11] =	wrdreg s17  }
0x12: {  	s29 =	simm.s32 $0x14780;
	s30 =	simm.s32 $0x15680;
	[dreg:$0x12] =	wrdreg s18  }
0x13: {  	s31 =	simm.s32 $0x14800;
	s14 =	smul.u32 $0x2780, s9;
	[dreg:$0x13] =	wrdreg s19  }
0x14: {  	s23 =	smul.u32 $0x4F000, s9;
	s1 =	sshrl.u32 s1, $0x3;
	[dreg:$0x14] =	wrdreg s20  }
0x15: {  	s1 =	sadd.s32 s1, s5;
	s7 =	smul.u32 $0x27800, s0;
	[dreg:$0x15] =	wrdreg s22  }
0x16: {  	s8 =	sadd.s32 s14, s5;
	[dreg:$0x16] =	wrdreg s24;
	s25 =	simm.s32 $0x15000  }
0x17: {  	s0 =	ssub.s32 $0x2, s0;
	s10 =	simm.s32 $0x15080;
	[dreg:$0x17] =	wrdreg s25  }
0x18: {  	s26 =	sshrl.u32 s23, $0x2;
	s12 =	simm.s32 $0x14200;
	[dreg:$0x19] =	wrdreg s10  }
0x19: {  	s13 =	sshll.u32 s9, $0x6;
	s15 =	simm.s32 $0x14280;
	[dreg:$0x1a] =	wrdreg s12  }
0x1a: {  	s16 =	simm.s32 $0x15180;
	s17 =	simm.s32 $0x14300;
	[dreg:$0x1c] =	wrdreg s15  }
0x1b: {  	s18 =	simm.s32 $0x15200;
	s19 =	simm.s32 $0x14380;
	[dreg:$0x1d] =	wrdreg s16  }
0x1c: {  	s20 =	simm.s32 $0x15280;
	s22 =	simm.s32 $0x15300;
	[dreg:$0x1e] =	wrdreg s17  }
0x1d: {  	s23 =	simm.s32 $0x14480;
	s24 =	simm.s32 $0x15380;
	[dreg:$0x1f] =	wrdreg s18  }
0x1e: {  	s9 =	simm.s32 $0x0;
	s6 =	sadd.s32 $0x18000, s1;
	[smem:$0x7F4] =	sst s19  }
0x1f: {  	s1 =	sadd.s32 $0x4000, s1;
	s21 =	sshrl.u32 s0, $0x1;
	[smem:$0x7F5] =	sst s20  }
0x20: {  	s11 =	sadd.s32 $0x53200, s8;
	s10 =	simm.s32 $0x4;
	[smem:$0x7F7] =	sst s22  }
0x21: {  	s12 =	simm.s32 $0x14C00;
	s15 =	simm.s32 $0x18400;
	[smem:$0x7F8] =	sst s23  }
0x22: {  	s16 =	simm.s32 $0x1AC00;
	[smem:$0x7F9] =	sst s24;
	s25 =	simm.s32 $0x14500  }
0x23: {  	s17 =	simm.s32 $0x1;
	s18 =	simm.s32 $0x2;
	s19 =	simm.s32 $0x3  }
0x24: {  	s20 =	simm.s32 $0x14580;
	s22 =	simm.s32 $0x14600;
	[dreg:$0x4] =	wrdreg s6  }
0x25: {  	s23 =	simm.s32 $0x15500;
	s24 =	simm.s32 $0x14680;
	[dreg:$0x5] =	wrdreg s1  }
0x26: {  	s6 =	simm.s32 $0x13D80;
	s0 =	ssub.s32 s0, s21;
	[smem:$0x7F1] =	sst s11  }
0x27: {  	s11 =	simm.s32 $0x13C00;
	s21 =	simm.s32 $0x14400;
	[smem:$0x7FA] =	sst s25  }
0x28: {  	s25 =	simm.s32 $0x15580;
	s1 =	simm.s32 $0x15700;
	[dreg:$0x8] =	wrdreg s6  }
0x29: {  	s6 =	sadd.s32 s14, s7;
	s7 =	simm.s32 $0x14180;
	[smem:$0x7F6] =	sst s21  }
0x2a: {  	s14 =	simm.s32 $0x15100;
	s0 =	smax.u32 s0, $0x1;
	[dreg:$0x18] =	wrdreg s7  }
0x2b: {  	s21 =	simm.s32 $0x15480;
	s5 =	sadd.s32 s6, s5;
	[dreg:$0x1b] =	wrdreg s14  }
0x2c: {  	s6 =	sadd.s32 s26, s3;
	[smem:$0x7F3] =	sst s0;
	s26 =	simm.s32 $0x15400  }
0x2d: {  	s7 =	sor.u32 $0x1C04, s13;
	s13 =	simm.s32 $0x50;
	[smem:$0x7FB] =	sst s26  }
0x2e: {  	s14 =	simm.s32 $0x15C00;
	s5 =	sadd.s32 $0x7AA00, s5;
	[smem:$0x7FC] =	sst s7  }
0x2f: {  	s0 =	simm.s32 $0x15780;
	s8 =	sshrl.u32 s6, $0x3;
	[smem:$0x7F2] =	sst s5  }
0x30: {  	s26 =	simm.s32 $0x14700;
	s5 =	simm.s32 $0x15800;
	[smem:$0x7FD] =	sst s8  }
.LBB2_1:
0x31: {  	s6 =	sld [smem:$0x7F1];
	_ =	sdelay $0x1  }
0x32: {  	[smem:$0x7F0] =	sst s9  }
0x33: {  	[spmem:s8], [sflag:s7] =	dma.local [hbm:s6], $0x2780  }
0x34: {  	_ =	swait.ge [sflag:s10], $0x2780  }
0x35: {  	[sflag:s10] =	ssyncset.done $0x0  }
0x36: {  	[sflag:s10] =	ssyncadd.s32 $0xFFFFD880  }
0x37: {  	[bflag:$0x0] =	sbarrier.arrive $0xFFFF  }
0x38: {  	s7 =	rddreg [dreg:$0x5]  }
0x39: {  	s6 =	sadd.s32 $0x0, s7  }
0x3a: {  	[tilespmem:s11], [sflag:$0x4] =	stream.linear.gather [hbm4b:s6+s4], $0xC80, $0x38;
	[tilespmem:$0x1D400] =	vst v63  }
0x3b: {  	_ =	swait.ge [sflag:s10], $0xC80  }
0x3c: {  	s8 =	rddreg [dreg:$0x4];
	[sflag:s10] =	ssyncset.done $0x0  }
0x3d: {  	[sflag:s10] =	ssyncadd.s32 $0xFFFFF380;
	s6 =	sadd.s32 $0x0, s8  }
0x3e: {  	[tilespmem:s12], [sflag:$0x4] =	stream.linear.gather [hbm4b:s6+s4], $0xC80, $0x38;
	[tilespmem:$0x1D400] =	vst v63  }
0x3f: {  	_ =	swait.ge [sflag:s10], $0xC80  }
0x40: {  	[sflag:s10] =	ssyncset.done $0x0  }
0x41: {  	[sflag:s10] =	ssyncadd.s32 $0xFFFFF380  }
0x42: {  	[tilespmem:s14], [sflag:$0x1] =	stream.indirect.gather [hbm4b:s2+s13], $0x80, s11, s13, $0xb8;
	[tilespmem:$0x1D400] =	vst v63  }
0x43: {  	s9 =	rddreg [dreg:$0x6]  }
0x44: {  	[tilespmem:s15], [sflag:$0x2] =	stream.indirect.gather [hbm4b:s2+s13], $0x80, s9, s13, $0xb8;
	[tilespmem:$0x1D400] =	vst v63  }
0x45: {  	s7 =	rddreg [dreg:$0x7]  }
0x46: {  	[tilespmem:s16], [sflag:$0x3] =	stream.indirect.gather [hbm4b:s2+s13], $0x80, s7, s13, $0xb8;
	[tilespmem:$0x1D400] =	vst v63  }
0x47: {  	_ =	swait.ge [sflag:s17], $0x2800  }
0x48: {  	[sflag:s17] =	ssyncset.done $0x0  }
0x49: {  	[sflag:s17] =	ssyncadd.s32 $0xFFFFD800  }
0x4a: {  	[spmem:s3] =	stream.indirect.scatter.add.f32 [tilespmem:s14], [sflag:$0x4], $0x80, s12, s13, $0xb8;
	[tilespmem:$0x1D400] =	vst v63  }
0x4b: {  	_ =	swait.ge [sflag:s10], $0x2800  }
0x4c: {  	[sflag:s10] =	ssyncset.done $0x0  }
0x4d: {  	s8 =	rddreg [dreg:$0x8];
	[sflag:s10] =	ssyncadd.s32 $0xFFFFD800  }
0x4e: {  	[tilespmem:s14], [sflag:$0x1] =	stream.indirect.gather [hbm4b:s2+s13], $0x80, s8, s13, $0xb8;
	[tilespmem:$0x1D400] =	vst v63  }
0x4f: {  	_ =	swait.ge [sflag:s18], $0x2800  }
0x50: {  	[sflag:s18] =	ssyncset.done $0x0  }
0x51: {  	s9 =	rddreg [dreg:$0x9];
	[sflag:s18] =	ssyncadd.s32 $0xFFFFD800  }
0x52: {  	[spmem:s3] =	stream.indirect.scatter.add.f32 [tilespmem:s15], [sflag:$0x4], $0x80, s9, s13, $0xb8;
	[tilespmem:$0x1D400] =	vst v63  }
0x53: {  	_ =	swait.ge [sflag:s10], $0x2800  }
0x54: {  	[sflag:s10] =	ssyncset.done $0x0  }
0x55: {  	s7 =	rddreg [dreg:$0xa];
	[sflag:s10] =	ssyncadd.s32 $0xFFFFD800  }
0x56: {  	[tilespmem:s15], [sflag:$0x2] =	stream.indirect.gather [hbm4b:s2+s13], $0x80, s7, s13, $0xb8;
	[tilespmem:$0x1D400] =	vst v63  }
0x57: {  	_ =	swait.ge [sflag:s19], $0x2800  }
0x58: {  	[sflag:s19] =	ssyncset.done $0x0  }
0x59: {  	s8 =	rddreg [dreg:$0xb];
	[sflag:s19] =	ssyncadd.s32 $0xFFFFD800  }
0x5a: {  	[spmem:s3] =	stream.indirect.scatter.add.f32 [tilespmem:s16], [sflag:$0x4], $0x80, s8, s13, $0xb8;
	[tilespmem:$0x1D400] =	vst v63  }
0x5b: {  	_ =	swait.ge [sflag:s10], $0x2800  }
0x5c: {  	[sflag:s10] =	ssyncset.done $0x0  }
0x5d: {  	s9 =	rddreg [dreg:$0xc];
	[sflag:s10] =	ssyncadd.s32 $0xFFFFD800  }
0x5e: {  	[tilespmem:s16], [sflag:$0x3] =	stream.indirect.gather [hbm4b:s2+s13], $0x80, s9, s13, $0xb8;
	[tilespmem:$0x1D400] =	vst v63  }
0x5f: {  	_ =	swait.ge [sflag:s17], $0x2800  }
0x60: {  	[sflag:s17] =	ssyncset.done $0x0  }
0x61: {  	s7 =	rddreg [dreg:$0xd];
	[sflag:s17] =	ssyncadd.s32 $0xFFFFD800  }
0x62: {  	[spmem:s3] =	stream.indirect.scatter.add.f32 [tilespmem:s14], [sflag:$0x4], $0x80, s7, s13, $0xb8;
	[tilespmem:$0x1D400] =	vst v63  }
0x63: {  	_ =	swait.ge [sflag:s10], $0x2800  }
0x64: {  	[sflag:s10] =	ssyncset.done $0x0  }
0x65: {  	s8 =	rddreg [dreg:$0xe];
	[sflag:s10] =	ssyncadd.s32 $0xFFFFD800  }
0x66: {  	[tilespmem:s14], [sflag:$0x1] =	stream.indirect.gather [hbm4b:s2+s13], $0x80, s8, s13, $0xb8;
	[tilespmem:$0x1D400] =	vst v63  }
0x67: {  	_ =	swait.ge [sflag:s18], $0x2800  }
0x68: {  	[sflag:s18] =	ssyncset.done $0x0  }
0x69: {  	s9 =	rddreg [dreg:$0xf];
	[sflag:s18] =	ssyncadd.s32 $0xFFFFD800  }
0x6a: {  	[spmem:s3] =	stream.indirect.scatter.add.f32 [tilespmem:s15], [sflag:$0x4], $0x80, s9, s13, $0xb8;
	[tilespmem:$0x1D400] =	vst v63  }
0x6b: {  	_ =	swait.ge [sflag:s10], $0x2800  }
0x6c: {  	[sflag:s10] =	ssyncset.done $0x0  }
0x6d: {  	s7 =	rddreg [dreg:$0x10];
	[sflag:s10] =	ssyncadd.s32 $0xFFFFD800  }
0x6e: {  	[tilespmem:s15], [sflag:$0x2] =	stream.indirect.gather [hbm4b:s2+s13], $0x80, s7, s13, $0xb8;
	[tilespmem:$0x1D400] =	vst v63  }
0x6f: {  	_ =	swait.ge [sflag:s19], $0x2800  }
0x70: {  	[sflag:s19] =	ssyncset.done $0x0  }
0x71: {  	s8 =	rddreg [dreg:$0x11];
	[sflag:s19] =	ssyncadd.s32 $0xFFFFD800  }
0x72: {  	[spmem:s3] =	stream.indirect.scatter.add.f32 [tilespmem:s16], [sflag:$0x4], $0x80, s8, s13, $0xb8;
	[tilespmem:$0x1D400] =	vst v63  }
0x73: {  	_ =	swait.ge [sflag:s10], $0x2800  }
0x74: {  	[sflag:s10] =	ssyncset.done $0x0  }
0x75: {  	s9 =	rddreg [dreg:$0x12];
	[sflag:s10] =	ssyncadd.s32 $0xFFFFD800  }
0x76: {  	[tilespmem:s16], [sflag:$0x3] =	stream.indirect.gather [hbm4b:s2+s13], $0x80, s9, s13, $0xb8;
	[tilespmem:$0x1D400] =	vst v63  }
0x77: {  	_ =	swait.ge [sflag:s17], $0x2800  }
0x78: {  	[sflag:s17] =	ssyncset.done $0x0  }
0x79: {  	s7 =	rddreg [dreg:$0x13];
	[sflag:s17] =	ssyncadd.s32 $0xFFFFD800  }
0x7a: {  	[spmem:s3] =	stream.indirect.scatter.add.f32 [tilespmem:s14], [sflag:$0x4], $0x80, s7, s13, $0xb8;
	[tilespmem:$0x1D400] =	vst v63  }
0x7b: {  	_ =	swait.ge [sflag:s10], $0x2800  }
0x7c: {  	[sflag:s10] =	ssyncset.done $0x0  }
0x7d: {  	s8 =	rddreg [dreg:$0x14];
	[sflag:s10] =	ssyncadd.s32 $0xFFFFD800  }
0x7e: {  	[tilespmem:s14], [sflag:$0x1] =	stream.indirect.gather [hbm4b:s2+s13], $0x80, s8, s13, $0xb8;
	[tilespmem:$0x1D400] =	vst v63  }
0x7f: {  	_ =	swait.ge [sflag:s18], $0x2800  }
0x80: {  	[sflag:s18] =	ssyncset.done $0x0  }
0x81: {  	s9 =	rddreg [dreg:$0x15];
	[sflag:s18] =	ssyncadd.s32 $0xFFFFD800  }
0x82: {  	[spmem:s3] =	stream.indirect.scatter.add.f32 [tilespmem:s15], [sflag:$0x4], $0x80, s9, s13, $0xb8;
	[tilespmem:$0x1D400] =	vst v63  }
0x83: {  	_ =	swait.ge [sflag:s10], $0x2800  }
0x84: {  	[sflag:s10] =	ssyncset.done $0x0  }
0x85: {  	s7 =	rddreg [dreg:$0x16];
	[sflag:s10] =	ssyncadd.s32 $0xFFFFD800  }
0x86: {  	[tilespmem:s15], [sflag:$0x2] =	stream.indirect.gather [hbm4b:s2+s13], $0x80, s7, s13, $0xb8;
	[tilespmem:$0x1D400] =	vst v63  }
0x87: {  	_ =	swait.ge [sflag:s19], $0x2800  }
0x88: {  	[sflag:s19] =	ssyncset.done $0x0  }
0x89: {  	s8 =	rddreg [dreg:$0x17];
	[sflag:s19] =	ssyncadd.s32 $0xFFFFD800  }
0x8a: {  	[spmem:s3] =	stream.indirect.scatter.add.f32 [tilespmem:s16], [sflag:$0x4], $0x80, s8, s13, $0xb8;
	[tilespmem:$0x1D400] =	vst v63  }
0x8b: {  	_ =	swait.ge [sflag:s10], $0x2800  }
0x8c: {  	[sflag:s10] =	ssyncset.done $0x0  }
0x8d: {  	s9 =	rddreg [dreg:$0x18];
	[sflag:s10] =	ssyncadd.s32 $0xFFFFD800  }
0x8e: {  	[tilespmem:s16], [sflag:$0x3] =	stream.indirect.gather [hbm4b:s2+s13], $0x80, s9, s13, $0xb8;
	[tilespmem:$0x1D400] =	vst v63  }
0x8f: {  	_ =	swait.ge [sflag:s17], $0x2800  }
0x90: {  	[sflag:s17] =	ssyncset.done $0x0  }
0x91: {  	s7 =	rddreg [dreg:$0x19];
	[sflag:s17] =	ssyncadd.s32 $0xFFFFD800  }
0x92: {  	[spmem:s3] =	stream.indirect.scatter.add.f32 [tilespmem:s14], [sflag:$0x4], $0x80, s7, s13, $0xb8;
	[tilespmem:$0x1D400] =	vst v63  }
0x93: {  	_ =	swait.ge [sflag:s10], $0x2800  }
0x94: {  	[sflag:s10] =	ssyncset.done $0x0  }
0x95: {  	s8 =	rddreg [dreg:$0x1a];
	[sflag:s10] =	ssyncadd.s32 $0xFFFFD800  }
0x96: {  	[tilespmem:s14], [sflag:$0x1] =	stream.indirect.gather [hbm4b:s2+s13], $0x80, s8, s13, $0xb8;
	[tilespmem:$0x1D400] =	vst v63  }
0x97: {  	_ =	swait.ge [sflag:s18], $0x2800  }
0x98: {  	[sflag:s18] =	ssyncset.done $0x0  }
0x99: {  	s9 =	rddreg [dreg:$0x1b];
	[sflag:s18] =	ssyncadd.s32 $0xFFFFD800  }
0x9a: {  	[spmem:s3] =	stream.indirect.scatter.add.f32 [tilespmem:s15], [sflag:$0x4], $0x80, s9, s13, $0xb8;
	[tilespmem:$0x1D400] =	vst v63  }
0x9b: {  	_ =	swait.ge [sflag:s10], $0x2800  }
0x9c: {  	[sflag:s10] =	ssyncset.done $0x0  }
0x9d: {  	s7 =	rddreg [dreg:$0x1c];
	[sflag:s10] =	ssyncadd.s32 $0xFFFFD800  }
0x9e: {  	[tilespmem:s15], [sflag:$0x2] =	stream.indirect.gather [hbm4b:s2+s13], $0x80, s7, s13, $0xb8;
	[tilespmem:$0x1D400] =	vst v63  }
0x9f: {  	_ =	swait.ge [sflag:s19], $0x2800  }
0xa0: {  	[sflag:s19] =	ssyncset.done $0x0  }
0xa1: {  	s8 =	rddreg [dreg:$0x1d];
	[sflag:s19] =	ssyncadd.s32 $0xFFFFD800  }
0xa2: {  	[spmem:s3] =	stream.indirect.scatter.add.f32 [tilespmem:s16], [sflag:$0x4], $0x80, s8, s13, $0xb8;
	[tilespmem:$0x1D400] =	vst v63  }
0xa3: {  	_ =	swait.ge [sflag:s10], $0x2800  }
0xa4: {  	[sflag:s10] =	ssyncset.done $0x0  }
0xa5: {  	s9 =	rddreg [dreg:$0x1e];
	[sflag:s10] =	ssyncadd.s32 $0xFFFFD800  }
0xa6: {  	[tilespmem:s16], [sflag:$0x3] =	stream.indirect.gather [hbm4b:s2+s13], $0x80, s9, s13, $0xb8;
	[tilespmem:$0x1D400] =	vst v63  }
0xa7: {  	_ =	swait.ge [sflag:s17], $0x2800  }
0xa8: {  	[sflag:s17] =	ssyncset.done $0x0  }
0xa9: {  	s7 =	rddreg [dreg:$0x1f];
	[sflag:s17] =	ssyncadd.s32 $0xFFFFD800  }
0xaa: {  	[spmem:s3] =	stream.indirect.scatter.add.f32 [tilespmem:s14], [sflag:$0x4], $0x80, s7, s13, $0xb8;
	[tilespmem:$0x1D400] =	vst v63  }
0xab: {  	_ =	swait.ge [sflag:s10], $0x2800  }
0xac: {  	s8 =	sld [smem:$0x7F4]  }
0xad: {  	[sflag:s10] =	ssyncset.done $0x0  }
0xae: {  	[sflag:s10] =	ssyncadd.s32 $0xFFFFD800  }
0xaf: {  	[tilespmem:s14], [sflag:$0x1] =	stream.indirect.gather [hbm4b:s2+s13], $0x80, s8, s13, $0xb8;
	[tilespmem:$0x1D400] =	vst v63  }
0xb0: {  	_ =	swait.ge [sflag:s18], $0x2800  }
0xb1: {  	s9 =	sld [smem:$0x7F5]  }
0xb2: {  	[sflag:s18] =	ssyncset.done $0x0  }
0xb3: {  	[sflag:s18] =	ssyncadd.s32 $0xFFFFD800  }
0xb4: {  	[spmem:s3] =	stream.indirect.scatter.add.f32 [tilespmem:s15], [sflag:$0x4], $0x80, s9, s13, $0xb8;
	[tilespmem:$0x1D400] =	vst v63  }
0xb5: {  	_ =	swait.ge [sflag:s10], $0x2800  }
0xb6: {  	s7 =	sld [smem:$0x7F6]  }
0xb7: {  	[sflag:s10] =	ssyncset.done $0x0  }
0xb8: {  	[sflag:s10] =	ssyncadd.s32 $0xFFFFD800  }
0xb9: {  	[tilespmem:s15], [sflag:$0x2] =	stream.indirect.gather [hbm4b:s2+s13], $0x80, s7, s13, $0xb8;
	[tilespmem:$0x1D400] =	vst v63  }
0xba: {  	_ =	swait.ge [sflag:s19], $0x2800  }
0xbb: {  	s8 =	sld [smem:$0x7F7]  }
0xbc: {  	[sflag:s19] =	ssyncset.done $0x0  }
0xbd: {  	[sflag:s19] =	ssyncadd.s32 $0xFFFFD800  }
0xbe: {  	[spmem:s3] =	stream.indirect.scatter.add.f32 [tilespmem:s16], [sflag:$0x4], $0x80, s8, s13, $0xb8;
	[tilespmem:$0x1D400] =	vst v63  }
0xbf: {  	_ =	swait.ge [sflag:s10], $0x2800  }
0xc0: {  	s9 =	sld [smem:$0x7F8]  }
0xc1: {  	[sflag:s10] =	ssyncset.done $0x0  }
0xc2: {  	[sflag:s10] =	ssyncadd.s32 $0xFFFFD800  }
0xc3: {  	[tilespmem:s16], [sflag:$0x3] =	stream.indirect.gather [hbm4b:s2+s13], $0x80, s9, s13, $0xb8;
	[tilespmem:$0x1D400] =	vst v63  }
0xc4: {  	_ =	swait.ge [sflag:s17], $0x2800  }
0xc5: {  	s7 =	sld [smem:$0x7F9]  }
0xc6: {  	[sflag:s17] =	ssyncset.done $0x0  }
0xc7: {  	[sflag:s17] =	ssyncadd.s32 $0xFFFFD800  }
0xc8: {  	[spmem:s3] =	stream.indirect.scatter.add.f32 [tilespmem:s14], [sflag:$0x4], $0x80, s7, s13, $0xb8;
	[tilespmem:$0x1D400] =	vst v63  }
0xc9: {  	_ =	swait.ge [sflag:s10], $0x2800  }
0xca: {  	s8 =	sld [smem:$0x7FA]  }
0xcb: {  	[sflag:s10] =	ssyncset.done $0x0  }
0xcc: {  	[sflag:s10] =	ssyncadd.s32 $0xFFFFD800  }
0xcd: {  	[tilespmem:s14], [sflag:$0x1] =	stream.indirect.gather [hbm4b:s2+s13], $0x80, s8, s13, $0xb8;
	[tilespmem:$0x1D400] =	vst v63  }
0xce: {  	_ =	swait.ge [sflag:s18], $0x2800  }
0xcf: {  	s9 =	sld [smem:$0x7FB]  }
0xd0: {  	[sflag:s18] =	ssyncset.done $0x0  }
0xd1: {  	[sflag:s18] =	ssyncadd.s32 $0xFFFFD800  }
0xd2: {  	[spmem:s3] =	stream.indirect.scatter.add.f32 [tilespmem:s15], [sflag:$0x4], $0x80, s9, s13, $0xb8;
	[tilespmem:$0x1D400] =	vst v63  }
0xd3: {  	_ =	swait.ge [sflag:s10], $0x2800  }
0xd4: {  	[sflag:s10] =	ssyncset.done $0x0  }
0xd5: {  	[sflag:s10] =	ssyncadd.s32 $0xFFFFD800  }
0xd6: {  	[tilespmem:s15], [sflag:$0x2] =	stream.indirect.gather [hbm4b:s2+s13], $0x80, s20, s13, $0xb8;
	[tilespmem:$0x1D400] =	vst v63  }
0xd7: {  	_ =	swait.ge [sflag:s19], $0x2800  }
0xd8: {  	[sflag:s19] =	ssyncset.done $0x0  }
0xd9: {  	[sflag:s19] =	ssyncadd.s32 $0xFFFFD800  }
0xda: {  	[spmem:s3] =	stream.indirect.scatter.add.f32 [tilespmem:s16], [sflag:$0x4], $0x80, s21, s13, $0xb8;
	[tilespmem:$0x1D400] =	vst v63  }
0xdb: {  	_ =	swait.ge [sflag:s10], $0x2800  }
0xdc: {  	[sflag:s10] =	ssyncset.done $0x0  }
0xdd: {  	[sflag:s10] =	ssyncadd.s32 $0xFFFFD800  }
0xde: {  	[tilespmem:s16], [sflag:$0x3] =	stream.indirect.gather [hbm4b:s2+s13], $0x80, s22, s13, $0xb8;
	[tilespmem:$0x1D400] =	vst v63  }
0xdf: {  	_ =	swait.ge [sflag:s17], $0x2800  }
0xe0: {  	[sflag:s17] =	ssyncset.done $0x0  }
0xe1: {  	[sflag:s17] =	ssyncadd.s32 $0xFFFFD800  }
0xe2: {  	[spmem:s3] =	stream.indirect.scatter.add.f32 [tilespmem:s14], [sflag:$0x4], $0x80, s23, s13, $0xb8;
	[tilespmem:$0x1D400] =	vst v63  }
0xe3: {  	_ =	swait.ge [sflag:s10], $0x2800  }
0xe4: {  	[sflag:s10] =	ssyncset.done $0x0  }
0xe5: {  	[sflag:s10] =	ssyncadd.s32 $0xFFFFD800  }
0xe6: {  	[tilespmem:s14], [sflag:$0x1] =	stream.indirect.gather [hbm4b:s2+s13], $0x80, s24, s13, $0xb8;
	[tilespmem:$0x1D400] =	vst v63  }
0xe7: {  	_ =	swait.ge [sflag:s18], $0x2800  }
0xe8: {  	[sflag:s18] =	ssyncset.done $0x0  }
0xe9: {  	[sflag:s18] =	ssyncadd.s32 $0xFFFFD800  }
0xea: {  	[spmem:s3] =	stream.indirect.scatter.add.f32 [tilespmem:s15], [sflag:$0x4], $0x80, s25, s13, $0xb8;
	[tilespmem:$0x1D400] =	vst v63  }
0xeb: {  	_ =	swait.ge [sflag:s10], $0x2800  }
0xec: {  	[sflag:s10] =	ssyncset.done $0x0  }
0xed: {  	[sflag:s10] =	ssyncadd.s32 $0xFFFFD800  }
0xee: {  	[tilespmem:s15], [sflag:$0x2] =	stream.indirect.gather [hbm4b:s2+s13], $0x80, s26, s13, $0xb8;
	[tilespmem:$0x1D400] =	vst v63  }
0xef: {  	_ =	swait.ge [sflag:s19], $0x2800  }
0xf0: {  	[sflag:s19] =	ssyncset.done $0x0  }
0xf1: {  	[sflag:s19] =	ssyncadd.s32 $0xFFFFD800  }
0xf2: {  	[spmem:s3] =	stream.indirect.scatter.add.f32 [tilespmem:s16], [sflag:$0x4], $0x80, s28, s13, $0xb8;
	[tilespmem:$0x1D400] =	vst v63  }
0xf3: {  	_ =	swait.ge [sflag:s10], $0x2800  }
0xf4: {  	[sflag:s10] =	ssyncset.done $0x0  }
0xf5: {  	[sflag:s10] =	ssyncadd.s32 $0xFFFFD800  }
0xf6: {  	[tilespmem:s16], [sflag:$0x3] =	stream.indirect.gather [hbm4b:s2+s13], $0x80, s29, s13, $0xb8;
	[tilespmem:$0x1D400] =	vst v63  }
0xf7: {  	_ =	swait.ge [sflag:s17], $0x2800  }
0xf8: {  	[sflag:s17] =	ssyncset.done $0x0  }
0xf9: {  	[sflag:s17] =	ssyncadd.s32 $0xFFFFD800  }
0xfa: {  	[spmem:s3] =	stream.indirect.scatter.add.f32 [tilespmem:s14], [sflag:$0x4], $0x80, s30, s13, $0xb8;
	[tilespmem:$0x1D400] =	vst v63  }
0xfb: {  	_ =	swait.ge [sflag:s10], $0x2800  }
0xfc: {  	[sflag:s10] =	ssyncset.done $0x0  }
0xfd: {  	[sflag:s10] =	ssyncadd.s32 $0xFFFFD800  }
0xfe: {  	[tilespmem:s14], [sflag:$0x1] =	stream.indirect.gather [hbm4b:s2+s13], $0x80, s31, s13, $0xb8;
	[tilespmem:$0x1D400] =	vst v63  }
0xff: {  	_ =	swait.ge [sflag:s18], $0x2800  }
0x100: {  	[sflag:s18] =	ssyncset.done $0x0  }
0x101: {  	[sflag:s18] =	ssyncadd.s32 $0xFFFFD800  }
0x102: {  	[spmem:s3] =	stream.indirect.scatter.add.f32 [tilespmem:s15], [sflag:$0x4], $0x80, s1, s13, $0xb8;
	[tilespmem:$0x1D400] =	vst v63  }
0x103: {  	_ =	swait.ge [sflag:s10], $0x2800  }
0x104: {  	[sflag:s10] =	ssyncset.done $0x0  }
0x105: {  	[sflag:s10] =	ssyncadd.s32 $0xFFFFD800  }
0x106: {  	_ =	swait.ge [sflag:s19], $0x2800  }
0x107: {  	[sflag:s19] =	ssyncset.done $0x0  }
0x108: {  	[sflag:s19] =	ssyncadd.s32 $0xFFFFD800  }
0x109: {  	[spmem:s3] =	stream.indirect.scatter.add.f32 [tilespmem:s16], [sflag:$0x4], $0x80, s0, s13, $0xb8;
	[tilespmem:$0x1D400] =	vst v63  }
0x10a: {  	_ =	swait.ge [sflag:s10], $0x2800  }
0x10b: {  	[sflag:s10] =	ssyncset.done $0x0  }
0x10c: {  	[sflag:s10] =	ssyncadd.s32 $0xFFFFD800  }
0x10d: {  	_ =	swait.ge [sflag:s17], $0x2800  }
0x10e: {  	[sflag:s17] =	ssyncset.done $0x0  }
0x10f: {  	[sflag:s17] =	ssyncadd.s32 $0xFFFFD800  }
0x110: {  	[spmem:s3] =	stream.indirect.scatter.add.f32 [tilespmem:s14], [sflag:$0x4], $0x80, s5, s13, $0xb8;
	[tilespmem:$0x1D400] =	vst v63  }
0x111: {  	s6 =	simm.s32 $0x400;
	_ =	swait.ge [sflag:s10], $0x2800  }
0x112: {  	s8 =	simm.s32 $0x200;
	s9 =	rddreg [dreg:$0x5];
	[sflag:s10] =	ssyncset.done $0x0  }
.LBB2_2:
0x113: {  	[sflag:s10] =	ssyncadd.s32 $0xFFFFD800;
	s9 =	sadd.s32 s8, s9  }
0x114: {  	[tilespmem:s11], [sflag:$0x4] =	stream.linear.gather [hbm4b:s9+s4], $0xC80, $0x38;
	[tilespmem:$0x1D400] =	vst v63  }
0x115: {  	_ =	swait.ge [sflag:s10], $0xC80  }
0x116: {  	s9 =	rddreg [dreg:$0x4];
	[sflag:s10] =	ssyncset.done $0x0  }
0x117: {  	[sflag:s10] =	ssyncadd.s32 $0xFFFFF380;
	s9 =	sadd.s32 s8, s9  }
0x118: {  	[tilespmem:s12], [sflag:$0x4] =	stream.linear.gather [hbm4b:s9+s4], $0xC80, $0x38;
	[tilespmem:$0x1D400] =	vst v63  }
0x119: {  	_ =	swait.ge [sflag:s10], $0xC80  }
0x11a: {  	[sflag:s10] =	ssyncset.done $0x0  }
0x11b: {  	s7 =	smov.u32 s6;
	[sflag:s10] =	ssyncadd.s32 $0xFFFFF380  }
0x11c: {  	[tilespmem:s14], [sflag:$0x1] =	stream.indirect.gather [hbm4b:s2+s13], $0x80, s11, s13, $0xb8;
	[tilespmem:$0x1D400] =	vst v63  }
0x11d: {  	s8 =	smov.u32 s7;
	s7 =	rddreg [dreg:$0x6]  }
0x11e: {  	[tilespmem:s15], [sflag:$0x2] =	stream.indirect.gather [hbm4b:s2+s13], $0x80, s7, s13, $0xb8;
	[tilespmem:$0x1D400] =	vst v63  }
0x11f: {  	s9 =	rddreg [dreg:$0x7]  }
0x120: {  	[tilespmem:s16], [sflag:$0x3] =	stream.indirect.gather [hbm4b:s2+s13], $0x80, s9, s13, $0xb8;
	[tilespmem:$0x1D400] =	vst v63  }
0x121: {  	_ =	swait.ge [sflag:s17], $0x2800  }
0x122: {  	[sflag:s17] =	ssyncset.done $0x0  }
0x123: {  	[sflag:s17] =	ssyncadd.s32 $0xFFFFD800  }
0x124: {  	[spmem:s3] =	stream.indirect.scatter.add.f32 [tilespmem:s14], [sflag:$0x4], $0x80, s12, s13, $0xb8;
	[tilespmem:$0x1D400] =	vst v63  }
0x125: {  	_ =	swait.ge [sflag:s10], $0x2800  }
0x126: {  	[sflag:s10] =	ssyncset.done $0x0  }
0x127: {  	s9 =	rddreg [dreg:$0x8];
	[sflag:s10] =	ssyncadd.s32 $0xFFFFD800  }
0x128: {  	[tilespmem:s14], [sflag:$0x1] =	stream.indirect.gather [hbm4b:s2+s13], $0x80, s9, s13, $0xb8;
	[tilespmem:$0x1D400] =	vst v63  }
0x129: {  	_ =	swait.ge [sflag:s18], $0x2800  }
0x12a: {  	[sflag:s18] =	ssyncset.done $0x0  }
0x12b: {  	s9 =	rddreg [dreg:$0x9];
	[sflag:s18] =	ssyncadd.s32 $0xFFFFD800  }
0x12c: {  	[spmem:s3] =	stream.indirect.scatter.add.f32 [tilespmem:s15], [sflag:$0x4], $0x80, s9, s13, $0xb8;
	[tilespmem:$0x1D400] =	vst v63  }
0x12d: {  	_ =	swait.ge [sflag:s10], $0x2800  }
0x12e: {  	[sflag:s10] =	ssyncset.done $0x0  }
0x12f: {  	s9 =	rddreg [dreg:$0xa];
	[sflag:s10] =	ssyncadd.s32 $0xFFFFD800  }
0x130: {  	[tilespmem:s15], [sflag:$0x2] =	stream.indirect.gather [hbm4b:s2+s13], $0x80, s9, s13, $0xb8;
	[tilespmem:$0x1D400] =	vst v63  }
0x131: {  	_ =	swait.ge [sflag:s19], $0x2800  }
0x132: {  	[sflag:s19] =	ssyncset.done $0x0  }
0x133: {  	s9 =	rddreg [dreg:$0xb];
	[sflag:s19] =	ssyncadd.s32 $0xFFFFD800  }
0x134: {  	[spmem:s3] =	stream.indirect.scatter.add.f32 [tilespmem:s16], [sflag:$0x4], $0x80, s9, s13, $0xb8;
	[tilespmem:$0x1D400] =	vst v63  }
0x135: {  	_ =	swait.ge [sflag:s10], $0x2800  }
0x136: {  	[sflag:s10] =	ssyncset.done $0x0  }
0x137: {  	s9 =	rddreg [dreg:$0xc];
	[sflag:s10] =	ssyncadd.s32 $0xFFFFD800  }
0x138: {  	[tilespmem:s16], [sflag:$0x3] =	stream.indirect.gather [hbm4b:s2+s13], $0x80, s9, s13, $0xb8;
	[tilespmem:$0x1D400] =	vst v63  }
0x139: {  	_ =	swait.ge [sflag:s17], $0x2800  }
0x13a: {  	[sflag:s17] =	ssyncset.done $0x0  }
0x13b: {  	s9 =	rddreg [dreg:$0xd];
	[sflag:s17] =	ssyncadd.s32 $0xFFFFD800  }
0x13c: {  	[spmem:s3] =	stream.indirect.scatter.add.f32 [tilespmem:s14], [sflag:$0x4], $0x80, s9, s13, $0xb8;
	[tilespmem:$0x1D400] =	vst v63  }
0x13d: {  	_ =	swait.ge [sflag:s10], $0x2800  }
0x13e: {  	[sflag:s10] =	ssyncset.done $0x0  }
0x13f: {  	s9 =	rddreg [dreg:$0xe];
	[sflag:s10] =	ssyncadd.s32 $0xFFFFD800  }
0x140: {  	[tilespmem:s14], [sflag:$0x1] =	stream.indirect.gather [hbm4b:s2+s13], $0x80, s9, s13, $0xb8;
	[tilespmem:$0x1D400] =	vst v63  }
0x141: {  	_ =	swait.ge [sflag:s18], $0x2800  }
0x142: {  	[sflag:s18] =	ssyncset.done $0x0  }
0x143: {  	s9 =	rddreg [dreg:$0xf];
	[sflag:s18] =	ssyncadd.s32 $0xFFFFD800  }
0x144: {  	[spmem:s3] =	stream.indirect.scatter.add.f32 [tilespmem:s15], [sflag:$0x4], $0x80, s9, s13, $0xb8;
	[tilespmem:$0x1D400] =	vst v63  }
0x145: {  	_ =	swait.ge [sflag:s10], $0x2800  }
0x146: {  	[sflag:s10] =	ssyncset.done $0x0  }
0x147: {  	s9 =	rddreg [dreg:$0x10];
	[sflag:s10] =	ssyncadd.s32 $0xFFFFD800  }
0x148: {  	[tilespmem:s15], [sflag:$0x2] =	stream.indirect.gather [hbm4b:s2+s13], $0x80, s9, s13, $0xb8;
	[tilespmem:$0x1D400] =	vst v63  }
0x149: {  	_ =	swait.ge [sflag:s19], $0x2800  }
0x14a: {  	[sflag:s19] =	ssyncset.done $0x0  }
0x14b: {  	s9 =	rddreg [dreg:$0x11];
	[sflag:s19] =	ssyncadd.s32 $0xFFFFD800  }
0x14c: {  	[spmem:s3] =	stream.indirect.scatter.add.f32 [tilespmem:s16], [sflag:$0x4], $0x80, s9, s13, $0xb8;
	[tilespmem:$0x1D400] =	vst v63  }
0x14d: {  	_ =	swait.ge [sflag:s10], $0x2800  }
0x14e: {  	[sflag:s10] =	ssyncset.done $0x0  }
0x14f: {  	s9 =	rddreg [dreg:$0x12];
	[sflag:s10] =	ssyncadd.s32 $0xFFFFD800  }
0x150: {  	[tilespmem:s16], [sflag:$0x3] =	stream.indirect.gather [hbm4b:s2+s13], $0x80, s9, s13, $0xb8;
	[tilespmem:$0x1D400] =	vst v63  }
0x151: {  	_ =	swait.ge [sflag:s17], $0x2800  }
0x152: {  	[sflag:s17] =	ssyncset.done $0x0  }
0x153: {  	s9 =	rddreg [dreg:$0x13];
	[sflag:s17] =	ssyncadd.s32 $0xFFFFD800  }
0x154: {  	[spmem:s3] =	stream.indirect.scatter.add.f32 [tilespmem:s14], [sflag:$0x4], $0x80, s9, s13, $0xb8;
	[tilespmem:$0x1D400] =	vst v63  }
0x155: {  	_ =	swait.ge [sflag:s10], $0x2800  }
0x156: {  	[sflag:s10] =	ssyncset.done $0x0  }
0x157: {  	s9 =	rddreg [dreg:$0x14];
	[sflag:s10] =	ssyncadd.s32 $0xFFFFD800  }
0x158: {  	[tilespmem:s14], [sflag:$0x1] =	stream.indirect.gather [hbm4b:s2+s13], $0x80, s9, s13, $0xb8;
	[tilespmem:$0x1D400] =	vst v63  }
0x159: {  	_ =	swait.ge [sflag:s18], $0x2800  }
0x15a: {  	[sflag:s18] =	ssyncset.done $0x0  }
0x15b: {  	s9 =	rddreg [dreg:$0x15];
	[sflag:s18] =	ssyncadd.s32 $0xFFFFD800  }
0x15c: {  	[spmem:s3] =	stream.indirect.scatter.add.f32 [tilespmem:s15], [sflag:$0x4], $0x80, s9, s13, $0xb8;
	[tilespmem:$0x1D400] =	vst v63  }
0x15d: {  	_ =	swait.ge [sflag:s10], $0x2800  }
0x15e: {  	[sflag:s10] =	ssyncset.done $0x0  }
0x15f: {  	s9 =	rddreg [dreg:$0x16];
	[sflag:s10] =	ssyncadd.s32 $0xFFFFD800  }
0x160: {  	[tilespmem:s15], [sflag:$0x2] =	stream.indirect.gather [hbm4b:s2+s13], $0x80, s9, s13, $0xb8;
	[tilespmem:$0x1D400] =	vst v63  }
0x161: {  	_ =	swait.ge [sflag:s19], $0x2800  }
0x162: {  	[sflag:s19] =	ssyncset.done $0x0  }
0x163: {  	s9 =	rddreg [dreg:$0x17];
	[sflag:s19] =	ssyncadd.s32 $0xFFFFD800  }
0x164: {  	[spmem:s3] =	stream.indirect.scatter.add.f32 [tilespmem:s16], [sflag:$0x4], $0x80, s9, s13, $0xb8;
	[tilespmem:$0x1D400] =	vst v63  }
0x165: {  	_ =	swait.ge [sflag:s10], $0x2800  }
0x166: {  	[sflag:s10] =	ssyncset.done $0x0  }
0x167: {  	s9 =	rddreg [dreg:$0x18];
	[sflag:s10] =	ssyncadd.s32 $0xFFFFD800  }
0x168: {  	[tilespmem:s16], [sflag:$0x3] =	stream.indirect.gather [hbm4b:s2+s13], $0x80, s9, s13, $0xb8;
	[tilespmem:$0x1D400] =	vst v63  }
0x169: {  	_ =	swait.ge [sflag:s17], $0x2800  }
0x16a: {  	[sflag:s17] =	ssyncset.done $0x0  }
0x16b: {  	s9 =	rddreg [dreg:$0x19];
	[sflag:s17] =	ssyncadd.s32 $0xFFFFD800  }
0x16c: {  	[spmem:s3] =	stream.indirect.scatter.add.f32 [tilespmem:s14], [sflag:$0x4], $0x80, s9, s13, $0xb8;
	[tilespmem:$0x1D400] =	vst v63  }
0x16d: {  	_ =	swait.ge [sflag:s10], $0x2800  }
0x16e: {  	[sflag:s10] =	ssyncset.done $0x0  }
0x16f: {  	s9 =	rddreg [dreg:$0x1a];
	[sflag:s10] =	ssyncadd.s32 $0xFFFFD800  }
0x170: {  	[tilespmem:s14], [sflag:$0x1] =	stream.indirect.gather [hbm4b:s2+s13], $0x80, s9, s13, $0xb8;
	[tilespmem:$0x1D400] =	vst v63  }
0x171: {  	_ =	swait.ge [sflag:s18], $0x2800  }
0x172: {  	[sflag:s18] =	ssyncset.done $0x0  }
0x173: {  	s9 =	rddreg [dreg:$0x1b];
	[sflag:s18] =	ssyncadd.s32 $0xFFFFD800  }
0x174: {  	[spmem:s3] =	stream.indirect.scatter.add.f32 [tilespmem:s15], [sflag:$0x4], $0x80, s9, s13, $0xb8;
	[tilespmem:$0x1D400] =	vst v63  }
0x175: {  	_ =	swait.ge [sflag:s10], $0x2800  }
0x176: {  	[sflag:s10] =	ssyncset.done $0x0  }
0x177: {  	s9 =	rddreg [dreg:$0x1c];
	[sflag:s10] =	ssyncadd.s32 $0xFFFFD800  }
0x178: {  	[tilespmem:s15], [sflag:$0x2] =	stream.indirect.gather [hbm4b:s2+s13], $0x80, s9, s13, $0xb8;
	[tilespmem:$0x1D400] =	vst v63  }
0x179: {  	_ =	swait.ge [sflag:s19], $0x2800  }
0x17a: {  	[sflag:s19] =	ssyncset.done $0x0  }
0x17b: {  	s9 =	rddreg [dreg:$0x1d];
	[sflag:s19] =	ssyncadd.s32 $0xFFFFD800  }
0x17c: {  	[spmem:s3] =	stream.indirect.scatter.add.f32 [tilespmem:s16], [sflag:$0x4], $0x80, s9, s13, $0xb8;
	[tilespmem:$0x1D400] =	vst v63  }
0x17d: {  	_ =	swait.ge [sflag:s10], $0x2800  }
0x17e: {  	[sflag:s10] =	ssyncset.done $0x0  }
0x17f: {  	s9 =	rddreg [dreg:$0x1e];
	[sflag:s10] =	ssyncadd.s32 $0xFFFFD800  }
0x180: {  	[tilespmem:s16], [sflag:$0x3] =	stream.indirect.gather [hbm4b:s2+s13], $0x80, s9, s13, $0xb8;
	[tilespmem:$0x1D400] =	vst v63  }
0x181: {  	_ =	swait.ge [sflag:s17], $0x2800  }
0x182: {  	[sflag:s17] =	ssyncset.done $0x0  }
0x183: {  	s9 =	rddreg [dreg:$0x1f];
	[sflag:s17] =	ssyncadd.s32 $0xFFFFD800  }
0x184: {  	[spmem:s3] =	stream.indirect.scatter.add.f32 [tilespmem:s14], [sflag:$0x4], $0x80, s9, s13, $0xb8;
	[tilespmem:$0x1D400] =	vst v63  }
0x185: {  	_ =	swait.ge [sflag:s10], $0x2800  }
0x186: {  	s9 =	sld [smem:$0x7F4]  }
0x187: {  	[sflag:s10] =	ssyncset.done $0x0  }
0x188: {  	[sflag:s10] =	ssyncadd.s32 $0xFFFFD800  }
0x189: {  	[tilespmem:s14], [sflag:$0x1] =	stream.indirect.gather [hbm4b:s2+s13], $0x80, s9, s13, $0xb8;
	[tilespmem:$0x1D400] =	vst v63  }
0x18a: {  	_ =	swait.ge [sflag:s18], $0x2800  }
0x18b: {  	s9 =	sld [smem:$0x7F5]  }
0x18c: {  	[sflag:s18] =	ssyncset.done $0x0  }
0x18d: {  	[sflag:s18] =	ssyncadd.s32 $0xFFFFD800  }
0x18e: {  	[spmem:s3] =	stream.indirect.scatter.add.f32 [tilespmem:s15], [sflag:$0x4], $0x80, s9, s13, $0xb8;
	[tilespmem:$0x1D400] =	vst v63  }
0x18f: {  	_ =	swait.ge [sflag:s10], $0x2800  }
0x190: {  	s9 =	sld [smem:$0x7F6]  }
0x191: {  	[sflag:s10] =	ssyncset.done $0x0  }
0x192: {  	[sflag:s10] =	ssyncadd.s32 $0xFFFFD800  }
0x193: {  	[tilespmem:s15], [sflag:$0x2] =	stream.indirect.gather [hbm4b:s2+s13], $0x80, s9, s13, $0xb8;
	[tilespmem:$0x1D400] =	vst v63  }
0x194: {  	_ =	swait.ge [sflag:s19], $0x2800  }
0x195: {  	s9 =	sld [smem:$0x7F7]  }
0x196: {  	[sflag:s19] =	ssyncset.done $0x0  }
0x197: {  	[sflag:s19] =	ssyncadd.s32 $0xFFFFD800  }
0x198: {  	[spmem:s3] =	stream.indirect.scatter.add.f32 [tilespmem:s16], [sflag:$0x4], $0x80, s9, s13, $0xb8;
	[tilespmem:$0x1D400] =	vst v63  }
0x199: {  	_ =	swait.ge [sflag:s10], $0x2800  }
0x19a: {  	s9 =	sld [smem:$0x7F8]  }
0x19b: {  	[sflag:s10] =	ssyncset.done $0x0  }
0x19c: {  	[sflag:s10] =	ssyncadd.s32 $0xFFFFD800  }
0x19d: {  	[tilespmem:s16], [sflag:$0x3] =	stream.indirect.gather [hbm4b:s2+s13], $0x80, s9, s13, $0xb8;
	[tilespmem:$0x1D400] =	vst v63  }
0x19e: {  	_ =	swait.ge [sflag:s17], $0x2800  }
0x19f: {  	s9 =	sld [smem:$0x7F9]  }
0x1a0: {  	[sflag:s17] =	ssyncset.done $0x0  }
0x1a1: {  	[sflag:s17] =	ssyncadd.s32 $0xFFFFD800  }
0x1a2: {  	[spmem:s3] =	stream.indirect.scatter.add.f32 [tilespmem:s14], [sflag:$0x4], $0x80, s9, s13, $0xb8;
	[tilespmem:$0x1D400] =	vst v63  }
0x1a3: {  	_ =	swait.ge [sflag:s10], $0x2800  }
0x1a4: {  	s9 =	sld [smem:$0x7FA]  }
0x1a5: {  	[sflag:s10] =	ssyncset.done $0x0  }
0x1a6: {  	[sflag:s10] =	ssyncadd.s32 $0xFFFFD800  }
0x1a7: {  	[tilespmem:s14], [sflag:$0x1] =	stream.indirect.gather [hbm4b:s2+s13], $0x80, s9, s13, $0xb8;
	[tilespmem:$0x1D400] =	vst v63  }
0x1a8: {  	_ =	swait.ge [sflag:s18], $0x2800  }
0x1a9: {  	s9 =	sld [smem:$0x7FB]  }
0x1aa: {  	[sflag:s18] =	ssyncset.done $0x0  }
0x1ab: {  	[sflag:s18] =	ssyncadd.s32 $0xFFFFD800  }
0x1ac: {  	[spmem:s3] =	stream.indirect.scatter.add.f32 [tilespmem:s15], [sflag:$0x4], $0x80, s9, s13, $0xb8;
	[tilespmem:$0x1D400] =	vst v63  }
0x1ad: {  	_ =	swait.ge [sflag:s10], $0x2800  }
0x1ae: {  	[sflag:s10] =	ssyncset.done $0x0  }
0x1af: {  	[sflag:s10] =	ssyncadd.s32 $0xFFFFD800  }
0x1b0: {  	[tilespmem:s15], [sflag:$0x2] =	stream.indirect.gather [hbm4b:s2+s13], $0x80, s20, s13, $0xb8;
	[tilespmem:$0x1D400] =	vst v63  }
0x1b1: {  	_ =	swait.ge [sflag:s19], $0x2800  }
0x1b2: {  	[sflag:s19] =	ssyncset.done $0x0  }
0x1b3: {  	[sflag:s19] =	ssyncadd.s32 $0xFFFFD800  }
0x1b4: {  	[spmem:s3] =	stream.indirect.scatter.add.f32 [tilespmem:s16], [sflag:$0x4], $0x80, s21, s13, $0xb8;
	[tilespmem:$0x1D400] =	vst v63  }
0x1b5: {  	_ =	swait.ge [sflag:s10], $0x2800  }
0x1b6: {  	[sflag:s10] =	ssyncset.done $0x0  }
0x1b7: {  	[sflag:s10] =	ssyncadd.s32 $0xFFFFD800  }
0x1b8: {  	[tilespmem:s16], [sflag:$0x3] =	stream.indirect.gather [hbm4b:s2+s13], $0x80, s22, s13, $0xb8;
	[tilespmem:$0x1D400] =	vst v63  }
0x1b9: {  	_ =	swait.ge [sflag:s17], $0x2800  }
0x1ba: {  	[sflag:s17] =	ssyncset.done $0x0  }
0x1bb: {  	[sflag:s17] =	ssyncadd.s32 $0xFFFFD800  }
0x1bc: {  	[spmem:s3] =	stream.indirect.scatter.add.f32 [tilespmem:s14], [sflag:$0x4], $0x80, s23, s13, $0xb8;
	[tilespmem:$0x1D400] =	vst v63  }
0x1bd: {  	_ =	swait.ge [sflag:s10], $0x2800  }
0x1be: {  	[sflag:s10] =	ssyncset.done $0x0  }
0x1bf: {  	[sflag:s10] =	ssyncadd.s32 $0xFFFFD800  }
0x1c0: {  	[tilespmem:s14], [sflag:$0x1] =	stream.indirect.gather [hbm4b:s2+s13], $0x80, s24, s13, $0xb8;
	[tilespmem:$0x1D400] =	vst v63  }
0x1c1: {  	_ =	swait.ge [sflag:s18], $0x2800  }
0x1c2: {  	[sflag:s18] =	ssyncset.done $0x0  }
0x1c3: {  	[sflag:s18] =	ssyncadd.s32 $0xFFFFD800  }
0x1c4: {  	[spmem:s3] =	stream.indirect.scatter.add.f32 [tilespmem:s15], [sflag:$0x4], $0x80, s25, s13, $0xb8;
	[tilespmem:$0x1D400] =	vst v63  }
0x1c5: {  	_ =	swait.ge [sflag:s10], $0x2800  }
0x1c6: {  	[sflag:s10] =	ssyncset.done $0x0  }
0x1c7: {  	[sflag:s10] =	ssyncadd.s32 $0xFFFFD800  }
0x1c8: {  	[tilespmem:s15], [sflag:$0x2] =	stream.indirect.gather [hbm4b:s2+s13], $0x80, s26, s13, $0xb8;
	[tilespmem:$0x1D400] =	vst v63  }
0x1c9: {  	_ =	swait.ge [sflag:s19], $0x2800  }
0x1ca: {  	[sflag:s19] =	ssyncset.done $0x0  }
0x1cb: {  	[sflag:s19] =	ssyncadd.s32 $0xFFFFD800  }
0x1cc: {  	[spmem:s3] =	stream.indirect.scatter.add.f32 [tilespmem:s16], [sflag:$0x4], $0x80, s28, s13, $0xb8;
	[tilespmem:$0x1D400] =	vst v63  }
0x1cd: {  	_ =	swait.ge [sflag:s10], $0x2800  }
0x1ce: {  	[sflag:s10] =	ssyncset.done $0x0  }
0x1cf: {  	[sflag:s10] =	ssyncadd.s32 $0xFFFFD800  }
0x1d0: {  	[tilespmem:s16], [sflag:$0x3] =	stream.indirect.gather [hbm4b:s2+s13], $0x80, s29, s13, $0xb8;
	[tilespmem:$0x1D400] =	vst v63  }
0x1d1: {  	_ =	swait.ge [sflag:s17], $0x2800  }
0x1d2: {  	[sflag:s17] =	ssyncset.done $0x0  }
0x1d3: {  	[sflag:s17] =	ssyncadd.s32 $0xFFFFD800  }
0x1d4: {  	[spmem:s3] =	stream.indirect.scatter.add.f32 [tilespmem:s14], [sflag:$0x4], $0x80, s30, s13, $0xb8;
	[tilespmem:$0x1D400] =	vst v63  }
0x1d5: {  	_ =	swait.ge [sflag:s10], $0x2800  }
0x1d6: {  	[sflag:s10] =	ssyncset.done $0x0  }
0x1d7: {  	[sflag:s10] =	ssyncadd.s32 $0xFFFFD800  }
0x1d8: {  	[tilespmem:s14], [sflag:$0x1] =	stream.indirect.gather [hbm4b:s2+s13], $0x80, s31, s13, $0xb8;
	[tilespmem:$0x1D400] =	vst v63  }
0x1d9: {  	_ =	swait.ge [sflag:s18], $0x2800  }
0x1da: {  	[sflag:s18] =	ssyncset.done $0x0  }
0x1db: {  	[sflag:s18] =	ssyncadd.s32 $0xFFFFD800  }
0x1dc: {  	[spmem:s3] =	stream.indirect.scatter.add.f32 [tilespmem:s15], [sflag:$0x4], $0x80, s1, s13, $0xb8;
	[tilespmem:$0x1D400] =	vst v63  }
0x1dd: {  	_ =	swait.ge [sflag:s10], $0x2800  }
0x1de: {  	[sflag:s10] =	ssyncset.done $0x0  }
0x1df: {  	[sflag:s10] =	ssyncadd.s32 $0xFFFFD800  }
0x1e0: {  	_ =	swait.ge [sflag:s19], $0x2800  }
0x1e1: {  	[sflag:s19] =	ssyncset.done $0x0  }
0x1e2: {  	[sflag:s19] =	ssyncadd.s32 $0xFFFFD800  }
0x1e3: {  	[spmem:s3] =	stream.indirect.scatter.add.f32 [tilespmem:s16], [sflag:$0x4], $0x80, s0, s13, $0xb8;
	[tilespmem:$0x1D400] =	vst v63  }
0x1e4: {  	_ =	swait.ge [sflag:s10], $0x2800  }
0x1e5: {  	[sflag:s10] =	ssyncset.done $0x0  }
0x1e6: {  	[sflag:s10] =	ssyncadd.s32 $0xFFFFD800  }
0x1e7: {  	p0 =	sne.s32 s6, $0x800;
	_ =	swait.ge [sflag:s17], $0x2800  }
.Ltmp0:
0x1e8: {  	[sflag:s17] =	ssyncset.done $0x0;
	(pc) =	sbr.rel @p0 .LBB2_2-.Ltmp0, $4  }
0x1e9: {  	[sflag:s17] =	ssyncadd.s32 $0xFFFFD800  }
0x1ea: {  	[spmem:s3] =	stream.indirect.scatter.add.f32 [tilespmem:s14], [sflag:$0x4], $0x80, s5, s13, $0xb8;
	[tilespmem:$0x1D400] =	vst v63  }
0x1eb: {  	_ =	swait.ge [sflag:s10], $0x2800  }
0x1ec: {  	s6 =	sadd.s32 $0x200, s6;
	s9 =	rddreg [dreg:$0x5];
	[sflag:s10] =	ssyncset.done $0x0  }
0x1ed: {  	[sflag:s10] =	ssyncadd.s32 $0xFFFFD800;
	s6 =	sadd.s32 s8, s9  }
0x1ee: {  	[tilespmem:s11], [sflag:$0x4] =	stream.linear.gather [hbm4b:s6+s4], $0xC80, $0x38;
	[tilespmem:$0x1D400] =	vst v63  }
0x1ef: {  	_ =	swait.ge [sflag:s10], $0xC80  }
0x1f0: {  	s7 =	rddreg [dreg:$0x4];
	[sflag:s10] =	ssyncset.done $0x0  }
0x1f1: {  	[sflag:s10] =	ssyncadd.s32 $0xFFFFF380;
	s6 =	sadd.s32 s8, s7  }
0x1f2: {  	[tilespmem:s12], [sflag:$0x4] =	stream.linear.gather [hbm4b:s6+s4], $0xC80, $0x38;
	[tilespmem:$0x1D400] =	vst v63  }
0x1f3: {  	_ =	swait.ge [sflag:s10], $0xC80  }
0x1f4: {  	[sflag:s10] =	ssyncset.done $0x0  }
0x1f5: {  	[sflag:s10] =	ssyncadd.s32 $0xFFFFF380  }
0x1f6: {  	[tilespmem:s14], [sflag:$0x1] =	stream.indirect.gather [hbm4b:s2+s13], $0x80, s11, s13, $0xb8;
	[tilespmem:$0x1D400] =	vst v63  }
0x1f7: {  	s9 =	rddreg [dreg:$0x6]  }
0x1f8: {  	[tilespmem:s15], [sflag:$0x2] =	stream.indirect.gather [hbm4b:s2+s13], $0x80, s9, s13, $0xb8;
	[tilespmem:$0x1D400] =	vst v63  }
0x1f9: {  	s7 =	rddreg [dreg:$0x7]  }
0x1fa: {  	[tilespmem:s16], [sflag:$0x3] =	stream.indirect.gather [hbm4b:s2+s13], $0x80, s7, s13, $0xb8;
	[tilespmem:$0x1D400] =	vst v63  }
0x1fb: {  	_ =	swait.ge [sflag:s17], $0x2800  }
0x1fc: {  	[sflag:s17] =	ssyncset.done $0x0  }
0x1fd: {  	[sflag:s17] =	ssyncadd.s32 $0xFFFFD800  }
0x1fe: {  	[spmem:s3] =	stream.indirect.scatter.add.f32 [tilespmem:s14], [sflag:$0x4], $0x80, s12, s13, $0xb8;
	[tilespmem:$0x1D400] =	vst v63  }
0x1ff: {  	_ =	swait.ge [sflag:s10], $0x2800  }
0x200: {  	[sflag:s10] =	ssyncset.done $0x0  }
0x201: {  	s7 =	rddreg [dreg:$0x8];
	[sflag:s10] =	ssyncadd.s32 $0xFFFFD800  }
0x202: {  	[tilespmem:s14], [sflag:$0x1] =	stream.indirect.gather [hbm4b:s2+s13], $0x80, s7, s13, $0xb8;
	[tilespmem:$0x1D400] =	vst v63  }
0x203: {  	_ =	swait.ge [sflag:s18], $0x2800  }
0x204: {  	[sflag:s18] =	ssyncset.done $0x0  }
0x205: {  	s8 =	rddreg [dreg:$0x9];
	[sflag:s18] =	ssyncadd.s32 $0xFFFFD800  }
0x206: {  	[spmem:s3] =	stream.indirect.scatter.add.f32 [tilespmem:s15], [sflag:$0x4], $0x80, s8, s13, $0xb8;
	[tilespmem:$0x1D400] =	vst v63  }
0x207: {  	_ =	swait.ge [sflag:s10], $0x2800  }
0x208: {  	[sflag:s10] =	ssyncset.done $0x0  }
0x209: {  	s9 =	rddreg [dreg:$0xa];
	[sflag:s10] =	ssyncadd.s32 $0xFFFFD800  }
0x20a: {  	[tilespmem:s15], [sflag:$0x2] =	stream.indirect.gather [hbm4b:s2+s13], $0x80, s9, s13, $0xb8;
	[tilespmem:$0x1D400] =	vst v63  }
0x20b: {  	_ =	swait.ge [sflag:s19], $0x2800  }
0x20c: {  	[sflag:s19] =	ssyncset.done $0x0  }
0x20d: {  	s7 =	rddreg [dreg:$0xb];
	[sflag:s19] =	ssyncadd.s32 $0xFFFFD800  }
0x20e: {  	[spmem:s3] =	stream.indirect.scatter.add.f32 [tilespmem:s16], [sflag:$0x4], $0x80, s7, s13, $0xb8;
	[tilespmem:$0x1D400] =	vst v63  }
0x20f: {  	_ =	swait.ge [sflag:s10], $0x2800  }
0x210: {  	[sflag:s10] =	ssyncset.done $0x0  }
0x211: {  	s8 =	rddreg [dreg:$0xc];
	[sflag:s10] =	ssyncadd.s32 $0xFFFFD800  }
0x212: {  	[tilespmem:s16], [sflag:$0x3] =	stream.indirect.gather [hbm4b:s2+s13], $0x80, s8, s13, $0xb8;
	[tilespmem:$0x1D400] =	vst v63  }
0x213: {  	_ =	swait.ge [sflag:s17], $0x2800  }
0x214: {  	[sflag:s17] =	ssyncset.done $0x0  }
0x215: {  	s9 =	rddreg [dreg:$0xd];
	[sflag:s17] =	ssyncadd.s32 $0xFFFFD800  }
0x216: {  	[spmem:s3] =	stream.indirect.scatter.add.f32 [tilespmem:s14], [sflag:$0x4], $0x80, s9, s13, $0xb8;
	[tilespmem:$0x1D400] =	vst v63  }
0x217: {  	_ =	swait.ge [sflag:s10], $0x2800  }
0x218: {  	[sflag:s10] =	ssyncset.done $0x0  }
0x219: {  	s7 =	rddreg [dreg:$0xe];
	[sflag:s10] =	ssyncadd.s32 $0xFFFFD800  }
0x21a: {  	[tilespmem:s14], [sflag:$0x1] =	stream.indirect.gather [hbm4b:s2+s13], $0x80, s7, s13, $0xb8;
	[tilespmem:$0x1D400] =	vst v63  }
0x21b: {  	_ =	swait.ge [sflag:s18], $0x2800  }
0x21c: {  	[sflag:s18] =	ssyncset.done $0x0  }
0x21d: {  	s8 =	rddreg [dreg:$0xf];
	[sflag:s18] =	ssyncadd.s32 $0xFFFFD800  }
0x21e: {  	[spmem:s3] =	stream.indirect.scatter.add.f32 [tilespmem:s15], [sflag:$0x4], $0x80, s8, s13, $0xb8;
	[tilespmem:$0x1D400] =	vst v63  }
0x21f: {  	_ =	swait.ge [sflag:s10], $0x2800  }
0x220: {  	[sflag:s10] =	ssyncset.done $0x0  }
0x221: {  	s9 =	rddreg [dreg:$0x10];
	[sflag:s10] =	ssyncadd.s32 $0xFFFFD800  }
0x222: {  	[tilespmem:s15], [sflag:$0x2] =	stream.indirect.gather [hbm4b:s2+s13], $0x80, s9, s13, $0xb8;
	[tilespmem:$0x1D400] =	vst v63  }
0x223: {  	_ =	swait.ge [sflag:s19], $0x2800  }
0x224: {  	[sflag:s19] =	ssyncset.done $0x0  }
0x225: {  	s7 =	rddreg [dreg:$0x11];
	[sflag:s19] =	ssyncadd.s32 $0xFFFFD800  }
0x226: {  	[spmem:s3] =	stream.indirect.scatter.add.f32 [tilespmem:s16], [sflag:$0x4], $0x80, s7, s13, $0xb8;
	[tilespmem:$0x1D400] =	vst v63  }
0x227: {  	_ =	swait.ge [sflag:s10], $0x2800  }
0x228: {  	[sflag:s10] =	ssyncset.done $0x0  }
0x229: {  	s8 =	rddreg [dreg:$0x12];
	[sflag:s10] =	ssyncadd.s32 $0xFFFFD800  }
0x22a: {  	[tilespmem:s16], [sflag:$0x3] =	stream.indirect.gather [hbm4b:s2+s13], $0x80, s8, s13, $0xb8;
	[tilespmem:$0x1D400] =	vst v63  }
0x22b: {  	_ =	swait.ge [sflag:s17], $0x2800  }
0x22c: {  	[sflag:s17] =	ssyncset.done $0x0  }
0x22d: {  	s9 =	rddreg [dreg:$0x13];
	[sflag:s17] =	ssyncadd.s32 $0xFFFFD800  }
0x22e: {  	[spmem:s3] =	stream.indirect.scatter.add.f32 [tilespmem:s14], [sflag:$0x4], $0x80, s9, s13, $0xb8;
	[tilespmem:$0x1D400] =	vst v63  }
0x22f: {  	_ =	swait.ge [sflag:s10], $0x2800  }
0x230: {  	[sflag:s10] =	ssyncset.done $0x0  }
0x231: {  	s7 =	rddreg [dreg:$0x14];
	[sflag:s10] =	ssyncadd.s32 $0xFFFFD800  }
0x232: {  	[tilespmem:s14], [sflag:$0x1] =	stream.indirect.gather [hbm4b:s2+s13], $0x80, s7, s13, $0xb8;
	[tilespmem:$0x1D400] =	vst v63  }
0x233: {  	_ =	swait.ge [sflag:s18], $0x2800  }
0x234: {  	[sflag:s18] =	ssyncset.done $0x0  }
0x235: {  	s8 =	rddreg [dreg:$0x15];
	[sflag:s18] =	ssyncadd.s32 $0xFFFFD800  }
0x236: {  	[spmem:s3] =	stream.indirect.scatter.add.f32 [tilespmem:s15], [sflag:$0x4], $0x80, s8, s13, $0xb8;
	[tilespmem:$0x1D400] =	vst v63  }
0x237: {  	_ =	swait.ge [sflag:s10], $0x2800  }
0x238: {  	[sflag:s10] =	ssyncset.done $0x0  }
0x239: {  	s9 =	rddreg [dreg:$0x16];
	[sflag:s10] =	ssyncadd.s32 $0xFFFFD800  }
0x23a: {  	[tilespmem:s15], [sflag:$0x2] =	stream.indirect.gather [hbm4b:s2+s13], $0x80, s9, s13, $0xb8;
	[tilespmem:$0x1D400] =	vst v63  }
0x23b: {  	_ =	swait.ge [sflag:s19], $0x2800  }
0x23c: {  	[sflag:s19] =	ssyncset.done $0x0  }
0x23d: {  	s7 =	rddreg [dreg:$0x17];
	[sflag:s19] =	ssyncadd.s32 $0xFFFFD800  }
0x23e: {  	[spmem:s3] =	stream.indirect.scatter.add.f32 [tilespmem:s16], [sflag:$0x4], $0x80, s7, s13, $0xb8;
	[tilespmem:$0x1D400] =	vst v63  }
0x23f: {  	_ =	swait.ge [sflag:s10], $0x2800  }
0x240: {  	[sflag:s10] =	ssyncset.done $0x0  }
0x241: {  	s8 =	rddreg [dreg:$0x18];
	[sflag:s10] =	ssyncadd.s32 $0xFFFFD800  }
0x242: {  	[tilespmem:s16], [sflag:$0x3] =	stream.indirect.gather [hbm4b:s2+s13], $0x80, s8, s13, $0xb8;
	[tilespmem:$0x1D400] =	vst v63  }
0x243: {  	_ =	swait.ge [sflag:s17], $0x2800  }
0x244: {  	[sflag:s17] =	ssyncset.done $0x0  }
0x245: {  	s9 =	rddreg [dreg:$0x19];
	[sflag:s17] =	ssyncadd.s32 $0xFFFFD800  }
0x246: {  	[spmem:s3] =	stream.indirect.scatter.add.f32 [tilespmem:s14], [sflag:$0x4], $0x80, s9, s13, $0xb8;
	[tilespmem:$0x1D400] =	vst v63  }
0x247: {  	_ =	swait.ge [sflag:s10], $0x2800  }
0x248: {  	[sflag:s10] =	ssyncset.done $0x0  }
0x249: {  	s7 =	rddreg [dreg:$0x1a];
	[sflag:s10] =	ssyncadd.s32 $0xFFFFD800  }
0x24a: {  	[tilespmem:s14], [sflag:$0x1] =	stream.indirect.gather [hbm4b:s2+s13], $0x80, s7, s13, $0xb8;
	[tilespmem:$0x1D400] =	vst v63  }
0x24b: {  	_ =	swait.ge [sflag:s18], $0x2800  }
0x24c: {  	[sflag:s18] =	ssyncset.done $0x0  }
0x24d: {  	s8 =	rddreg [dreg:$0x1b];
	[sflag:s18] =	ssyncadd.s32 $0xFFFFD800  }
0x24e: {  	[spmem:s3] =	stream.indirect.scatter.add.f32 [tilespmem:s15], [sflag:$0x4], $0x80, s8, s13, $0xb8;
	[tilespmem:$0x1D400] =	vst v63  }
0x24f: {  	_ =	swait.ge [sflag:s10], $0x2800  }
0x250: {  	[sflag:s10] =	ssyncset.done $0x0  }
0x251: {  	s9 =	rddreg [dreg:$0x1c];
	[sflag:s10] =	ssyncadd.s32 $0xFFFFD800  }
0x252: {  	[tilespmem:s15], [sflag:$0x2] =	stream.indirect.gather [hbm4b:s2+s13], $0x80, s9, s13, $0xb8;
	[tilespmem:$0x1D400] =	vst v63  }
0x253: {  	_ =	swait.ge [sflag:s19], $0x2800  }
0x254: {  	[sflag:s19] =	ssyncset.done $0x0  }
0x255: {  	s7 =	rddreg [dreg:$0x1d];
	[sflag:s19] =	ssyncadd.s32 $0xFFFFD800  }
0x256: {  	[spmem:s3] =	stream.indirect.scatter.add.f32 [tilespmem:s16], [sflag:$0x4], $0x80, s7, s13, $0xb8;
	[tilespmem:$0x1D400] =	vst v63  }
0x257: {  	_ =	swait.ge [sflag:s10], $0x2800  }
0x258: {  	[sflag:s10] =	ssyncset.done $0x0  }
0x259: {  	s8 =	rddreg [dreg:$0x1e];
	[sflag:s10] =	ssyncadd.s32 $0xFFFFD800  }
0x25a: {  	[tilespmem:s16], [sflag:$0x3] =	stream.indirect.gather [hbm4b:s2+s13], $0x80, s8, s13, $0xb8;
	[tilespmem:$0x1D400] =	vst v63  }
0x25b: {  	_ =	swait.ge [sflag:s17], $0x2800  }
0x25c: {  	[sflag:s17] =	ssyncset.done $0x0  }
0x25d: {  	s9 =	rddreg [dreg:$0x1f];
	[sflag:s17] =	ssyncadd.s32 $0xFFFFD800  }
0x25e: {  	[spmem:s3] =	stream.indirect.scatter.add.f32 [tilespmem:s14], [sflag:$0x4], $0x80, s9, s13, $0xb8;
	[tilespmem:$0x1D400] =	vst v63  }
0x25f: {  	_ =	swait.ge [sflag:s10], $0x2800  }
0x260: {  	s7 =	sld [smem:$0x7F4]  }
0x261: {  	[sflag:s10] =	ssyncset.done $0x0  }
0x262: {  	[sflag:s10] =	ssyncadd.s32 $0xFFFFD800  }
0x263: {  	[tilespmem:s14], [sflag:$0x1] =	stream.indirect.gather [hbm4b:s2+s13], $0x80, s7, s13, $0xb8;
	[tilespmem:$0x1D400] =	vst v63  }
0x264: {  	_ =	swait.ge [sflag:s18], $0x2800  }
0x265: {  	s8 =	sld [smem:$0x7F5]  }
0x266: {  	[sflag:s18] =	ssyncset.done $0x0  }
0x267: {  	[sflag:s18] =	ssyncadd.s32 $0xFFFFD800  }
0x268: {  	[spmem:s3] =	stream.indirect.scatter.add.f32 [tilespmem:s15], [sflag:$0x4], $0x80, s8, s13, $0xb8;
	[tilespmem:$0x1D400] =	vst v63  }
0x269: {  	_ =	swait.ge [sflag:s10], $0x2800  }
0x26a: {  	s9 =	sld [smem:$0x7F6]  }
0x26b: {  	[sflag:s10] =	ssyncset.done $0x0  }
0x26c: {  	[sflag:s10] =	ssyncadd.s32 $0xFFFFD800  }
0x26d: {  	[tilespmem:s15], [sflag:$0x2] =	stream.indirect.gather [hbm4b:s2+s13], $0x80, s9, s13, $0xb8;
	[tilespmem:$0x1D400] =	vst v63  }
0x26e: {  	_ =	swait.ge [sflag:s19], $0x2800  }
0x26f: {  	s7 =	sld [smem:$0x7F7]  }
0x270: {  	[sflag:s19] =	ssyncset.done $0x0  }
0x271: {  	[sflag:s19] =	ssyncadd.s32 $0xFFFFD800  }
0x272: {  	[spmem:s3] =	stream.indirect.scatter.add.f32 [tilespmem:s16], [sflag:$0x4], $0x80, s7, s13, $0xb8;
	[tilespmem:$0x1D400] =	vst v63  }
0x273: {  	_ =	swait.ge [sflag:s10], $0x2800  }
0x274: {  	s8 =	sld [smem:$0x7F8]  }
0x275: {  	[sflag:s10] =	ssyncset.done $0x0  }
0x276: {  	[sflag:s10] =	ssyncadd.s32 $0xFFFFD800  }
0x277: {  	[tilespmem:s16], [sflag:$0x3] =	stream.indirect.gather [hbm4b:s2+s13], $0x80, s8, s13, $0xb8;
	[tilespmem:$0x1D400] =	vst v63  }
0x278: {  	_ =	swait.ge [sflag:s17], $0x2800  }
0x279: {  	s9 =	sld [smem:$0x7F9]  }
0x27a: {  	[sflag:s17] =	ssyncset.done $0x0  }
0x27b: {  	[sflag:s17] =	ssyncadd.s32 $0xFFFFD800  }
0x27c: {  	[spmem:s3] =	stream.indirect.scatter.add.f32 [tilespmem:s14], [sflag:$0x4], $0x80, s9, s13, $0xb8;
	[tilespmem:$0x1D400] =	vst v63  }
0x27d: {  	_ =	swait.ge [sflag:s10], $0x2800  }
0x27e: {  	s7 =	sld [smem:$0x7FA]  }
0x27f: {  	[sflag:s10] =	ssyncset.done $0x0  }
0x280: {  	[sflag:s10] =	ssyncadd.s32 $0xFFFFD800  }
0x281: {  	[tilespmem:s14], [sflag:$0x1] =	stream.indirect.gather [hbm4b:s2+s13], $0x80, s7, s13, $0xb8;
	[tilespmem:$0x1D400] =	vst v63  }
0x282: {  	_ =	swait.ge [sflag:s18], $0x2800  }
0x283: {  	s8 =	sld [smem:$0x7FB]  }
0x284: {  	[sflag:s18] =	ssyncset.done $0x0  }
0x285: {  	[sflag:s18] =	ssyncadd.s32 $0xFFFFD800  }
0x286: {  	[spmem:s3] =	stream.indirect.scatter.add.f32 [tilespmem:s15], [sflag:$0x4], $0x80, s8, s13, $0xb8;
	[tilespmem:$0x1D400] =	vst v63  }
0x287: {  	_ =	swait.ge [sflag:s10], $0x2800  }
0x288: {  	[sflag:s10] =	ssyncset.done $0x0  }
0x289: {  	[sflag:s10] =	ssyncadd.s32 $0xFFFFD800  }
0x28a: {  	[tilespmem:s15], [sflag:$0x2] =	stream.indirect.gather [hbm4b:s2+s13], $0x80, s20, s13, $0xb8;
	[tilespmem:$0x1D400] =	vst v63  }
0x28b: {  	_ =	swait.ge [sflag:s19], $0x2800  }
0x28c: {  	[sflag:s19] =	ssyncset.done $0x0  }
0x28d: {  	[sflag:s19] =	ssyncadd.s32 $0xFFFFD800  }
0x28e: {  	[spmem:s3] =	stream.indirect.scatter.add.f32 [tilespmem:s16], [sflag:$0x4], $0x80, s21, s13, $0xb8;
	[tilespmem:$0x1D400] =	vst v63  }
0x28f: {  	_ =	swait.ge [sflag:s10], $0x2800  }
0x290: {  	[sflag:s10] =	ssyncset.done $0x0  }
0x291: {  	[sflag:s10] =	ssyncadd.s32 $0xFFFFD800  }
0x292: {  	[tilespmem:s16], [sflag:$0x3] =	stream.indirect.gather [hbm4b:s2+s13], $0x80, s22, s13, $0xb8;
	[tilespmem:$0x1D400] =	vst v63  }
0x293: {  	_ =	swait.ge [sflag:s17], $0x2800  }
0x294: {  	[sflag:s17] =	ssyncset.done $0x0  }
0x295: {  	[sflag:s17] =	ssyncadd.s32 $0xFFFFD800  }
0x296: {  	[spmem:s3] =	stream.indirect.scatter.add.f32 [tilespmem:s14], [sflag:$0x4], $0x80, s23, s13, $0xb8;
	[tilespmem:$0x1D400] =	vst v63  }
0x297: {  	_ =	swait.ge [sflag:s10], $0x2800  }
0x298: {  	[sflag:s10] =	ssyncset.done $0x0  }
0x299: {  	[sflag:s10] =	ssyncadd.s32 $0xFFFFD800  }
0x29a: {  	[tilespmem:s14], [sflag:$0x1] =	stream.indirect.gather [hbm4b:s2+s13], $0x80, s24, s13, $0xb8;
	[tilespmem:$0x1D400] =	vst v63  }
0x29b: {  	_ =	swait.ge [sflag:s18], $0x2800  }
0x29c: {  	[sflag:s18] =	ssyncset.done $0x0  }
0x29d: {  	[sflag:s18] =	ssyncadd.s32 $0xFFFFD800  }
0x29e: {  	[spmem:s3] =	stream.indirect.scatter.add.f32 [tilespmem:s15], [sflag:$0x4], $0x80, s25, s13, $0xb8;
	[tilespmem:$0x1D400] =	vst v63  }
0x29f: {  	_ =	swait.ge [sflag:s10], $0x2800  }
0x2a0: {  	[sflag:s10] =	ssyncset.done $0x0  }
0x2a1: {  	[sflag:s10] =	ssyncadd.s32 $0xFFFFD800  }
0x2a2: {  	[tilespmem:s15], [sflag:$0x2] =	stream.indirect.gather [hbm4b:s2+s13], $0x80, s26, s13, $0xb8;
	[tilespmem:$0x1D400] =	vst v63  }
0x2a3: {  	_ =	swait.ge [sflag:s19], $0x2800  }
0x2a4: {  	[sflag:s19] =	ssyncset.done $0x0  }
0x2a5: {  	[sflag:s19] =	ssyncadd.s32 $0xFFFFD800  }
0x2a6: {  	[spmem:s3] =	stream.indirect.scatter.add.f32 [tilespmem:s16], [sflag:$0x4], $0x80, s28, s13, $0xb8;
	[tilespmem:$0x1D400] =	vst v63  }
0x2a7: {  	_ =	swait.ge [sflag:s10], $0x2800  }
0x2a8: {  	[sflag:s10] =	ssyncset.done $0x0  }
0x2a9: {  	[sflag:s10] =	ssyncadd.s32 $0xFFFFD800  }
0x2aa: {  	[tilespmem:s16], [sflag:$0x3] =	stream.indirect.gather [hbm4b:s2+s13], $0x80, s29, s13, $0xb8;
	[tilespmem:$0x1D400] =	vst v63  }
0x2ab: {  	_ =	swait.ge [sflag:s17], $0x2800  }
0x2ac: {  	[sflag:s17] =	ssyncset.done $0x0  }
0x2ad: {  	[sflag:s17] =	ssyncadd.s32 $0xFFFFD800  }
0x2ae: {  	[spmem:s3] =	stream.indirect.scatter.add.f32 [tilespmem:s14], [sflag:$0x4], $0x80, s30, s13, $0xb8;
	[tilespmem:$0x1D400] =	vst v63  }
0x2af: {  	_ =	swait.ge [sflag:s10], $0x2800  }
0x2b0: {  	[sflag:s10] =	ssyncset.done $0x0  }
0x2b1: {  	[sflag:s10] =	ssyncadd.s32 $0xFFFFD800  }
0x2b2: {  	[tilespmem:s14], [sflag:$0x1] =	stream.indirect.gather [hbm4b:s2+s13], $0x80, s31, s13, $0xb8;
	[tilespmem:$0x1D400] =	vst v63  }
0x2b3: {  	_ =	swait.ge [sflag:s18], $0x2800  }
0x2b4: {  	[sflag:s18] =	ssyncset.done $0x0  }
0x2b5: {  	[sflag:s18] =	ssyncadd.s32 $0xFFFFD800  }
0x2b6: {  	[spmem:s3] =	stream.indirect.scatter.add.f32 [tilespmem:s15], [sflag:$0x4], $0x80, s1, s13, $0xb8;
	[tilespmem:$0x1D400] =	vst v63  }
0x2b7: {  	_ =	swait.ge [sflag:s10], $0x2800  }
0x2b8: {  	[sflag:s10] =	ssyncset.done $0x0  }
0x2b9: {  	[sflag:s10] =	ssyncadd.s32 $0xFFFFD800  }
0x2ba: {  	_ =	swait.ge [sflag:s19], $0x2800  }
0x2bb: {  	[sflag:s19] =	ssyncset.done $0x0  }
0x2bc: {  	[sflag:s19] =	ssyncadd.s32 $0xFFFFD800  }
0x2bd: {  	[spmem:s3] =	stream.indirect.scatter.add.f32 [tilespmem:s16], [sflag:$0x4], $0x80, s0, s13, $0xb8;
	[tilespmem:$0x1D400] =	vst v63  }
0x2be: {  	_ =	swait.ge [sflag:s10], $0x2800  }
0x2bf: {  	[sflag:s10] =	ssyncset.done $0x0  }
0x2c0: {  	[sflag:s10] =	ssyncadd.s32 $0xFFFFD800  }
0x2c1: {  	_ =	swait.ge [sflag:s17], $0x2800  }
0x2c2: {  	[sflag:s17] =	ssyncset.done $0x0  }
0x2c3: {  	[sflag:s17] =	ssyncadd.s32 $0xFFFFD800  }
0x2c4: {  	[spmem:s3] =	stream.indirect.scatter.add.f32 [tilespmem:s14], [sflag:$0x4], $0x80, s5, s13, $0xb8;
	[tilespmem:$0x1D400] =	vst v63  }
0x2c5: {  	_ =	swait.ge [sflag:s10], $0x2800  }
0x2c6: {  	[sflag:s10] =	ssyncset.done $0x0  }
0x2c7: {  	[sflag:s10] =	ssyncadd.s32 $0xFFFFD800  }
0x2c8: {  	[bflag:$0x0] =	sbarrier.arrive $0xFFFF  }
0x2c9: {  	s7 =	sld [smem:$0x7FC]  }
0x2ca: {  	s9 =	sld [smem:$0x7F2]  }
0x2cb: {  	s8 =	sld [smem:$0x7FD];
	_ =	sdelay $0x2  }
0x2cc: {  	[hbm:s9], [sflag:s7] =	dma.local [spmem:s8], $0x2780  }
0x2cd: {  	_ =	swait.ge [sflag:s10], $0x2780  }
0x2ce: {  	s6 =	sld [smem:$0x7F0];
	_ =	sdelay $0x2  }
0x2cf: {  	s9 =	sadd.s32 $0x1, s6;
	s6 =	sld [smem:$0x7F3];
	_ =	sdelay $0x2  }
0x2d0: {  	p0 =	sne.s32 s9, s6  }
.Ltmp1:
0x2d1: {  	_ = 	snop;
	(pc) =	sbr.rel @p0 .LBB2_1-.Ltmp1, $3  }
0x2d2: {  	_ =	sdelay $0x1  }
0x2d3: {  	[sflag:s10] =	ssyncset.done $0x0  }
0x2d4: {  	[sflag:s10] =	ssyncadd.s32 $0xFFFFD880  }
0x2d5: {  	_ =	sfence.sel $0x180000  }
0x2d6: {  	[bflag:$0x0] =	sbarrier.arrive $0xFFFF  }
0x2d7: {  	_ =	strace $0x90000047  }
0x2d8: {  	s0 =	stileid.u32;
	[bflag:$0x2] =	sbarrier.arrive $0xFFFF  }
0x2d9: {  	p0 =	sne.s32 s0, $0x0;
	s0 =	rddreg [dreg:$0x3]  }
0x2da: {  	s0 =	sadd.s32 @!p0 $0x100000, s0  }
0x2db: {  	[sflag:s0] =	ssyncadd.tile.s32 @!p0 $0x1;
	_ =	shalt  }
.Lfunc_end2:
_tile_overlayer_lowered:
.L_overlay_start_2:
0x2dc: {  	(tag) =	ssettag $0x2  }
0x2dd: {  	s0 =	rddreg [dreg:$0x0];
	s2 =	stileid.u32  }
0x2de: {  	s1 =	rddreg [dreg:$0x1];
	p0 =	sne.s32 s2, $0x0  }
0x2df: {  	s3 =	rddreg [dreg:$0x2];
	[bflag:$0x3] =	sbarrier.arrive $0xFFFF;
	s2 =	simm.s32 @!p0 $0x1C04  }
0x2e0: {  	[timem:s3], [sflag:s2] =	dma.local @!p0 [hbm:s0], s1  }
0x2e1: {  	s0 =	simm.s32 @!p0 $0x4  }
0x2e2: {  	_ =	swait.ge @!p0 [sflag:s0], s1  }
0x2e3: {  	s1 =	ssub.s32 @!p0 $0x0, s1;
	[sflag:s0] =	ssyncset.done @!p0 $0x0  }
0x2e4: {  	[sflag:s0] =	ssyncadd.s32 @!p0 s1  }
0x2e5: {  	[bflag:$0x3] =	sbarrier.arrive $0xFFFF  }
0x2e6: {  	_ =	shalt  }

</sc_bundles>
